<compile_context>
chip_gen: v7x
topology: tpu7x:2x2x1
jax: 0.10.2.dev20260603
libtpu: 0.0.44.dev20260713+nightly
codegen_flags: <defaults>
</compile_context>

<pallas_src>
import functools

import jax
import jax.numpy as jnp
from jax import lax
from jax.experimental import pallas as pl
from jax.experimental.pallas import tpu as pltpu
from jax.experimental.pallas import tpu_sc as plsc

N = 10000
E = 640000
NC = 2
NS = 16
NW = NC * NS
BLK = 128
N_PAD = 10112
STRIPE = N_PAD // NS

NBLK16 = 160
E_PAD16 = NW * NBLK16 * BLK
WBLK = 160
NWIN = 2
NBLK64 = NWIN * WBLK
E_PAD64 = NS * NBLK64 * BLK

R = 2000

_SC_PARAMS = pltpu.CompilerParams(use_tc_tiling_on_sc=False)


def _agg_loop(nblk, tbl, src_v, dst_v, bufs, acc, gsems, ssems):
  nb = len(bufs)

  def gref(j, b):
    return tbl.at[src_v.at[j]], bufs[b], gsems[b]

  for b in range(nb - 1):
    pltpu.async_copy(*gref(b, b))

  def body(i, carry):
    j0 = nb * i
    for b in range(nb):
      j = j0 + b
      pltpu.make_async_copy(*gref(j, b)).wait()
      pltpu.async_copy(bufs[b], acc.at[dst_v.at[j]], ssems[b], add=True)
      bn = (b + nb - 1) % nb

      @pl.when(j + nb - 1 < nblk)
      def _():
        @pl.when(j >= 1)
        def _():
          pltpu.make_async_copy(bufs[bn], acc.at[dst_v.at[0]],
                                ssems[bn]).wait()

        pltpu.async_copy(*gref(j + nb - 1, bn))
    return carry

  lax.fori_loop(0, nblk // nb, body, 0)
  for b in range(nb):
    pltpu.make_async_copy(bufs[b], acc.at[dst_v.at[0]], ssems[b]).wait()


def _make_agg64():
  mesh = plsc.VectorSubcoreMesh(core_axis_name="c", subcore_axis_name="s")
  out_type = jax.ShapeDtypeStruct((N_PAD, 128), jnp.float32)
  scratch = [
      pltpu.VMEM((WBLK, BLK), jnp.int32),
      pltpu.VMEM((WBLK, BLK), jnp.int32),
      [pltpu.VMEM((BLK, 64), jnp.float32)] * 4,
      pltpu.VMEM_SHARED((N_PAD, 64), jnp.float32),
      [pltpu.SemaphoreType.DMA] * 4,
      [pltpu.SemaphoreType.DMA] * 4,
  ]

  @functools.partial(pl.kernel, out_type=out_type, mesh=mesh,
                     scratch_types=scratch, compiler_params=_SC_PARAMS)
  def agg(tbl_hbm, src_hbm, dst_hbm, zeros_hbm, out_hbm,
          src_v, dst_v, bufs, acc, gsems, ssems):
    cid = lax.axis_index("c")
    sid = lax.axis_index("s")
    rows = pl.ds(sid * STRIPE, STRIPE)
    pltpu.sync_copy(zeros_hbm.at[rows, pl.ds(0, 64)], acc.at[rows])
    plsc.subcore_barrier()

    def win(w, carry):
      pltpu.sync_copy(src_hbm.at[cid, sid, pl.ds(w * WBLK, WBLK)], src_v)
      pltpu.sync_copy(dst_hbm.at[sid, pl.ds(w * WBLK, WBLK)], dst_v)
      _agg_loop(WBLK, tbl_hbm, src_v, dst_v, bufs, acc, gsems, ssems)
      return carry

    lax.fori_loop(0, NWIN, win, 0)
    plsc.subcore_barrier()
    pltpu.sync_copy(acc.at[rows], out_hbm.at[rows, pl.ds(cid * 64, 64)])

  return agg


def _make_agg16():
  mesh = plsc.VectorSubcoreMesh(core_axis_name="c", subcore_axis_name="s")
  out_type = jax.ShapeDtypeStruct((N_PAD, 128), jnp.float32)
  scratch = [
      pltpu.VMEM((NBLK16, BLK), jnp.int32),
      pltpu.VMEM((NBLK16, BLK), jnp.int32),
      [pltpu.VMEM((BLK, 16), jnp.float32)] * 8,
      pltpu.VMEM_SHARED((N_PAD, 16), jnp.float32),
      [pltpu.SemaphoreType.DMA] * 8,
      [pltpu.SemaphoreType.DMA] * 8,
  ]

  @functools.partial(pl.kernel, out_type=out_type, mesh=mesh,
                     scratch_types=scratch, compiler_params=_SC_PARAMS)
  def agg(tbl_hbm, src_hbm, dst_hbm, zeros_hbm, out_hbm,
          src_v, dst_v, bufs, acc, gsems, ssems):
    cid = lax.axis_index("c")
    sid = lax.axis_index("s")
    wid = sid * NC + cid
    rows = pl.ds(sid * STRIPE, STRIPE)
    pltpu.sync_copy(zeros_hbm.at[rows, pl.ds(0, 16)], acc.at[rows])
    pltpu.sync_copy(src_hbm.at[wid], src_v)
    pltpu.sync_copy(dst_hbm.at[wid], dst_v)
    plsc.subcore_barrier()
    _agg_loop(NBLK16, tbl_hbm, src_v, dst_v, bufs, acc, gsems, ssems)
    plsc.subcore_barrier()
    pltpu.sync_copy(acc.at[rows], out_hbm.at[rows, pl.ds(cid * 16, 16)])

  return agg


def _make_deg16():
  mesh = plsc.VectorSubcoreMesh(core_axis_name="c", subcore_axis_name="s")
  out_type = jax.ShapeDtypeStruct((N_PAD, 128), jnp.float32)
  scratch = [
      pltpu.VMEM((NBLK16, BLK), jnp.int32),
      pltpu.VMEM((BLK, 16), jnp.float32),
      pltpu.VMEM_SHARED((N_PAD, 16), jnp.float32),
      [pltpu.SemaphoreType.DMA] * 4,
  ]

  @functools.partial(pl.kernel, out_type=out_type, mesh=mesh,
                     scratch_types=scratch, compiler_params=_SC_PARAMS)
  def deg(ones_hbm, dst_hbm, zeros_hbm, out_hbm, dst_v, ones_v, acc, ssems):
    cid = lax.axis_index("c")
    sid = lax.axis_index("s")
    wid = sid * NC + cid
    rows = pl.ds(sid * STRIPE, STRIPE)
    pltpu.sync_copy(zeros_hbm.at[rows, pl.ds(0, 16)], acc.at[rows])
    pltpu.sync_copy(dst_hbm.at[wid], dst_v)
    pltpu.sync_copy(ones_hbm, ones_v)
    plsc.subcore_barrier()

    def body(i, carry):
      j0 = 4 * i
      for b in range(4):
        j = j0 + b

        @pl.when(j >= 4)
        def _():
          pltpu.make_async_copy(ones_v, acc.at[dst_v.at[0]],
                                ssems[b]).wait()

        pltpu.async_copy(ones_v, acc.at[dst_v.at[j]], ssems[b], add=True)
      return carry

    lax.fori_loop(0, NBLK16 // 4, body, 0)
    for b in range(4):
      pltpu.make_async_copy(ones_v, acc.at[dst_v.at[0]], ssems[b]).wait()
    plsc.subcore_barrier()
    pltpu.sync_copy(acc.at[rows], out_hbm.at[rows, pl.ds(cid * 16, 16)])

  return deg


_agg16 = _make_agg16()
_agg64 = _make_agg64()
_deg16 = _make_deg16()


def _row_spec(w):
  return pl.BlockSpec((R, w), lambda i: (i, 0))


def _full_spec(shape):
  return pl.BlockSpec(shape, lambda i: tuple(0 for _ in shape))


def _tc_first(dp, x, w1):
  k_in = x.shape[1]

  def body(dp_ref, x_ref, w_ref, dinv_ref, y_ref):
    deg = 1.0 + dp_ref[:, 0:1] + dp_ref[:, 16:17]
    dinv = lax.rsqrt(deg)
    dinv_ref[...] = dinv
    y_ref[...] = dinv * jnp.dot(x_ref[...], w_ref[...],
                                preferred_element_type=jnp.float32,
                                precision=lax.Precision.DEFAULT)

  return pl.pallas_call(
      body,
      grid=(N // R,),
      in_specs=[_row_spec(128), _row_spec(k_in), _full_spec((k_in, 128))],
      out_specs=[_row_spec(1), _row_spec(128)],
      out_shape=[jax.ShapeDtypeStruct((N, 1), jnp.float32),
                 jax.ShapeDtypeStruct((N, 128), jnp.float32)],
  )(dp, x, w1)


def _tc_mid(y, q, dinv, b, w_next):

  def body(y_ref, q_ref, dinv_ref, b_ref, w_ref, o_ref):
    dinv = dinv_ref[...]
    h = jnp.maximum(dinv * (y_ref[...] + q_ref[...]) + b_ref[...], 0.0)
    o_ref[...] = dinv * jnp.dot(h, w_ref[...],
                                preferred_element_type=jnp.float32,
                                precision=lax.Precision.DEFAULT)

  return pl.pallas_call(
      body,
      grid=(N // R,),
      in_specs=[_row_spec(128), _row_spec(128), _row_spec(1),
                _full_spec((1, 128)), _full_spec((128, 128))],
      out_specs=_row_spec(128),
      out_shape=jax.ShapeDtypeStruct((N, 128), jnp.float32),
  )(y, q, dinv, b, w_next)


def _tc_last(y, r, dinv, b):

  def body(y_ref, r_ref, dinv_ref, b_ref, o_ref):
    s = y_ref[:, 0:2] + r_ref[:, 0:2] + r_ref[:, 16:18]
    o_ref[...] = dinv_ref[...] * s + b_ref[...]

  return pl.pallas_call(
      body,
      grid=(N // R,),
      in_specs=[_row_spec(128), _row_spec(128), _row_spec(1),
                _full_spec((1, 2))],
      out_specs=_row_spec(2),
      out_shape=jax.ShapeDtypeStruct((N, 2), jnp.float32),
  )(y, r, dinv, b)


def kernel(x, edge_index, W1, b1, W2, b2, W3, b3):
  src = edge_index[0]
  dst = edge_index[1]

  p16 = E_PAD16 - E
  a16 = jnp.arange(p16, dtype=jnp.int32)
  src16 = (8 * jnp.concatenate([src, (a16 * 37) % N])).reshape(
      NW, NBLK16, BLK)
  dst16 = jnp.concatenate([dst, N + (a16 % (N_PAD - N))]).reshape(
      NW, NBLK16, BLK)

  p64 = E_PAD64 - E
  a64 = jnp.arange(p64, dtype=jnp.int32)
  srcf = 2 * jnp.concatenate([src, (a64 * 37) % N])
  src64 = jnp.stack([srcf, srcf + 1]).reshape(NC, NS, NBLK64, BLK)
  dst64 = jnp.concatenate([dst, N + (a64 % (N_PAD - N))]).reshape(
      NS, NBLK64, BLK)

  zeros = jnp.zeros((N_PAD, 64), jnp.float32)
  ones_blk = jnp.ones((BLK, 16), jnp.float32)

  dp = _deg16(ones_blk, dst16, zeros)
  dinv, y1 = _tc_first(dp, x, W1)

  q = _agg64(y1.reshape(2 * N, 64), src64, dst64, zeros)
  y2 = _tc_mid(y1, q, dinv, b1.reshape(1, 128), W2)

  q = _agg64(y2.reshape(2 * N, 64), src64, dst64, zeros)
  w3p = jnp.pad(W3, ((0, 0), (0, 128 - W3.shape[1])))
  y3 = _tc_mid(y2, q, dinv, b2.reshape(1, 128), w3p)

  r = _agg16(y3.reshape(8 * N, 16), src16, dst16, zeros)
  return _tc_last(y3, r, dinv, b3.reshape(1, 2))

# --- scband reference (transcript-rebuilt; emitter-appended) ---
"""Pipeline reference for scband-cwe121-83167746719744 (READ-ONLY COPY).

The authoritative reference and input builder live on the scoring server;
editing this copy changes nothing except your own understanding.
"""

import jax, jax.numpy as jnp
import numpy as np

N_NODES = 10000
N_EDGES = 640000
IN_CH = 116
HID = 128
OUT_CH = 2


def gcn_conv(x, edge_index, W, b):
    num_nodes = x.shape[0]
    loop = jnp.arange(num_nodes, dtype=edge_index.dtype)
    src = jnp.concatenate([edge_index[0], loop])
    dst = jnp.concatenate([edge_index[1], loop])
    ones = jnp.ones(src.shape[0], dtype=x.dtype)
    deg = jnp.zeros(num_nodes, dtype=x.dtype).at[dst].add(ones)
    deg_inv_sqrt = jnp.where(deg > 0, jax.lax.rsqrt(jnp.maximum(deg, 1e-12)), 0.0)
    norm = deg_inv_sqrt[src] * deg_inv_sqrt[dst]
    xw = x @ W
    msgs = jnp.take(xw, src, axis=0) * norm[:, None]
    out = jax.ops.segment_sum(msgs, dst, num_segments=num_nodes)
    return out + b


def setup_inputs(seed: int = 0) -> dict:
    key = jax.random.key(seed)
    ks = jax.random.split(key, 8)
    x = jax.random.normal(ks[0], (N_NODES, IN_CH), dtype=jnp.float32)
    edge_index = jax.random.randint(ks[1], (2, N_EDGES), 0, N_NODES, dtype=jnp.int32)
    W1 = jax.random.normal(ks[2], (IN_CH, HID), dtype=jnp.float32) * (1.0 / np.sqrt(IN_CH))
    b1 = jnp.zeros((HID,), dtype=jnp.float32)
    W2 = jax.random.normal(ks[3], (HID, HID), dtype=jnp.float32) * (1.0 / np.sqrt(HID))
    b2 = jnp.zeros((HID,), dtype=jnp.float32)
    W3 = jax.random.normal(ks[4], (HID, OUT_CH), dtype=jnp.float32) * (1.0 / np.sqrt(HID))
    b3 = jnp.zeros((OUT_CH,), dtype=jnp.float32)
    return {"x": x, "edge_index": edge_index, "W1": W1, "b1": b1, "W2": W2, "b2": b2, "W3": W3, "b3": b3}


def reference(x, edge_index, W1, b1, W2, b2, W3, b3):
    # torch_geometric.nn.models.GCN with num_layers=3, eval mode (dropout = identity)
    h = gcn_conv(x, edge_index, W1, b1)
    h = jax.nn.relu(h)
    h = gcn_conv(h, edge_index, W2, b2)
    h = jax.nn.relu(h)
    out = gcn_conv(h, edge_index, W3, b3)
    return out

if __name__ == "__main__":
    import jax
    _d = setup_inputs()
    print(jax.jit(kernel)(*tuple(_d.values())))

</pallas_src>

<mosaic_0001>
#map = affine_map<(d0, d1) -> (0, 0)>
#map1 = affine_map<(d0, d1) -> (0, 0, 0)>
module attributes {stable_mosaic.version = 14 : i64} {
  func.func @agg(%arg0: i32, %arg1: i32, %arg2: memref<80000x16xf32, #tpu.memory_space<hbm>>, %arg3: memref<32x160x128xi32, #tpu.memory_space<hbm>>, %arg4: memref<32x160x128xi32, #tpu.memory_space<hbm>>, %arg5: memref<10112x64xf32, #tpu.memory_space<hbm>>, %arg6: memref<10112x128xf32, #tpu.memory_space<hbm>>, %arg7: memref<160x128xi32, #tpu.memory_space<vmem>>, %arg8: memref<160x128xi32, #tpu.memory_space<vmem>>, %arg9: memref<128x16xf32, #tpu.memory_space<vmem>>, %arg10: memref<128x16xf32, #tpu.memory_space<vmem>>, %arg11: memref<128x16xf32, #tpu.memory_space<vmem>>, %arg12: memref<128x16xf32, #tpu.memory_space<vmem>>, %arg13: memref<128x16xf32, #tpu.memory_space<vmem>>, %arg14: memref<128x16xf32, #tpu.memory_space<vmem>>, %arg15: memref<128x16xf32, #tpu.memory_space<vmem>>, %arg16: memref<128x16xf32, #tpu.memory_space<vmem>>, %arg17: memref<10112x16xf32, #tpu.memory_space<vmem_shared>>, %arg18: memref<!tpu.dma_semaphore, #tpu.memory_space<semaphore_mem>>, %arg19: memref<!tpu.dma_semaphore, #tpu.memory_space<semaphore_mem>>, %arg20: memref<!tpu.dma_semaphore, #tpu.memory_space<semaphore_mem>>, %arg21: memref<!tpu.dma_semaphore, #tpu.memory_space<semaphore_mem>>, %arg22: memref<!tpu.dma_semaphore, #tpu.memory_space<semaphore_mem>>, %arg23: memref<!tpu.dma_semaphore, #tpu.memory_space<semaphore_mem>>, %arg24: memref<!tpu.dma_semaphore, #tpu.memory_space<semaphore_mem>>, %arg25: memref<!tpu.dma_semaphore, #tpu.memory_space<semaphore_mem>>, %arg26: memref<!tpu.dma_semaphore, #tpu.memory_space<semaphore_mem>>, %arg27: memref<!tpu.dma_semaphore, #tpu.memory_space<semaphore_mem>>, %arg28: memref<!tpu.dma_semaphore, #tpu.memory_space<semaphore_mem>>, %arg29: memref<!tpu.dma_semaphore, #tpu.memory_space<semaphore_mem>>, %arg30: memref<!tpu.dma_semaphore, #tpu.memory_space<semaphore_mem>>, %arg31: memref<!tpu.dma_semaphore, #tpu.memory_space<semaphore_mem>>, %arg32: memref<!tpu.dma_semaphore, #tpu.memory_space<semaphore_mem>>, %arg33: memref<!tpu.dma_semaphore, #tpu.memory_space<semaphore_mem>>) attributes {dimension_semantics = [#tpu.dimension_semantics<core_parallel>, #tpu.dimension_semantics<subcore_parallel>], iteration_bounds = array<i64: 2, 16>, scalar_prefetch = 0 : i64, scratch_operands = 27 : i64, tpu.core_type = #tpu.core_type<sc_vector_subcore>, window_params = [{transform_indices = #map}, {transform_indices = #map1}, {transform_indices = #map1}, {transform_indices = #map}, {transform_indices = #map}]} {
    %mul3A = arith.constant 2 : i32
    %mul3A_0 = arith.muli %arg1, %mul3A : i32
    %add3A = arith.addi %mul3A_0, %arg0 : i32
    %mul3A_1 = arith.constant 632 : i32
    %mul3A_2 = arith.muli %arg1, %mul3A_1 : i32
    "tpu.region"() ({
      %run_scoped3A = tpu.sem_alloc : memref<!tpu.dma_semaphore, #tpu.memory_space<semaphore_mem>>
      %dma_start3A_114 = arith.constant 0 : i32
      %dma_start3A_115 = tpu.memref_slice %arg17[%mul3A_2, %dma_start3A_114] : memref<10112x16xf32, #tpu.memory_space<vmem_shared>> -> memref<632x16xf32, #tpu.memory_space<vmem_shared>>
      %dma_start3A_116 = arith.constant 0 : i32
      %dma_start3A_117 = tpu.memref_slice %arg5[%mul3A_2, %dma_start3A_116] : memref<10112x64xf32, #tpu.memory_space<hbm>> -> memref<632x16xf32, #tpu.memory_space<hbm>>
      tpu.enqueue_dma source(%dma_start3A_117 : memref<632x16xf32, #tpu.memory_space<hbm>>) target(%dma_start3A_115 : memref<632x16xf32, #tpu.memory_space<vmem_shared>>) target_semaphore(%run_scoped3A : memref<!tpu.dma_semaphore, #tpu.memory_space<semaphore_mem>>)
      %dma_wait3A_118 = arith.constant 0 : i32
      %dma_wait3A_119 = tpu.memref_slice %arg17[%mul3A_2, %dma_wait3A_118] : memref<10112x16xf32, #tpu.memory_space<vmem_shared>> -> memref<632x16xf32, #tpu.memory_space<vmem_shared>>
      %dma_wait3A_120 = arith.constant 0 : i32
      %dma_wait3A_121 = tpu.memref_slice %arg5[%mul3A_2, %dma_wait3A_120] : memref<10112x64xf32, #tpu.memory_space<hbm>> -> memref<632x16xf32, #tpu.memory_space<hbm>>
      tpu.wait_dma2 semaphore(%run_scoped3A : memref<!tpu.dma_semaphore, #tpu.memory_space<semaphore_mem>>) src(%dma_wait3A_121 : memref<632x16xf32, #tpu.memory_space<hbm>>) dst(%dma_wait3A_119 : memref<632x16xf32, #tpu.memory_space<vmem_shared>>)
      tpu.yield
    }) : () -> ()
    "tpu.region"() ({
      %run_scoped3A = tpu.sem_alloc : memref<!tpu.dma_semaphore, #tpu.memory_space<semaphore_mem>>
      %dma_start3A_114 = arith.constant 0 : i32
      %dma_start3A_115 = arith.constant 0 : i32
      %dma_start3A_116 = tpu.memref_slice %arg3[%add3A, %dma_start3A_114, %dma_start3A_115] : memref<32x160x128xi32, #tpu.memory_space<hbm>> -> memref<1x160x128xi32, #tpu.memory_space<hbm>>
      %dma_start3A_117 = tpu.memref_squeeze %dma_start3A_116 : memref<1x160x128xi32, #tpu.memory_space<hbm>> -> memref<160x128xi32, #tpu.memory_space<hbm>>
      %dma_start3A_118 = arith.constant 0 : i32
      %dma_start3A_119 = arith.constant 0 : i32
      %dma_start3A_120 = tpu.memref_slice %arg3[%add3A, %dma_start3A_118, %dma_start3A_119] : memref<32x160x128xi32, #tpu.memory_space<hbm>> -> memref<1x160x128xi32, #tpu.memory_space<hbm>>
      %dma_start3A_121 = tpu.memref_squeeze %dma_start3A_120 : memref<1x160x128xi32, #tpu.memory_space<hbm>> -> memref<160x128xi32, #tpu.memory_space<hbm>>
      tpu.enqueue_dma source(%dma_start3A_121 : memref<160x128xi32, #tpu.memory_space<hbm>>) target(%arg7 : memref<160x128xi32, #tpu.memory_space<vmem>>) target_semaphore(%run_scoped3A : memref<!tpu.dma_semaphore, #tpu.memory_space<semaphore_mem>>)
      %dma_wait3A_122 = arith.constant 0 : i32
      %dma_wait3A_123 = arith.constant 0 : i32
      %dma_wait3A_124 = tpu.memref_slice %arg3[%add3A, %dma_wait3A_122, %dma_wait3A_123] : memref<32x160x128xi32, #tpu.memory_space<hbm>> -> memref<1x160x128xi32, #tpu.memory_space<hbm>>
      %dma_wait3A_125 = tpu.memref_squeeze %dma_wait3A_124 : memref<1x160x128xi32, #tpu.memory_space<hbm>> -> memref<160x128xi32, #tpu.memory_space<hbm>>
      %dma_wait3A_126 = arith.constant 0 : i32
      %dma_wait3A_127 = arith.constant 0 : i32
      %dma_wait3A_128 = tpu.memref_slice %arg3[%add3A, %dma_wait3A_126, %dma_wait3A_127] : memref<32x160x128xi32, #tpu.memory_space<hbm>> -> memref<1x160x128xi32, #tpu.memory_space<hbm>>
      %dma_wait3A_129 = tpu.memref_squeeze %dma_wait3A_128 : memref<1x160x128xi32, #tpu.memory_space<hbm>> -> memref<160x128xi32, #tpu.memory_space<hbm>>
      tpu.wait_dma2 semaphore(%run_scoped3A : memref<!tpu.dma_semaphore, #tpu.memory_space<semaphore_mem>>) src(%dma_wait3A_129 : memref<160x128xi32, #tpu.memory_space<hbm>>) dst(%arg7 : memref<160x128xi32, #tpu.memory_space<vmem>>)
      tpu.yield
    }) : () -> ()
    "tpu.region"() ({
      %run_scoped3A = tpu.sem_alloc : memref<!tpu.dma_semaphore, #tpu.memory_space<semaphore_mem>>
      %dma_start3A_114 = arith.constant 0 : i32
      %dma_start3A_115 = arith.constant 0 : i32
      %dma_start3A_116 = tpu.memref_slice %arg4[%add3A, %dma_start3A_114, %dma_start3A_115] : memref<32x160x128xi32, #tpu.memory_space<hbm>> -> memref<1x160x128xi32, #tpu.memory_space<hbm>>
      %dma_start3A_117 = tpu.memref_squeeze %dma_start3A_116 : memref<1x160x128xi32, #tpu.memory_space<hbm>> -> memref<160x128xi32, #tpu.memory_space<hbm>>
      %dma_start3A_118 = arith.constant 0 : i32
      %dma_start3A_119 = arith.constant 0 : i32
      %dma_start3A_120 = tpu.memref_slice %arg4[%add3A, %dma_start3A_118, %dma_start3A_119] : memref<32x160x128xi32, #tpu.memory_space<hbm>> -> memref<1x160x128xi32, #tpu.memory_space<hbm>>
      %dma_start3A_121 = tpu.memref_squeeze %dma_start3A_120 : memref<1x160x128xi32, #tpu.memory_space<hbm>> -> memref<160x128xi32, #tpu.memory_space<hbm>>
      tpu.enqueue_dma source(%dma_start3A_121 : memref<160x128xi32, #tpu.memory_space<hbm>>) target(%arg8 : memref<160x128xi32, #tpu.memory_space<vmem>>) target_semaphore(%run_scoped3A : memref<!tpu.dma_semaphore, #tpu.memory_space<semaphore_mem>>)
      %dma_wait3A_122 = arith.constant 0 : i32
      %dma_wait3A_123 = arith.constant 0 : i32
      %dma_wait3A_124 = tpu.memref_slice %arg4[%add3A, %dma_wait3A_122, %dma_wait3A_123] : memref<32x160x128xi32, #tpu.memory_space<hbm>> -> memref<1x160x128xi32, #tpu.memory_space<hbm>>
      %dma_wait3A_125 = tpu.memref_squeeze %dma_wait3A_124 : memref<1x160x128xi32, #tpu.memory_space<hbm>> -> memref<160x128xi32, #tpu.memory_space<hbm>>
      %dma_wait3A_126 = arith.constant 0 : i32
      %dma_wait3A_127 = arith.constant 0 : i32
      %dma_wait3A_128 = tpu.memref_slice %arg4[%add3A, %dma_wait3A_126, %dma_wait3A_127] : memref<32x160x128xi32, #tpu.memory_space<hbm>> -> memref<1x160x128xi32, #tpu.memory_space<hbm>>
      %dma_wait3A_129 = tpu.memref_squeeze %dma_wait3A_128 : memref<1x160x128xi32, #tpu.memory_space<hbm>> -> memref<160x128xi32, #tpu.memory_space<hbm>>
      tpu.wait_dma2 semaphore(%run_scoped3A : memref<!tpu.dma_semaphore, #tpu.memory_space<semaphore_mem>>) src(%dma_wait3A_129 : memref<160x128xi32, #tpu.memory_space<hbm>>) dst(%arg8 : memref<160x128xi32, #tpu.memory_space<vmem>>)
      tpu.yield
    }) : () -> ()
    %barrier3A = arith.constant 0 : index
    tpu.barrier barrier_id(%barrier3A)
    %dma_start3A = arith.constant 0 : i32
    %dma_start3A_3 = arith.constant 0 : i32
    %dma_start3A_4 = tpu.memref_slice %arg7[%dma_start3A, %dma_start3A_3] : memref<160x128xi32, #tpu.memory_space<vmem>> -> memref<1x128xi32, #tpu.memory_space<vmem>>
    %dma_start3A_5 = tpu.memref_squeeze %dma_start3A_4 : memref<1x128xi32, #tpu.memory_space<vmem>> -> memref<128xi32, #tpu.memory_space<vmem>>
    %dma_start3A_6 = arith.constant 0 : i32
    %dma_start3A_7 = arith.constant 0 : i32
    %dma_start3A_8 = tpu.memref_slice %arg2[%dma_start3A_6, %dma_start3A_7] : memref<80000x16xf32, #tpu.memory_space<hbm>> -> memref<80000x16xf32, #tpu.memory_space<hbm>>
    tpu.enqueue_indirect_dma source(%dma_start3A_8 : memref<80000x16xf32, #tpu.memory_space<hbm>>) target(%arg9 : memref<128x16xf32, #tpu.memory_space<vmem>>) offsets(%dma_start3A_5 : memref<128xi32, #tpu.memory_space<vmem>>) semaphore(%arg18 : memref<!tpu.dma_semaphore, #tpu.memory_space<semaphore_mem>>)
    %dma_start3A_9 = arith.constant 1 : i32
    %dma_start3A_10 = arith.constant 0 : i32
    %dma_start3A_11 = tpu.memref_slice %arg7[%dma_start3A_9, %dma_start3A_10] : memref<160x128xi32, #tpu.memory_space<vmem>> -> memref<1x128xi32, #tpu.memory_space<vmem>>
    %dma_start3A_12 = tpu.memref_squeeze %dma_start3A_11 : memref<1x128xi32, #tpu.memory_space<vmem>> -> memref<128xi32, #tpu.memory_space<vmem>>
    %dma_start3A_13 = arith.constant 0 : i32
    %dma_start3A_14 = arith.constant 0 : i32
    %dma_start3A_15 = tpu.memref_slice %arg2[%dma_start3A_13, %dma_start3A_14] : memref<80000x16xf32, #tpu.memory_space<hbm>> -> memref<80000x16xf32, #tpu.memory_space<hbm>>
    tpu.enqueue_indirect_dma source(%dma_start3A_15 : memref<80000x16xf32, #tpu.memory_space<hbm>>) target(%arg10 : memref<128x16xf32, #tpu.memory_space<vmem>>) offsets(%dma_start3A_12 : memref<128xi32, #tpu.memory_space<vmem>>) semaphore(%arg19 : memref<!tpu.dma_semaphore, #tpu.memory_space<semaphore_mem>>)
    %dma_start3A_16 = arith.constant 2 : i32
    %dma_start3A_17 = arith.constant 0 : i32
    %dma_start3A_18 = tpu.memref_slice %arg7[%dma_start3A_16, %dma_start3A_17] : memref<160x128xi32, #tpu.memory_space<vmem>> -> memref<1x128xi32, #tpu.memory_space<vmem>>
    %dma_start3A_19 = tpu.memref_squeeze %dma_start3A_18 : memref<1x128xi32, #tpu.memory_space<vmem>> -> memref<128xi32, #tpu.memory_space<vmem>>
    %dma_start3A_20 = arith.constant 0 : i32
    %dma_start3A_21 = arith.constant 0 : i32
    %dma_start3A_22 = tpu.memref_slice %arg2[%dma_start3A_20, %dma_start3A_21] : memref<80000x16xf32, #tpu.memory_space<hbm>> -> memref<80000x16xf32, #tpu.memory_space<hbm>>
    tpu.enqueue_indirect_dma source(%dma_start3A_22 : memref<80000x16xf32, #tpu.memory_space<hbm>>) target(%arg11 : memref<128x16xf32, #tpu.memory_space<vmem>>) offsets(%dma_start3A_19 : memref<128xi32, #tpu.memory_space<vmem>>) semaphore(%arg20 : memref<!tpu.dma_semaphore, #tpu.memory_space<semaphore_mem>>)
    %dma_start3A_23 = arith.constant 3 : i32
    %dma_start3A_24 = arith.constant 0 : i32
    %dma_start3A_25 = tpu.memref_slice %arg7[%dma_start3A_23, %dma_start3A_24] : memref<160x128xi32, #tpu.memory_space<vmem>> -> memref<1x128xi32, #tpu.memory_space<vmem>>
    %dma_start3A_26 = tpu.memref_squeeze %dma_start3A_25 : memref<1x128xi32, #tpu.memory_space<vmem>> -> memref<128xi32, #tpu.memory_space<vmem>>
    %dma_start3A_27 = arith.constant 0 : i32
    %dma_start3A_28 = arith.constant 0 : i32
    %dma_start3A_29 = tpu.memref_slice %arg2[%dma_start3A_27, %dma_start3A_28] : memref<80000x16xf32, #tpu.memory_space<hbm>> -> memref<80000x16xf32, #tpu.memory_space<hbm>>
    tpu.enqueue_indirect_dma source(%dma_start3A_29 : memref<80000x16xf32, #tpu.memory_space<hbm>>) target(%arg12 : memref<128x16xf32, #tpu.memory_space<vmem>>) offsets(%dma_start3A_26 : memref<128xi32, #tpu.memory_space<vmem>>) semaphore(%arg21 : memref<!tpu.dma_semaphore, #tpu.memory_space<semaphore_mem>>)
    %dma_start3A_30 = arith.constant 4 : i32
    %dma_start3A_31 = arith.constant 0 : i32
    %dma_start3A_32 = tpu.memref_slice %arg7[%dma_start3A_30, %dma_start3A_31] : memref<160x128xi32, #tpu.memory_space<vmem>> -> memref<1x128xi32, #tpu.memory_space<vmem>>
    %dma_start3A_33 = tpu.memref_squeeze %dma_start3A_32 : memref<1x128xi32, #tpu.memory_space<vmem>> -> memref<128xi32, #tpu.memory_space<vmem>>
    %dma_start3A_34 = arith.constant 0 : i32
    %dma_start3A_35 = arith.constant 0 : i32
    %dma_start3A_36 = tpu.memref_slice %arg2[%dma_start3A_34, %dma_start3A_35] : memref<80000x16xf32, #tpu.memory_space<hbm>> -> memref<80000x16xf32, #tpu.memory_space<hbm>>
    tpu.enqueue_indirect_dma source(%dma_start3A_36 : memref<80000x16xf32, #tpu.memory_space<hbm>>) target(%arg13 : memref<128x16xf32, #tpu.memory_space<vmem>>) offsets(%dma_start3A_33 : memref<128xi32, #tpu.memory_space<vmem>>) semaphore(%arg22 : memref<!tpu.dma_semaphore, #tpu.memory_space<semaphore_mem>>)
    %dma_start3A_37 = arith.constant 5 : i32
    %dma_start3A_38 = arith.constant 0 : i32
    %dma_start3A_39 = tpu.memref_slice %arg7[%dma_start3A_37, %dma_start3A_38] : memref<160x128xi32, #tpu.memory_space<vmem>> -> memref<1x128xi32, #tpu.memory_space<vmem>>
    %dma_start3A_40 = tpu.memref_squeeze %dma_start3A_39 : memref<1x128xi32, #tpu.memory_space<vmem>> -> memref<128xi32, #tpu.memory_space<vmem>>
    %dma_start3A_41 = arith.constant 0 : i32
    %dma_start3A_42 = arith.constant 0 : i32
    %dma_start3A_43 = tpu.memref_slice %arg2[%dma_start3A_41, %dma_start3A_42] : memref<80000x16xf32, #tpu.memory_space<hbm>> -> memref<80000x16xf32, #tpu.memory_space<hbm>>
    tpu.enqueue_indirect_dma source(%dma_start3A_43 : memref<80000x16xf32, #tpu.memory_space<hbm>>) target(%arg14 : memref<128x16xf32, #tpu.memory_space<vmem>>) offsets(%dma_start3A_40 : memref<128xi32, #tpu.memory_space<vmem>>) semaphore(%arg23 : memref<!tpu.dma_semaphore, #tpu.memory_space<semaphore_mem>>)
    %dma_start3A_44 = arith.constant 6 : i32
    %dma_start3A_45 = arith.constant 0 : i32
    %dma_start3A_46 = tpu.memref_slice %arg7[%dma_start3A_44, %dma_start3A_45] : memref<160x128xi32, #tpu.memory_space<vmem>> -> memref<1x128xi32, #tpu.memory_space<vmem>>
    %dma_start3A_47 = tpu.memref_squeeze %dma_start3A_46 : memref<1x128xi32, #tpu.memory_space<vmem>> -> memref<128xi32, #tpu.memory_space<vmem>>
    %dma_start3A_48 = arith.constant 0 : i32
    %dma_start3A_49 = arith.constant 0 : i32
    %dma_start3A_50 = tpu.memref_slice %arg2[%dma_start3A_48, %dma_start3A_49] : memref<80000x16xf32, #tpu.memory_space<hbm>> -> memref<80000x16xf32, #tpu.memory_space<hbm>>
    tpu.enqueue_indirect_dma source(%dma_start3A_50 : memref<80000x16xf32, #tpu.memory_space<hbm>>) target(%arg15 : memref<128x16xf32, #tpu.memory_space<vmem>>) offsets(%dma_start3A_47 : memref<128xi32, #tpu.memory_space<vmem>>) semaphore(%arg24 : memref<!tpu.dma_semaphore, #tpu.memory_space<semaphore_mem>>)
    %scan3A = arith.constant 0 : i32
    %scan3A_51 = arith.constant 0 : i32
    %scan3A_52 = arith.constant 20 : i32
    %scan3A_53 = arith.addi %scan3A_51, %scan3A_52 : i32
    %scan3A_54 = arith.constant 1 : i32
    scf.for %scan3A_114 = %scan3A_51 to %scan3A_53 step %scan3A_54  : i32 {
      %mul3A_115 = arith.constant 8 : i32
      %mul3A_116 = arith.muli %mul3A_115, %scan3A_114 : i32
      %add3A_117 = arith.constant 0 : i32
      %add3A_118 = arith.addi %mul3A_116, %add3A_117 : i32
      %dma_wait3A_119 = arith.constant 0 : i32
      %dma_wait3A_120 = tpu.memref_slice %arg7[%add3A_118, %dma_wait3A_119] : memref<160x128xi32, #tpu.memory_space<vmem>> -> memref<1x128xi32, #tpu.memory_space<vmem>>
      %dma_wait3A_121 = tpu.memref_squeeze %dma_wait3A_120 : memref<1x128xi32, #tpu.memory_space<vmem>> -> memref<128xi32, #tpu.memory_space<vmem>>
      %dma_wait3A_122 = arith.constant 0 : i32
      %dma_wait3A_123 = arith.constant 0 : i32
      %dma_wait3A_124 = tpu.memref_slice %arg2[%dma_wait3A_122, %dma_wait3A_123] : memref<80000x16xf32, #tpu.memory_space<hbm>> -> memref<80000x16xf32, #tpu.memory_space<hbm>>
      tpu.wait_indirect_dma semaphore(%arg18 : memref<!tpu.dma_semaphore, #tpu.memory_space<semaphore_mem>>) src(%dma_wait3A_124 : memref<80000x16xf32, #tpu.memory_space<hbm>>) dst(%arg9 : memref<128x16xf32, #tpu.memory_space<vmem>>)
      %dma_start3A_125 = arith.constant 0 : i32
      %dma_start3A_126 = tpu.memref_slice %arg8[%add3A_118, %dma_start3A_125] : memref<160x128xi32, #tpu.memory_space<vmem>> -> memref<1x128xi32, #tpu.memory_space<vmem>>
      %dma_start3A_127 = tpu.memref_squeeze %dma_start3A_126 : memref<1x128xi32, #tpu.memory_space<vmem>> -> memref<128xi32, #tpu.memory_space<vmem>>
      %dma_start3A_128 = arith.constant 0 : i32
      %dma_start3A_129 = arith.constant 0 : i32
      %dma_start3A_130 = tpu.memref_slice %arg17[%dma_start3A_128, %dma_start3A_129] : memref<10112x16xf32, #tpu.memory_space<vmem_shared>> -> memref<10112x16xf32, #tpu.memory_space<vmem_shared>>
      tpu.enqueue_indirect_dma source(%arg9 : memref<128x16xf32, #tpu.memory_space<vmem>>) target(%dma_start3A_130 : memref<10112x16xf32, #tpu.memory_space<vmem_shared>>) offsets(%dma_start3A_127 : memref<128xi32, #tpu.memory_space<vmem>>) semaphore(%arg26 : memref<!tpu.dma_semaphore, #tpu.memory_space<semaphore_mem>>) {add = true}
      %add3A_131 = arith.constant 8 : i32
      %add3A_132 = arith.addi %add3A_118, %add3A_131 : i32
      %sub3A = arith.constant 1 : i32
      %sub3A_133 = arith.subi %add3A_132, %sub3A : i32
      %lt3A = arith.constant 160 : i32
      %lt3A_134 = arith.cmpi slt, %sub3A_133, %lt3A : i32
      %convert_element_type3A = arith.extui %lt3A_134 : i1 to i32
      %cond3A = arith.constant 0 : i32
      %cond3A_135 = arith.cmpi ne, %convert_element_type3A, %cond3A : i32
      scf.if %cond3A_135 {
        %ge3A = arith.constant 1 : i32
        %ge3A_297 = arith.cmpi sge, %add3A_118, %ge3A : i32
        %convert_element_type3A_298 = arith.extui %ge3A_297 : i1 to i32
        %cond3A_299 = arith.constant 0 : i32
        %cond3A_300 = arith.cmpi ne, %convert_element_type3A_298, %cond3A_299 : i32
        scf.if %cond3A_300 {
          %dma_wait3A_311 = arith.constant 0 : i32
          %dma_wait3A_312 = arith.constant 0 : i32
          %dma_wait3A_313 = tpu.memref_slice %arg8[%dma_wait3A_311, %dma_wait3A_312] : memref<160x128xi32, #tpu.memory_space<vmem>> -> memref<1x128xi32, #tpu.memory_space<vmem>>
          %dma_wait3A_314 = tpu.memref_squeeze %dma_wait3A_313 : memref<1x128xi32, #tpu.memory_space<vmem>> -> memref<128xi32, #tpu.memory_space<vmem>>
          %dma_wait3A_315 = arith.constant 0 : i32
          %dma_wait3A_316 = arith.constant 0 : i32
          %dma_wait3A_317 = tpu.memref_slice %arg17[%dma_wait3A_315, %dma_wait3A_316] : memref<10112x16xf32, #tpu.memory_space<vmem_shared>> -> memref<10112x16xf32, #tpu.memory_space<vmem_shared>>
          tpu.wait_indirect_dma semaphore(%arg33 : memref<!tpu.dma_semaphore, #tpu.memory_space<semaphore_mem>>) src(%arg16 : memref<128x16xf32, #tpu.memory_space<vmem>>) dst(%dma_wait3A_317 : memref<10112x16xf32, #tpu.memory_space<vmem_shared>>)
        } else {
        }
        %add3A_301 = arith.constant 8 : i32
        %add3A_302 = arith.addi %add3A_118, %add3A_301 : i32
        %sub3A_303 = arith.constant 1 : i32
        %sub3A_304 = arith.subi %add3A_302, %sub3A_303 : i32
        %dma_start3A_305 = arith.constant 0 : i32
        %dma_start3A_306 = tpu.memref_slice %arg7[%sub3A_304, %dma_start3A_305] : memref<160x128xi32, #tpu.memory_space<vmem>> -> memref<1x128xi32, #tpu.memory_space<vmem>>
        %dma_start3A_307 = tpu.memref_squeeze %dma_start3A_306 : memref<1x128xi32, #tpu.memory_space<vmem>> -> memref<128xi32, #tpu.memory_space<vmem>>
        %dma_start3A_308 = arith.constant 0 : i32
        %dma_start3A_309 = arith.constant 0 : i32
        %dma_start3A_310 = tpu.memref_slice %arg2[%dma_start3A_308, %dma_start3A_309] : memref<80000x16xf32, #tpu.memory_space<hbm>> -> memref<80000x16xf32, #tpu.memory_space<hbm>>
        tpu.enqueue_indirect_dma source(%dma_start3A_310 : memref<80000x16xf32, #tpu.memory_space<hbm>>) target(%arg16 : memref<128x16xf32, #tpu.memory_space<vmem>>) offsets(%dma_start3A_307 : memref<128xi32, #tpu.memory_space<vmem>>) semaphore(%arg25 : memref<!tpu.dma_semaphore, #tpu.memory_space<semaphore_mem>>)
      } else {
      }
      %add3A_136 = arith.constant 1 : i32
      %add3A_137 = arith.addi %mul3A_116, %add3A_136 : i32
      %dma_wait3A_138 = arith.constant 0 : i32
      %dma_wait3A_139 = tpu.memref_slice %arg7[%add3A_137, %dma_wait3A_138] : memref<160x128xi32, #tpu.memory_space<vmem>> -> memref<1x128xi32, #tpu.memory_space<vmem>>
      %dma_wait3A_140 = tpu.memref_squeeze %dma_wait3A_139 : memref<1x128xi32, #tpu.memory_space<vmem>> -> memref<128xi32, #tpu.memory_space<vmem>>
      %dma_wait3A_141 = arith.constant 0 : i32
      %dma_wait3A_142 = arith.constant 0 : i32
      %dma_wait3A_143 = tpu.memref_slice %arg2[%dma_wait3A_141, %dma_wait3A_142] : memref<80000x16xf32, #tpu.memory_space<hbm>> -> memref<80000x16xf32, #tpu.memory_space<hbm>>
      tpu.wait_indirect_dma semaphore(%arg19 : memref<!tpu.dma_semaphore, #tpu.memory_space<semaphore_mem>>) src(%dma_wait3A_143 : memref<80000x16xf32, #tpu.memory_space<hbm>>) dst(%arg10 : memref<128x16xf32, #tpu.memory_space<vmem>>)
      %dma_start3A_144 = arith.constant 0 : i32
      %dma_start3A_145 = tpu.memref_slice %arg8[%add3A_137, %dma_start3A_144] : memref<160x128xi32, #tpu.memory_space<vmem>> -> memref<1x128xi32, #tpu.memory_space<vmem>>
      %dma_start3A_146 = tpu.memref_squeeze %dma_start3A_145 : memref<1x128xi32, #tpu.memory_space<vmem>> -> memref<128xi32, #tpu.memory_space<vmem>>
      %dma_start3A_147 = arith.constant 0 : i32
      %dma_start3A_148 = arith.constant 0 : i32
      %dma_start3A_149 = tpu.memref_slice %arg17[%dma_start3A_147, %dma_start3A_148] : memref<10112x16xf32, #tpu.memory_space<vmem_shared>> -> memref<10112x16xf32, #tpu.memory_space<vmem_shared>>
      tpu.enqueue_indirect_dma source(%arg10 : memref<128x16xf32, #tpu.memory_space<vmem>>) target(%dma_start3A_149 : memref<10112x16xf32, #tpu.memory_space<vmem_shared>>) offsets(%dma_start3A_146 : memref<128xi32, #tpu.memory_space<vmem>>) semaphore(%arg27 : memref<!tpu.dma_semaphore, #tpu.memory_space<semaphore_mem>>) {add = true}
      %add3A_150 = arith.constant 8 : i32
      %add3A_151 = arith.addi %add3A_137, %add3A_150 : i32
      %sub3A_152 = arith.constant 1 : i32
      %sub3A_153 = arith.subi %add3A_151, %sub3A_152 : i32
      %lt3A_154 = arith.constant 160 : i32
      %lt3A_155 = arith.cmpi slt, %sub3A_153, %lt3A_154 : i32
      %convert_element_type3A_156 = arith.extui %lt3A_155 : i1 to i32
      %cond3A_157 = arith.constant 0 : i32
      %cond3A_158 = arith.cmpi ne, %convert_element_type3A_156, %cond3A_157 : i32
      scf.if %cond3A_158 {
        %ge3A = arith.constant 1 : i32
        %ge3A_297 = arith.cmpi sge, %add3A_137, %ge3A : i32
        %convert_element_type3A_298 = arith.extui %ge3A_297 : i1 to i32
        %cond3A_299 = arith.constant 0 : i32
        %cond3A_300 = arith.cmpi ne, %convert_element_type3A_298, %cond3A_299 : i32
        scf.if %cond3A_300 {
          %dma_wait3A_311 = arith.constant 0 : i32
          %dma_wait3A_312 = arith.constant 0 : i32
          %dma_wait3A_313 = tpu.memref_slice %arg8[%dma_wait3A_311, %dma_wait3A_312] : memref<160x128xi32, #tpu.memory_space<vmem>> -> memref<1x128xi32, #tpu.memory_space<vmem>>
          %dma_wait3A_314 = tpu.memref_squeeze %dma_wait3A_313 : memref<1x128xi32, #tpu.memory_space<vmem>> -> memref<128xi32, #tpu.memory_space<vmem>>
          %dma_wait3A_315 = arith.constant 0 : i32
          %dma_wait3A_316 = arith.constant 0 : i32
          %dma_wait3A_317 = tpu.memref_slice %arg17[%dma_wait3A_315, %dma_wait3A_316] : memref<10112x16xf32, #tpu.memory_space<vmem_shared>> -> memref<10112x16xf32, #tpu.memory_space<vmem_shared>>
          tpu.wait_indirect_dma semaphore(%arg26 : memref<!tpu.dma_semaphore, #tpu.memory_space<semaphore_mem>>) src(%arg9 : memref<128x16xf32, #tpu.memory_space<vmem>>) dst(%dma_wait3A_317 : memref<10112x16xf32, #tpu.memory_space<vmem_shared>>)
        } else {
        }
        %add3A_301 = arith.constant 8 : i32
        %add3A_302 = arith.addi %add3A_137, %add3A_301 : i32
        %sub3A_303 = arith.constant 1 : i32
        %sub3A_304 = arith.subi %add3A_302, %sub3A_303 : i32
        %dma_start3A_305 = arith.constant 0 : i32
        %dma_start3A_306 = tpu.memref_slice %arg7[%sub3A_304, %dma_start3A_305] : memref<160x128xi32, #tpu.memory_space<vmem>> -> memref<1x128xi32, #tpu.memory_space<vmem>>
        %dma_start3A_307 = tpu.memref_squeeze %dma_start3A_306 : memref<1x128xi32, #tpu.memory_space<vmem>> -> memref<128xi32, #tpu.memory_space<vmem>>
        %dma_start3A_308 = arith.constant 0 : i32
        %dma_start3A_309 = arith.constant 0 : i32
        %dma_start3A_310 = tpu.memref_slice %arg2[%dma_start3A_308, %dma_start3A_309] : memref<80000x16xf32, #tpu.memory_space<hbm>> -> memref<80000x16xf32, #tpu.memory_space<hbm>>
        tpu.enqueue_indirect_dma source(%dma_start3A_310 : memref<80000x16xf32, #tpu.memory_space<hbm>>) target(%arg9 : memref<128x16xf32, #tpu.memory_space<vmem>>) offsets(%dma_start3A_307 : memref<128xi32, #tpu.memory_space<vmem>>) semaphore(%arg18 : memref<!tpu.dma_semaphore, #tpu.memory_space<semaphore_mem>>)
      } else {
      }
      %add3A_159 = arith.constant 2 : i32
      %add3A_160 = arith.addi %mul3A_116, %add3A_159 : i32
      %dma_wait3A_161 = arith.constant 0 : i32
      %dma_wait3A_162 = tpu.memref_slice %arg7[%add3A_160, %dma_wait3A_161] : memref<160x128xi32, #tpu.memory_space<vmem>> -> memref<1x128xi32, #tpu.memory_space<vmem>>
      %dma_wait3A_163 = tpu.memref_squeeze %dma_wait3A_162 : memref<1x128xi32, #tpu.memory_space<vmem>> -> memref<128xi32, #tpu.memory_space<vmem>>
      %dma_wait3A_164 = arith.constant 0 : i32
      %dma_wait3A_165 = arith.constant 0 : i32
      %dma_wait3A_166 = tpu.memref_slice %arg2[%dma_wait3A_164, %dma_wait3A_165] : memref<80000x16xf32, #tpu.memory_space<hbm>> -> memref<80000x16xf32, #tpu.memory_space<hbm>>
      tpu.wait_indirect_dma semaphore(%arg20 : memref<!tpu.dma_semaphore, #tpu.memory_space<semaphore_mem>>) src(%dma_wait3A_166 : memref<80000x16xf32, #tpu.memory_space<hbm>>) dst(%arg11 : memref<128x16xf32, #tpu.memory_space<vmem>>)
      %dma_start3A_167 = arith.constant 0 : i32
      %dma_start3A_168 = tpu.memref_slice %arg8[%add3A_160, %dma_start3A_167] : memref<160x128xi32, #tpu.memory_space<vmem>> -> memref<1x128xi32, #tpu.memory_space<vmem>>
      %dma_start3A_169 = tpu.memref_squeeze %dma_start3A_168 : memref<1x128xi32, #tpu.memory_space<vmem>> -> memref<128xi32, #tpu.memory_space<vmem>>
      %dma_start3A_170 = arith.constant 0 : i32
      %dma_start3A_171 = arith.constant 0 : i32
      %dma_start3A_172 = tpu.memref_slice %arg17[%dma_start3A_170, %dma_start3A_171] : memref<10112x16xf32, #tpu.memory_space<vmem_shared>> -> memref<10112x16xf32, #tpu.memory_space<vmem_shared>>
      tpu.enqueue_indirect_dma source(%arg11 : memref<128x16xf32, #tpu.memory_space<vmem>>) target(%dma_start3A_172 : memref<10112x16xf32, #tpu.memory_space<vmem_shared>>) offsets(%dma_start3A_169 : memref<128xi32, #tpu.memory_space<vmem>>) semaphore(%arg28 : memref<!tpu.dma_semaphore, #tpu.memory_space<semaphore_mem>>) {add = true}
      %add3A_173 = arith.constant 8 : i32
      %add3A_174 = arith.addi %add3A_160, %add3A_173 : i32
      %sub3A_175 = arith.constant 1 : i32
      %sub3A_176 = arith.subi %add3A_174, %sub3A_175 : i32
      %lt3A_177 = arith.constant 160 : i32
      %lt3A_178 = arith.cmpi slt, %sub3A_176, %lt3A_177 : i32
      %convert_element_type3A_179 = arith.extui %lt3A_178 : i1 to i32
      %cond3A_180 = arith.constant 0 : i32
      %cond3A_181 = arith.cmpi ne, %convert_element_type3A_179, %cond3A_180 : i32
      scf.if %cond3A_181 {
        %ge3A = arith.constant 1 : i32
        %ge3A_297 = arith.cmpi sge, %add3A_160, %ge3A : i32
        %convert_element_type3A_298 = arith.extui %ge3A_297 : i1 to i32
        %cond3A_299 = arith.constant 0 : i32
        %cond3A_300 = arith.cmpi ne, %convert_element_type3A_298, %cond3A_299 : i32
        scf.if %cond3A_300 {
          %dma_wait3A_311 = arith.constant 0 : i32
          %dma_wait3A_312 = arith.constant 0 : i32
          %dma_wait3A_313 = tpu.memref_slice %arg8[%dma_wait3A_311, %dma_wait3A_312] : memref<160x128xi32, #tpu.memory_space<vmem>> -> memref<1x128xi32, #tpu.memory_space<vmem>>
          %dma_wait3A_314 = tpu.memref_squeeze %dma_wait3A_313 : memref<1x128xi32, #tpu.memory_space<vmem>> -> memref<128xi32, #tpu.memory_space<vmem>>
          %dma_wait3A_315 = arith.constant 0 : i32
          %dma_wait3A_316 = arith.constant 0 : i32
          %dma_wait3A_317 = tpu.memref_slice %arg17[%dma_wait3A_315, %dma_wait3A_316] : memref<10112x16xf32, #tpu.memory_space<vmem_shared>> -> memref<10112x16xf32, #tpu.memory_space<vmem_shared>>
          tpu.wait_indirect_dma semaphore(%arg27 : memref<!tpu.dma_semaphore, #tpu.memory_space<semaphore_mem>>) src(%arg10 : memref<128x16xf32, #tpu.memory_space<vmem>>) dst(%dma_wait3A_317 : memref<10112x16xf32, #tpu.memory_space<vmem_shared>>)
        } else {
        }
        %add3A_301 = arith.constant 8 : i32
        %add3A_302 = arith.addi %add3A_160, %add3A_301 : i32
        %sub3A_303 = arith.constant 1 : i32
        %sub3A_304 = arith.subi %add3A_302, %sub3A_303 : i32
        %dma_start3A_305 = arith.constant 0 : i32
        %dma_start3A_306 = tpu.memref_slice %arg7[%sub3A_304, %dma_start3A_305] : memref<160x128xi32, #tpu.memory_space<vmem>> -> memref<1x128xi32, #tpu.memory_space<vmem>>
        %dma_start3A_307 = tpu.memref_squeeze %dma_start3A_306 : memref<1x128xi32, #tpu.memory_space<vmem>> -> memref<128xi32, #tpu.memory_space<vmem>>
        %dma_start3A_308 = arith.constant 0 : i32
        %dma_start3A_309 = arith.constant 0 : i32
        %dma_start3A_310 = tpu.memref_slice %arg2[%dma_start3A_308, %dma_start3A_309] : memref<80000x16xf32, #tpu.memory_space<hbm>> -> memref<80000x16xf32, #tpu.memory_space<hbm>>
        tpu.enqueue_indirect_dma source(%dma_start3A_310 : memref<80000x16xf32, #tpu.memory_space<hbm>>) target(%arg10 : memref<128x16xf32, #tpu.memory_space<vmem>>) offsets(%dma_start3A_307 : memref<128xi32, #tpu.memory_space<vmem>>) semaphore(%arg19 : memref<!tpu.dma_semaphore, #tpu.memory_space<semaphore_mem>>)
      } else {
      }
      %add3A_182 = arith.constant 3 : i32
      %add3A_183 = arith.addi %mul3A_116, %add3A_182 : i32
      %dma_wait3A_184 = arith.constant 0 : i32
      %dma_wait3A_185 = tpu.memref_slice %arg7[%add3A_183, %dma_wait3A_184] : memref<160x128xi32, #tpu.memory_space<vmem>> -> memref<1x128xi32, #tpu.memory_space<vmem>>
      %dma_wait3A_186 = tpu.memref_squeeze %dma_wait3A_185 : memref<1x128xi32, #tpu.memory_space<vmem>> -> memref<128xi32, #tpu.memory_space<vmem>>
      %dma_wait3A_187 = arith.constant 0 : i32
      %dma_wait3A_188 = arith.constant 0 : i32
      %dma_wait3A_189 = tpu.memref_slice %arg2[%dma_wait3A_187, %dma_wait3A_188] : memref<80000x16xf32, #tpu.memory_space<hbm>> -> memref<80000x16xf32, #tpu.memory_space<hbm>>
      tpu.wait_indirect_dma semaphore(%arg21 : memref<!tpu.dma_semaphore, #tpu.memory_space<semaphore_mem>>) src(%dma_wait3A_189 : memref<80000x16xf32, #tpu.memory_space<hbm>>) dst(%arg12 : memref<128x16xf32, #tpu.memory_space<vmem>>)
      %dma_start3A_190 = arith.constant 0 : i32
      %dma_start3A_191 = tpu.memref_slice %arg8[%add3A_183, %dma_start3A_190] : memref<160x128xi32, #tpu.memory_space<vmem>> -> memref<1x128xi32, #tpu.memory_space<vmem>>
      %dma_start3A_192 = tpu.memref_squeeze %dma_start3A_191 : memref<1x128xi32, #tpu.memory_space<vmem>> -> memref<128xi32, #tpu.memory_space<vmem>>
      %dma_start3A_193 = arith.constant 0 : i32
      %dma_start3A_194 = arith.constant 0 : i32
      %dma_start3A_195 = tpu.memref_slice %arg17[%dma_start3A_193, %dma_start3A_194] : memref<10112x16xf32, #tpu.memory_space<vmem_shared>> -> memref<10112x16xf32, #tpu.memory_space<vmem_shared>>
      tpu.enqueue_indirect_dma source(%arg12 : memref<128x16xf32, #tpu.memory_space<vmem>>) target(%dma_start3A_195 : memref<10112x16xf32, #tpu.memory_space<vmem_shared>>) offsets(%dma_start3A_192 : memref<128xi32, #tpu.memory_space<vmem>>) semaphore(%arg29 : memref<!tpu.dma_semaphore, #tpu.memory_space<semaphore_mem>>) {add = true}
      %add3A_196 = arith.constant 8 : i32
      %add3A_197 = arith.addi %add3A_183, %add3A_196 : i32
      %sub3A_198 = arith.constant 1 : i32
      %sub3A_199 = arith.subi %add3A_197, %sub3A_198 : i32
      %lt3A_200 = arith.constant 160 : i32
      %lt3A_201 = arith.cmpi slt, %sub3A_199, %lt3A_200 : i32
      %convert_element_type3A_202 = arith.extui %lt3A_201 : i1 to i32
      %cond3A_203 = arith.constant 0 : i32
      %cond3A_204 = arith.cmpi ne, %convert_element_type3A_202, %cond3A_203 : i32
      scf.if %cond3A_204 {
        %ge3A = arith.constant 1 : i32
        %ge3A_297 = arith.cmpi sge, %add3A_183, %ge3A : i32
        %convert_element_type3A_298 = arith.extui %ge3A_297 : i1 to i32
        %cond3A_299 = arith.constant 0 : i32
        %cond3A_300 = arith.cmpi ne, %convert_element_type3A_298, %cond3A_299 : i32
        scf.if %cond3A_300 {
          %dma_wait3A_311 = arith.constant 0 : i32
          %dma_wait3A_312 = arith.constant 0 : i32
          %dma_wait3A_313 = tpu.memref_slice %arg8[%dma_wait3A_311, %dma_wait3A_312] : memref<160x128xi32, #tpu.memory_space<vmem>> -> memref<1x128xi32, #tpu.memory_space<vmem>>
          %dma_wait3A_314 = tpu.memref_squeeze %dma_wait3A_313 : memref<1x128xi32, #tpu.memory_space<vmem>> -> memref<128xi32, #tpu.memory_space<vmem>>
          %dma_wait3A_315 = arith.constant 0 : i32
          %dma_wait3A_316 = arith.constant 0 : i32
          %dma_wait3A_317 = tpu.memref_slice %arg17[%dma_wait3A_315, %dma_wait3A_316] : memref<10112x16xf32, #tpu.memory_space<vmem_shared>> -> memref<10112x16xf32, #tpu.memory_space<vmem_shared>>
          tpu.wait_indirect_dma semaphore(%arg28 : memref<!tpu.dma_semaphore, #tpu.memory_space<semaphore_mem>>) src(%arg11 : memref<128x16xf32, #tpu.memory_space<vmem>>) dst(%dma_wait3A_317 : memref<10112x16xf32, #tpu.memory_space<vmem_shared>>)
        } else {
        }
        %add3A_301 = arith.constant 8 : i32
        %add3A_302 = arith.addi %add3A_183, %add3A_301 : i32
        %sub3A_303 = arith.constant 1 : i32
        %sub3A_304 = arith.subi %add3A_302, %sub3A_303 : i32
        %dma_start3A_305 = arith.constant 0 : i32
        %dma_start3A_306 = tpu.memref_slice %arg7[%sub3A_304, %dma_start3A_305] : memref<160x128xi32, #tpu.memory_space<vmem>> -> memref<1x128xi32, #tpu.memory_space<vmem>>
        %dma_start3A_307 = tpu.memref_squeeze %dma_start3A_306 : memref<1x128xi32, #tpu.memory_space<vmem>> -> memref<128xi32, #tpu.memory_space<vmem>>
        %dma_start3A_308 = arith.constant 0 : i32
        %dma_start3A_309 = arith.constant 0 : i32
        %dma_start3A_310 = tpu.memref_slice %arg2[%dma_start3A_308, %dma_start3A_309] : memref<80000x16xf32, #tpu.memory_space<hbm>> -> memref<80000x16xf32, #tpu.memory_space<hbm>>
        tpu.enqueue_indirect_dma source(%dma_start3A_310 : memref<80000x16xf32, #tpu.memory_space<hbm>>) target(%arg11 : memref<128x16xf32, #tpu.memory_space<vmem>>) offsets(%dma_start3A_307 : memref<128xi32, #tpu.memory_space<vmem>>) semaphore(%arg20 : memref<!tpu.dma_semaphore, #tpu.memory_space<semaphore_mem>>)
      } else {
      }
      %add3A_205 = arith.constant 4 : i32
      %add3A_206 = arith.addi %mul3A_116, %add3A_205 : i32
      %dma_wait3A_207 = arith.constant 0 : i32
      %dma_wait3A_208 = tpu.memref_slice %arg7[%add3A_206, %dma_wait3A_207] : memref<160x128xi32, #tpu.memory_space<vmem>> -> memref<1x128xi32, #tpu.memory_space<vmem>>
      %dma_wait3A_209 = tpu.memref_squeeze %dma_wait3A_208 : memref<1x128xi32, #tpu.memory_space<vmem>> -> memref<128xi32, #tpu.memory_space<vmem>>
      %dma_wait3A_210 = arith.constant 0 : i32
      %dma_wait3A_211 = arith.constant 0 : i32
      %dma_wait3A_212 = tpu.memref_slice %arg2[%dma_wait3A_210, %dma_wait3A_211] : memref<80000x16xf32, #tpu.memory_space<hbm>> -> memref<80000x16xf32, #tpu.memory_space<hbm>>
      tpu.wait_indirect_dma semaphore(%arg22 : memref<!tpu.dma_semaphore, #tpu.memory_space<semaphore_mem>>) src(%dma_wait3A_212 : memref<80000x16xf32, #tpu.memory_space<hbm>>) dst(%arg13 : memref<128x16xf32, #tpu.memory_space<vmem>>)
      %dma_start3A_213 = arith.constant 0 : i32
      %dma_start3A_214 = tpu.memref_slice %arg8[%add3A_206, %dma_start3A_213] : memref<160x128xi32, #tpu.memory_space<vmem>> -> memref<1x128xi32, #tpu.memory_space<vmem>>
      %dma_start3A_215 = tpu.memref_squeeze %dma_start3A_214 : memref<1x128xi32, #tpu.memory_space<vmem>> -> memref<128xi32, #tpu.memory_space<vmem>>
      %dma_start3A_216 = arith.constant 0 : i32
      %dma_start3A_217 = arith.constant 0 : i32
      %dma_start3A_218 = tpu.memref_slice %arg17[%dma_start3A_216, %dma_start3A_217] : memref<10112x16xf32, #tpu.memory_space<vmem_shared>> -> memref<10112x16xf32, #tpu.memory_space<vmem_shared>>
      tpu.enqueue_indirect_dma source(%arg13 : memref<128x16xf32, #tpu.memory_space<vmem>>) target(%dma_start3A_218 : memref<10112x16xf32, #tpu.memory_space<vmem_shared>>) offsets(%dma_start3A_215 : memref<128xi32, #tpu.memory_space<vmem>>) semaphore(%arg30 : memref<!tpu.dma_semaphore, #tpu.memory_space<semaphore_mem>>) {add = true}
      %add3A_219 = arith.constant 8 : i32
      %add3A_220 = arith.addi %add3A_206, %add3A_219 : i32
      %sub3A_221 = arith.constant 1 : i32
      %sub3A_222 = arith.subi %add3A_220, %sub3A_221 : i32
      %lt3A_223 = arith.constant 160 : i32
      %lt3A_224 = arith.cmpi slt, %sub3A_222, %lt3A_223 : i32
      %convert_element_type3A_225 = arith.extui %lt3A_224 : i1 to i32
      %cond3A_226 = arith.constant 0 : i32
      %cond3A_227 = arith.cmpi ne, %convert_element_type3A_225, %cond3A_226 : i32
      scf.if %cond3A_227 {
        %ge3A = arith.constant 1 : i32
        %ge3A_297 = arith.cmpi sge, %add3A_206, %ge3A : i32
        %convert_element_type3A_298 = arith.extui %ge3A_297 : i1 to i32
        %cond3A_299 = arith.constant 0 : i32
        %cond3A_300 = arith.cmpi ne, %convert_element_type3A_298, %cond3A_299 : i32
        scf.if %cond3A_300 {
          %dma_wait3A_311 = arith.constant 0 : i32
          %dma_wait3A_312 = arith.constant 0 : i32
          %dma_wait3A_313 = tpu.memref_slice %arg8[%dma_wait3A_311, %dma_wait3A_312] : memref<160x128xi32, #tpu.memory_space<vmem>> -> memref<1x128xi32, #tpu.memory_space<vmem>>
          %dma_wait3A_314 = tpu.memref_squeeze %dma_wait3A_313 : memref<1x128xi32, #tpu.memory_space<vmem>> -> memref<128xi32, #tpu.memory_space<vmem>>
          %dma_wait3A_315 = arith.constant 0 : i32
          %dma_wait3A_316 = arith.constant 0 : i32
          %dma_wait3A_317 = tpu.memref_slice %arg17[%dma_wait3A_315, %dma_wait3A_316] : memref<10112x16xf32, #tpu.memory_space<vmem_shared>> -> memref<10112x16xf32, #tpu.memory_space<vmem_shared>>
          tpu.wait_indirect_dma semaphore(%arg29 : memref<!tpu.dma_semaphore, #tpu.memory_space<semaphore_mem>>) src(%arg12 : memref<128x16xf32, #tpu.memory_space<vmem>>) dst(%dma_wait3A_317 : memref<10112x16xf32, #tpu.memory_space<vmem_shared>>)
        } else {
        }
        %add3A_301 = arith.constant 8 : i32
        %add3A_302 = arith.addi %add3A_206, %add3A_301 : i32
        %sub3A_303 = arith.constant 1 : i32
        %sub3A_304 = arith.subi %add3A_302, %sub3A_303 : i32
        %dma_start3A_305 = arith.constant 0 : i32
        %dma_start3A_306 = tpu.memref_slice %arg7[%sub3A_304, %dma_start3A_305] : memref<160x128xi32, #tpu.memory_space<vmem>> -> memref<1x128xi32, #tpu.memory_space<vmem>>
        %dma_start3A_307 = tpu.memref_squeeze %dma_start3A_306 : memref<1x128xi32, #tpu.memory_space<vmem>> -> memref<128xi32, #tpu.memory_space<vmem>>
        %dma_start3A_308 = arith.constant 0 : i32
        %dma_start3A_309 = arith.constant 0 : i32
        %dma_start3A_310 = tpu.memref_slice %arg2[%dma_start3A_308, %dma_start3A_309] : memref<80000x16xf32, #tpu.memory_space<hbm>> -> memref<80000x16xf32, #tpu.memory_space<hbm>>
        tpu.enqueue_indirect_dma source(%dma_start3A_310 : memref<80000x16xf32, #tpu.memory_space<hbm>>) target(%arg12 : memref<128x16xf32, #tpu.memory_space<vmem>>) offsets(%dma_start3A_307 : memref<128xi32, #tpu.memory_space<vmem>>) semaphore(%arg21 : memref<!tpu.dma_semaphore, #tpu.memory_space<semaphore_mem>>)
      } else {
      }
      %add3A_228 = arith.constant 5 : i32
      %add3A_229 = arith.addi %mul3A_116, %add3A_228 : i32
      %dma_wait3A_230 = arith.constant 0 : i32
      %dma_wait3A_231 = tpu.memref_slice %arg7[%add3A_229, %dma_wait3A_230] : memref<160x128xi32, #tpu.memory_space<vmem>> -> memref<1x128xi32, #tpu.memory_space<vmem>>
      %dma_wait3A_232 = tpu.memref_squeeze %dma_wait3A_231 : memref<1x128xi32, #tpu.memory_space<vmem>> -> memref<128xi32, #tpu.memory_space<vmem>>
      %dma_wait3A_233 = arith.constant 0 : i32
      %dma_wait3A_234 = arith.constant 0 : i32
      %dma_wait3A_235 = tpu.memref_slice %arg2[%dma_wait3A_233, %dma_wait3A_234] : memref<80000x16xf32, #tpu.memory_space<hbm>> -> memref<80000x16xf32, #tpu.memory_space<hbm>>
      tpu.wait_indirect_dma semaphore(%arg23 : memref<!tpu.dma_semaphore, #tpu.memory_space<semaphore_mem>>) src(%dma_wait3A_235 : memref<80000x16xf32, #tpu.memory_space<hbm>>) dst(%arg14 : memref<128x16xf32, #tpu.memory_space<vmem>>)
      %dma_start3A_236 = arith.constant 0 : i32
      %dma_start3A_237 = tpu.memref_slice %arg8[%add3A_229, %dma_start3A_236] : memref<160x128xi32, #tpu.memory_space<vmem>> -> memref<1x128xi32, #tpu.memory_space<vmem>>
      %dma_start3A_238 = tpu.memref_squeeze %dma_start3A_237 : memref<1x128xi32, #tpu.memory_space<vmem>> -> memref<128xi32, #tpu.memory_space<vmem>>
      %dma_start3A_239 = arith.constant 0 : i32
      %dma_start3A_240 = arith.constant 0 : i32
      %dma_start3A_241 = tpu.memref_slice %arg17[%dma_start3A_239, %dma_start3A_240] : memref<10112x16xf32, #tpu.memory_space<vmem_shared>> -> memref<10112x16xf32, #tpu.memory_space<vmem_shared>>
      tpu.enqueue_indirect_dma source(%arg14 : memref<128x16xf32, #tpu.memory_space<vmem>>) target(%dma_start3A_241 : memref<10112x16xf32, #tpu.memory_space<vmem_shared>>) offsets(%dma_start3A_238 : memref<128xi32, #tpu.memory_space<vmem>>) semaphore(%arg31 : memref<!tpu.dma_semaphore, #tpu.memory_space<semaphore_mem>>) {add = true}
      %add3A_242 = arith.constant 8 : i32
      %add3A_243 = arith.addi %add3A_229, %add3A_242 : i32
      %sub3A_244 = arith.constant 1 : i32
      %sub3A_245 = arith.subi %add3A_243, %sub3A_244 : i32
      %lt3A_246 = arith.constant 160 : i32
      %lt3A_247 = arith.cmpi slt, %sub3A_245, %lt3A_246 : i32
      %convert_element_type3A_248 = arith.extui %lt3A_247 : i1 to i32
      %cond3A_249 = arith.constant 0 : i32
      %cond3A_250 = arith.cmpi ne, %convert_element_type3A_248, %cond3A_249 : i32
      scf.if %cond3A_250 {
        %ge3A = arith.constant 1 : i32
        %ge3A_297 = arith.cmpi sge, %add3A_229, %ge3A : i32
        %convert_element_type3A_298 = arith.extui %ge3A_297 : i1 to i32
        %cond3A_299 = arith.constant 0 : i32
        %cond3A_300 = arith.cmpi ne, %convert_element_type3A_298, %cond3A_299 : i32
        scf.if %cond3A_300 {
          %dma_wait3A_311 = arith.constant 0 : i32
          %dma_wait3A_312 = arith.constant 0 : i32
          %dma_wait3A_313 = tpu.memref_slice %arg8[%dma_wait3A_311, %dma_wait3A_312] : memref<160x128xi32, #tpu.memory_space<vmem>> -> memref<1x128xi32, #tpu.memory_space<vmem>>
          %dma_wait3A_314 = tpu.memref_squeeze %dma_wait3A_313 : memref<1x128xi32, #tpu.memory_space<vmem>> -> memref<128xi32, #tpu.memory_space<vmem>>
          %dma_wait3A_315 = arith.constant 0 : i32
          %dma_wait3A_316 = arith.constant 0 : i32
          %dma_wait3A_317 = tpu.memref_slice %arg17[%dma_wait3A_315, %dma_wait3A_316] : memref<10112x16xf32, #tpu.memory_space<vmem_shared>> -> memref<10112x16xf32, #tpu.memory_space<vmem_shared>>
          tpu.wait_indirect_dma semaphore(%arg30 : memref<!tpu.dma_semaphore, #tpu.memory_space<semaphore_mem>>) src(%arg13 : memref<128x16xf32, #tpu.memory_space<vmem>>) dst(%dma_wait3A_317 : memref<10112x16xf32, #tpu.memory_space<vmem_shared>>)
        } else {
        }
        %add3A_301 = arith.constant 8 : i32
        %add3A_302 = arith.addi %add3A_229, %add3A_301 : i32
        %sub3A_303 = arith.constant 1 : i32
        %sub3A_304 = arith.subi %add3A_302, %sub3A_303 : i32
        %dma_start3A_305 = arith.constant 0 : i32
        %dma_start3A_306 = tpu.memref_slice %arg7[%sub3A_304, %dma_start3A_305] : memref<160x128xi32, #tpu.memory_space<vmem>> -> memref<1x128xi32, #tpu.memory_space<vmem>>
        %dma_start3A_307 = tpu.memref_squeeze %dma_start3A_306 : memref<1x128xi32, #tpu.memory_space<vmem>> -> memref<128xi32, #tpu.memory_space<vmem>>
        %dma_start3A_308 = arith.constant 0 : i32
        %dma_start3A_309 = arith.constant 0 : i32
        %dma_start3A_310 = tpu.memref_slice %arg2[%dma_start3A_308, %dma_start3A_309] : memref<80000x16xf32, #tpu.memory_space<hbm>> -> memref<80000x16xf32, #tpu.memory_space<hbm>>
        tpu.enqueue_indirect_dma source(%dma_start3A_310 : memref<80000x16xf32, #tpu.memory_space<hbm>>) target(%arg13 : memref<128x16xf32, #tpu.memory_space<vmem>>) offsets(%dma_start3A_307 : memref<128xi32, #tpu.memory_space<vmem>>) semaphore(%arg22 : memref<!tpu.dma_semaphore, #tpu.memory_space<semaphore_mem>>)
      } else {
      }
      %add3A_251 = arith.constant 6 : i32
      %add3A_252 = arith.addi %mul3A_116, %add3A_251 : i32
      %dma_wait3A_253 = arith.constant 0 : i32
      %dma_wait3A_254 = tpu.memref_slice %arg7[%add3A_252, %dma_wait3A_253] : memref<160x128xi32, #tpu.memory_space<vmem>> -> memref<1x128xi32, #tpu.memory_space<vmem>>
      %dma_wait3A_255 = tpu.memref_squeeze %dma_wait3A_254 : memref<1x128xi32, #tpu.memory_space<vmem>> -> memref<128xi32, #tpu.memory_space<vmem>>
      %dma_wait3A_256 = arith.constant 0 : i32
      %dma_wait3A_257 = arith.constant 0 : i32
      %dma_wait3A_258 = tpu.memref_slice %arg2[%dma_wait3A_256, %dma_wait3A_257] : memref<80000x16xf32, #tpu.memory_space<hbm>> -> memref<80000x16xf32, #tpu.memory_space<hbm>>
      tpu.wait_indirect_dma semaphore(%arg24 : memref<!tpu.dma_semaphore, #tpu.memory_space<semaphore_mem>>) src(%dma_wait3A_258 : memref<80000x16xf32, #tpu.memory_space<hbm>>) dst(%arg15 : memref<128x16xf32, #tpu.memory_space<vmem>>)
      %dma_start3A_259 = arith.constant 0 : i32
      %dma_start3A_260 = tpu.memref_slice %arg8[%add3A_252, %dma_start3A_259] : memref<160x128xi32, #tpu.memory_space<vmem>> -> memref<1x128xi32, #tpu.memory_space<vmem>>
      %dma_start3A_261 = tpu.memref_squeeze %dma_start3A_260 : memref<1x128xi32, #tpu.memory_space<vmem>> -> memref<128xi32, #tpu.memory_space<vmem>>
      %dma_start3A_262 = arith.constant 0 : i32
      %dma_start3A_263 = arith.constant 0 : i32
      %dma_start3A_264 = tpu.memref_slice %arg17[%dma_start3A_262, %dma_start3A_263] : memref<10112x16xf32, #tpu.memory_space<vmem_shared>> -> memref<10112x16xf32, #tpu.memory_space<vmem_shared>>
      tpu.enqueue_indirect_dma source(%arg15 : memref<128x16xf32, #tpu.memory_space<vmem>>) target(%dma_start3A_264 : memref<10112x16xf32, #tpu.memory_space<vmem_shared>>) offsets(%dma_start3A_261 : memref<128xi32, #tpu.memory_space<vmem>>) semaphore(%arg32 : memref<!tpu.dma_semaphore, #tpu.memory_space<semaphore_mem>>) {add = true}
      %add3A_265 = arith.constant 8 : i32
      %add3A_266 = arith.addi %add3A_252, %add3A_265 : i32
      %sub3A_267 = arith.constant 1 : i32
      %sub3A_268 = arith.subi %add3A_266, %sub3A_267 : i32
      %lt3A_269 = arith.constant 160 : i32
      %lt3A_270 = arith.cmpi slt, %sub3A_268, %lt3A_269 : i32
      %convert_element_type3A_271 = arith.extui %lt3A_270 : i1 to i32
      %cond3A_272 = arith.constant 0 : i32
      %cond3A_273 = arith.cmpi ne, %convert_element_type3A_271, %cond3A_272 : i32
      scf.if %cond3A_273 {
        %ge3A = arith.constant 1 : i32
        %ge3A_297 = arith.cmpi sge, %add3A_252, %ge3A : i32
        %convert_element_type3A_298 = arith.extui %ge3A_297 : i1 to i32
        %cond3A_299 = arith.constant 0 : i32
        %cond3A_300 = arith.cmpi ne, %convert_element_type3A_298, %cond3A_299 : i32
        scf.if %cond3A_300 {
          %dma_wait3A_311 = arith.constant 0 : i32
          %dma_wait3A_312 = arith.constant 0 : i32
          %dma_wait3A_313 = tpu.memref_slice %arg8[%dma_wait3A_311, %dma_wait3A_312] : memref<160x128xi32, #tpu.memory_space<vmem>> -> memref<1x128xi32, #tpu.memory_space<vmem>>
          %dma_wait3A_314 = tpu.memref_squeeze %dma_wait3A_313 : memref<1x128xi32, #tpu.memory_space<vmem>> -> memref<128xi32, #tpu.memory_space<vmem>>
          %dma_wait3A_315 = arith.constant 0 : i32
          %dma_wait3A_316 = arith.constant 0 : i32
          %dma_wait3A_317 = tpu.memref_slice %arg17[%dma_wait3A_315, %dma_wait3A_316] : memref<10112x16xf32, #tpu.memory_space<vmem_shared>> -> memref<10112x16xf32, #tpu.memory_space<vmem_shared>>
          tpu.wait_indirect_dma semaphore(%arg31 : memref<!tpu.dma_semaphore, #tpu.memory_space<semaphore_mem>>) src(%arg14 : memref<128x16xf32, #tpu.memory_space<vmem>>) dst(%dma_wait3A_317 : memref<10112x16xf32, #tpu.memory_space<vmem_shared>>)
        } else {
        }
        %add3A_301 = arith.constant 8 : i32
        %add3A_302 = arith.addi %add3A_252, %add3A_301 : i32
        %sub3A_303 = arith.constant 1 : i32
        %sub3A_304 = arith.subi %add3A_302, %sub3A_303 : i32
        %dma_start3A_305 = arith.constant 0 : i32
        %dma_start3A_306 = tpu.memref_slice %arg7[%sub3A_304, %dma_start3A_305] : memref<160x128xi32, #tpu.memory_space<vmem>> -> memref<1x128xi32, #tpu.memory_space<vmem>>
        %dma_start3A_307 = tpu.memref_squeeze %dma_start3A_306 : memref<1x128xi32, #tpu.memory_space<vmem>> -> memref<128xi32, #tpu.memory_space<vmem>>
        %dma_start3A_308 = arith.constant 0 : i32
        %dma_start3A_309 = arith.constant 0 : i32
        %dma_start3A_310 = tpu.memref_slice %arg2[%dma_start3A_308, %dma_start3A_309] : memref<80000x16xf32, #tpu.memory_space<hbm>> -> memref<80000x16xf32, #tpu.memory_space<hbm>>
        tpu.enqueue_indirect_dma source(%dma_start3A_310 : memref<80000x16xf32, #tpu.memory_space<hbm>>) target(%arg14 : memref<128x16xf32, #tpu.memory_space<vmem>>) offsets(%dma_start3A_307 : memref<128xi32, #tpu.memory_space<vmem>>) semaphore(%arg23 : memref<!tpu.dma_semaphore, #tpu.memory_space<semaphore_mem>>)
      } else {
      }
      %add3A_274 = arith.constant 7 : i32
      %add3A_275 = arith.addi %mul3A_116, %add3A_274 : i32
      %dma_wait3A_276 = arith.constant 0 : i32
      %dma_wait3A_277 = tpu.memref_slice %arg7[%add3A_275, %dma_wait3A_276] : memref<160x128xi32, #tpu.memory_space<vmem>> -> memref<1x128xi32, #tpu.memory_space<vmem>>
      %dma_wait3A_278 = tpu.memref_squeeze %dma_wait3A_277 : memref<1x128xi32, #tpu.memory_space<vmem>> -> memref<128xi32, #tpu.memory_space<vmem>>
      %dma_wait3A_279 = arith.constant 0 : i32
      %dma_wait3A_280 = arith.constant 0 : i32
      %dma_wait3A_281 = tpu.memref_slice %arg2[%dma_wait3A_279, %dma_wait3A_280] : memref<80000x16xf32, #tpu.memory_space<hbm>> -> memref<80000x16xf32, #tpu.memory_space<hbm>>
      tpu.wait_indirect_dma semaphore(%arg25 : memref<!tpu.dma_semaphore, #tpu.memory_space<semaphore_mem>>) src(%dma_wait3A_281 : memref<80000x16xf32, #tpu.memory_space<hbm>>) dst(%arg16 : memref<128x16xf32, #tpu.memory_space<vmem>>)
      %dma_start3A_282 = arith.constant 0 : i32
      %dma_start3A_283 = tpu.memref_slice %arg8[%add3A_275, %dma_start3A_282] : memref<160x128xi32, #tpu.memory_space<vmem>> -> memref<1x128xi32, #tpu.memory_space<vmem>>
      %dma_start3A_284 = tpu.memref_squeeze %dma_start3A_283 : memref<1x128xi32, #tpu.memory_space<vmem>> -> memref<128xi32, #tpu.memory_space<vmem>>
      %dma_start3A_285 = arith.constant 0 : i32
      %dma_start3A_286 = arith.constant 0 : i32
      %dma_start3A_287 = tpu.memref_slice %arg17[%dma_start3A_285, %dma_start3A_286] : memref<10112x16xf32, #tpu.memory_space<vmem_shared>> -> memref<10112x16xf32, #tpu.memory_space<vmem_shared>>
      tpu.enqueue_indirect_dma source(%arg16 : memref<128x16xf32, #tpu.memory_space<vmem>>) target(%dma_start3A_287 : memref<10112x16xf32, #tpu.memory_space<vmem_shared>>) offsets(%dma_start3A_284 : memref<128xi32, #tpu.memory_space<vmem>>) semaphore(%arg33 : memref<!tpu.dma_semaphore, #tpu.memory_space<semaphore_mem>>) {add = true}
      %add3A_288 = arith.constant 8 : i32
      %add3A_289 = arith.addi %add3A_275, %add3A_288 : i32
      %sub3A_290 = arith.constant 1 : i32
      %sub3A_291 = arith.subi %add3A_289, %sub3A_290 : i32
      %lt3A_292 = arith.constant 160 : i32
      %lt3A_293 = arith.cmpi slt, %sub3A_291, %lt3A_292 : i32
      %convert_element_type3A_294 = arith.extui %lt3A_293 : i1 to i32
      %cond3A_295 = arith.constant 0 : i32
      %cond3A_296 = arith.cmpi ne, %convert_element_type3A_294, %cond3A_295 : i32
      scf.if %cond3A_296 {
        %ge3A = arith.constant 1 : i32
        %ge3A_297 = arith.cmpi sge, %add3A_275, %ge3A : i32
        %convert_element_type3A_298 = arith.extui %ge3A_297 : i1 to i32
        %cond3A_299 = arith.constant 0 : i32
        %cond3A_300 = arith.cmpi ne, %convert_element_type3A_298, %cond3A_299 : i32
        scf.if %cond3A_300 {
          %dma_wait3A_311 = arith.constant 0 : i32
          %dma_wait3A_312 = arith.constant 0 : i32
          %dma_wait3A_313 = tpu.memref_slice %arg8[%dma_wait3A_311, %dma_wait3A_312] : memref<160x128xi32, #tpu.memory_space<vmem>> -> memref<1x128xi32, #tpu.memory_space<vmem>>
          %dma_wait3A_314 = tpu.memref_squeeze %dma_wait3A_313 : memref<1x128xi32, #tpu.memory_space<vmem>> -> memref<128xi32, #tpu.memory_space<vmem>>
          %dma_wait3A_315 = arith.constant 0 : i32
          %dma_wait3A_316 = arith.constant 0 : i32
          %dma_wait3A_317 = tpu.memref_slice %arg17[%dma_wait3A_315, %dma_wait3A_316] : memref<10112x16xf32, #tpu.memory_space<vmem_shared>> -> memref<10112x16xf32, #tpu.memory_space<vmem_shared>>
          tpu.wait_indirect_dma semaphore(%arg32 : memref<!tpu.dma_semaphore, #tpu.memory_space<semaphore_mem>>) src(%arg15 : memref<128x16xf32, #tpu.memory_space<vmem>>) dst(%dma_wait3A_317 : memref<10112x16xf32, #tpu.memory_space<vmem_shared>>)
        } else {
        }
        %add3A_301 = arith.constant 8 : i32
        %add3A_302 = arith.addi %add3A_275, %add3A_301 : i32
        %sub3A_303 = arith.constant 1 : i32
        %sub3A_304 = arith.subi %add3A_302, %sub3A_303 : i32
        %dma_start3A_305 = arith.constant 0 : i32
        %dma_start3A_306 = tpu.memref_slice %arg7[%sub3A_304, %dma_start3A_305] : memref<160x128xi32, #tpu.memory_space<vmem>> -> memref<1x128xi32, #tpu.memory_space<vmem>>
        %dma_start3A_307 = tpu.memref_squeeze %dma_start3A_306 : memref<1x128xi32, #tpu.memory_space<vmem>> -> memref<128xi32, #tpu.memory_space<vmem>>
        %dma_start3A_308 = arith.constant 0 : i32
        %dma_start3A_309 = arith.constant 0 : i32
        %dma_start3A_310 = tpu.memref_slice %arg2[%dma_start3A_308, %dma_start3A_309] : memref<80000x16xf32, #tpu.memory_space<hbm>> -> memref<80000x16xf32, #tpu.memory_space<hbm>>
        tpu.enqueue_indirect_dma source(%dma_start3A_310 : memref<80000x16xf32, #tpu.memory_space<hbm>>) target(%arg15 : memref<128x16xf32, #tpu.memory_space<vmem>>) offsets(%dma_start3A_307 : memref<128xi32, #tpu.memory_space<vmem>>) semaphore(%arg24 : memref<!tpu.dma_semaphore, #tpu.memory_space<semaphore_mem>>)
      } else {
      }
    }
    %scan3A_55 = arith.constant 20 : i32
    %dma_wait3A = arith.constant 0 : i32
    %dma_wait3A_56 = arith.constant 0 : i32
    %dma_wait3A_57 = tpu.memref_slice %arg8[%dma_wait3A, %dma_wait3A_56] : memref<160x128xi32, #tpu.memory_space<vmem>> -> memref<1x128xi32, #tpu.memory_space<vmem>>
    %dma_wait3A_58 = tpu.memref_squeeze %dma_wait3A_57 : memref<1x128xi32, #tpu.memory_space<vmem>> -> memref<128xi32, #tpu.memory_space<vmem>>
    %dma_wait3A_59 = arith.constant 0 : i32
    %dma_wait3A_60 = arith.constant 0 : i32
    %dma_wait3A_61 = tpu.memref_slice %arg17[%dma_wait3A_59, %dma_wait3A_60] : memref<10112x16xf32, #tpu.memory_space<vmem_shared>> -> memref<10112x16xf32, #tpu.memory_space<vmem_shared>>
    tpu.wait_indirect_dma semaphore(%arg26 : memref<!tpu.dma_semaphore, #tpu.memory_space<semaphore_mem>>) src(%arg9 : memref<128x16xf32, #tpu.memory_space<vmem>>) dst(%dma_wait3A_61 : memref<10112x16xf32, #tpu.memory_space<vmem_shared>>)
    %dma_wait3A_62 = arith.constant 0 : i32
    %dma_wait3A_63 = arith.constant 0 : i32
    %dma_wait3A_64 = tpu.memref_slice %arg8[%dma_wait3A_62, %dma_wait3A_63] : memref<160x128xi32, #tpu.memory_space<vmem>> -> memref<1x128xi32, #tpu.memory_space<vmem>>
    %dma_wait3A_65 = tpu.memref_squeeze %dma_wait3A_64 : memref<1x128xi32, #tpu.memory_space<vmem>> -> memref<128xi32, #tpu.memory_space<vmem>>
    %dma_wait3A_66 = arith.constant 0 : i32
    %dma_wait3A_67 = arith.constant 0 : i32
    %dma_wait3A_68 = tpu.memref_slice %arg17[%dma_wait3A_66, %dma_wait3A_67] : memref<10112x16xf32, #tpu.memory_space<vmem_shared>> -> memref<10112x16xf32, #tpu.memory_space<vmem_shared>>
    tpu.wait_indirect_dma semaphore(%arg27 : memref<!tpu.dma_semaphore, #tpu.memory_space<semaphore_mem>>) src(%arg10 : memref<128x16xf32, #tpu.memory_space<vmem>>) dst(%dma_wait3A_68 : memref<10112x16xf32, #tpu.memory_space<vmem_shared>>)
    %dma_wait3A_69 = arith.constant 0 : i32
    %dma_wait3A_70 = arith.constant 0 : i32
    %dma_wait3A_71 = tpu.memref_slice %arg8[%dma_wait3A_69, %dma_wait3A_70] : memref<160x128xi32, #tpu.memory_space<vmem>> -> memref<1x128xi32, #tpu.memory_space<vmem>>
    %dma_wait3A_72 = tpu.memref_squeeze %dma_wait3A_71 : memref<1x128xi32, #tpu.memory_space<vmem>> -> memref<128xi32, #tpu.memory_space<vmem>>
    %dma_wait3A_73 = arith.constant 0 : i32
    %dma_wait3A_74 = arith.constant 0 : i32
    %dma_wait3A_75 = tpu.memref_slice %arg17[%dma_wait3A_73, %dma_wait3A_74] : memref<10112x16xf32, #tpu.memory_space<vmem_shared>> -> memref<10112x16xf32, #tpu.memory_space<vmem_shared>>
    tpu.wait_indirect_dma semaphore(%arg28 : memref<!tpu.dma_semaphore, #tpu.memory_space<semaphore_mem>>) src(%arg11 : memref<128x16xf32, #tpu.memory_space<vmem>>) dst(%dma_wait3A_75 : memref<10112x16xf32, #tpu.memory_space<vmem_shared>>)
    %dma_wait3A_76 = arith.constant 0 : i32
    %dma_wait3A_77 = arith.constant 0 : i32
    %dma_wait3A_78 = tpu.memref_slice %arg8[%dma_wait3A_76, %dma_wait3A_77] : memref<160x128xi32, #tpu.memory_space<vmem>> -> memref<1x128xi32, #tpu.memory_space<vmem>>
    %dma_wait3A_79 = tpu.memref_squeeze %dma_wait3A_78 : memref<1x128xi32, #tpu.memory_space<vmem>> -> memref<128xi32, #tpu.memory_space<vmem>>
    %dma_wait3A_80 = arith.constant 0 : i32
    %dma_wait3A_81 = arith.constant 0 : i32
    %dma_wait3A_82 = tpu.memref_slice %arg17[%dma_wait3A_80, %dma_wait3A_81] : memref<10112x16xf32, #tpu.memory_space<vmem_shared>> -> memref<10112x16xf32, #tpu.memory_space<vmem_shared>>
    tpu.wait_indirect_dma semaphore(%arg29 : memref<!tpu.dma_semaphore, #tpu.memory_space<semaphore_mem>>) src(%arg12 : memref<128x16xf32, #tpu.memory_space<vmem>>) dst(%dma_wait3A_82 : memref<10112x16xf32, #tpu.memory_space<vmem_shared>>)
    %dma_wait3A_83 = arith.constant 0 : i32
    %dma_wait3A_84 = arith.constant 0 : i32
    %dma_wait3A_85 = tpu.memref_slice %arg8[%dma_wait3A_83, %dma_wait3A_84] : memref<160x128xi32, #tpu.memory_space<vmem>> -> memref<1x128xi32, #tpu.memory_space<vmem>>
    %dma_wait3A_86 = tpu.memref_squeeze %dma_wait3A_85 : memref<1x128xi32, #tpu.memory_space<vmem>> -> memref<128xi32, #tpu.memory_space<vmem>>
    %dma_wait3A_87 = arith.constant 0 : i32
    %dma_wait3A_88 = arith.constant 0 : i32
    %dma_wait3A_89 = tpu.memref_slice %arg17[%dma_wait3A_87, %dma_wait3A_88] : memref<10112x16xf32, #tpu.memory_space<vmem_shared>> -> memref<10112x16xf32, #tpu.memory_space<vmem_shared>>
    tpu.wait_indirect_dma semaphore(%arg30 : memref<!tpu.dma_semaphore, #tpu.memory_space<semaphore_mem>>) src(%arg13 : memref<128x16xf32, #tpu.memory_space<vmem>>) dst(%dma_wait3A_89 : memref<10112x16xf32, #tpu.memory_space<vmem_shared>>)
    %dma_wait3A_90 = arith.constant 0 : i32
    %dma_wait3A_91 = arith.constant 0 : i32
    %dma_wait3A_92 = tpu.memref_slice %arg8[%dma_wait3A_90, %dma_wait3A_91] : memref<160x128xi32, #tpu.memory_space<vmem>> -> memref<1x128xi32, #tpu.memory_space<vmem>>
    %dma_wait3A_93 = tpu.memref_squeeze %dma_wait3A_92 : memref<1x128xi32, #tpu.memory_space<vmem>> -> memref<128xi32, #tpu.memory_space<vmem>>
    %dma_wait3A_94 = arith.constant 0 : i32
    %dma_wait3A_95 = arith.constant 0 : i32
    %dma_wait3A_96 = tpu.memref_slice %arg17[%dma_wait3A_94, %dma_wait3A_95] : memref<10112x16xf32, #tpu.memory_space<vmem_shared>> -> memref<10112x16xf32, #tpu.memory_space<vmem_shared>>
    tpu.wait_indirect_dma semaphore(%arg31 : memref<!tpu.dma_semaphore, #tpu.memory_space<semaphore_mem>>) src(%arg14 : memref<128x16xf32, #tpu.memory_space<vmem>>) dst(%dma_wait3A_96 : memref<10112x16xf32, #tpu.memory_space<vmem_shared>>)
    %dma_wait3A_97 = arith.constant 0 : i32
    %dma_wait3A_98 = arith.constant 0 : i32
    %dma_wait3A_99 = tpu.memref_slice %arg8[%dma_wait3A_97, %dma_wait3A_98] : memref<160x128xi32, #tpu.memory_space<vmem>> -> memref<1x128xi32, #tpu.memory_space<vmem>>
    %dma_wait3A_100 = tpu.memref_squeeze %dma_wait3A_99 : memref<1x128xi32, #tpu.memory_space<vmem>> -> memref<128xi32, #tpu.memory_space<vmem>>
    %dma_wait3A_101 = arith.constant 0 : i32
    %dma_wait3A_102 = arith.constant 0 : i32
    %dma_wait3A_103 = tpu.memref_slice %arg17[%dma_wait3A_101, %dma_wait3A_102] : memref<10112x16xf32, #tpu.memory_space<vmem_shared>> -> memref<10112x16xf32, #tpu.memory_space<vmem_shared>>
    tpu.wait_indirect_dma semaphore(%arg32 : memref<!tpu.dma_semaphore, #tpu.memory_space<semaphore_mem>>) src(%arg15 : memref<128x16xf32, #tpu.memory_space<vmem>>) dst(%dma_wait3A_103 : memref<10112x16xf32, #tpu.memory_space<vmem_shared>>)
    %dma_wait3A_104 = arith.constant 0 : i32
    %dma_wait3A_105 = arith.constant 0 : i32
    %dma_wait3A_106 = tpu.memref_slice %arg8[%dma_wait3A_104, %dma_wait3A_105] : memref<160x128xi32, #tpu.memory_space<vmem>> -> memref<1x128xi32, #tpu.memory_space<vmem>>
    %dma_wait3A_107 = tpu.memref_squeeze %dma_wait3A_106 : memref<1x128xi32, #tpu.memory_space<vmem>> -> memref<128xi32, #tpu.memory_space<vmem>>
    %dma_wait3A_108 = arith.constant 0 : i32
    %dma_wait3A_109 = arith.constant 0 : i32
    %dma_wait3A_110 = tpu.memref_slice %arg17[%dma_wait3A_108, %dma_wait3A_109] : memref<10112x16xf32, #tpu.memory_space<vmem_shared>> -> memref<10112x16xf32, #tpu.memory_space<vmem_shared>>
    tpu.wait_indirect_dma semaphore(%arg33 : memref<!tpu.dma_semaphore, #tpu.memory_space<semaphore_mem>>) src(%arg16 : memref<128x16xf32, #tpu.memory_space<vmem>>) dst(%dma_wait3A_110 : memref<10112x16xf32, #tpu.memory_space<vmem_shared>>)
    %barrier3A_111 = arith.constant 0 : index
    tpu.barrier barrier_id(%barrier3A_111)
    %mul3A_112 = arith.constant 16 : i32
    %mul3A_113 = arith.muli %arg0, %mul3A_112 : i32
    "tpu.region"() ({
      %run_scoped3A = tpu.sem_alloc : memref<!tpu.dma_semaphore, #tpu.memory_space<semaphore_mem>>
      %dma_start3A_114 = tpu.memref_slice %arg6[%mul3A_2, %mul3A_113] : memref<10112x128xf32, #tpu.memory_space<hbm>> -> memref<632x16xf32, #tpu.memory_space<hbm>>
      %dma_start3A_115 = arith.constant 0 : i32
      %dma_start3A_116 = tpu.memref_slice %arg17[%mul3A_2, %dma_start3A_115] : memref<10112x16xf32, #tpu.memory_space<vmem_shared>> -> memref<632x16xf32, #tpu.memory_space<vmem_shared>>
      tpu.enqueue_dma source(%dma_start3A_116 : memref<632x16xf32, #tpu.memory_space<vmem_shared>>) target(%dma_start3A_114 : memref<632x16xf32, #tpu.memory_space<hbm>>) target_semaphore(%run_scoped3A : memref<!tpu.dma_semaphore, #tpu.memory_space<semaphore_mem>>)
      %dma_wait3A_117 = tpu.memref_slice %arg6[%mul3A_2, %mul3A_113] : memref<10112x128xf32, #tpu.memory_space<hbm>> -> memref<632x16xf32, #tpu.memory_space<hbm>>
      %dma_wait3A_118 = arith.constant 0 : i32
      %dma_wait3A_119 = tpu.memref_slice %arg17[%mul3A_2, %dma_wait3A_118] : memref<10112x16xf32, #tpu.memory_space<vmem_shared>> -> memref<632x16xf32, #tpu.memory_space<vmem_shared>>
      tpu.wait_dma2 semaphore(%run_scoped3A : memref<!tpu.dma_semaphore, #tpu.memory_space<semaphore_mem>>) src(%dma_wait3A_119 : memref<632x16xf32, #tpu.memory_space<vmem_shared>>) dst(%dma_wait3A_117 : memref<632x16xf32, #tpu.memory_space<hbm>>)
      tpu.yield
    }) : () -> ()
    return
  }
}

#map = affine_map<(d0, d1) -> (0, 0)>
#map1 = affine_map<(d0, d1) -> (0, 0, 0, 0)>
#map2 = affine_map<(d0, d1) -> (0, 0, 0)>
module attributes {stable_mosaic.version = 14 : i64} {
  func.func @agg(%arg0: i32, %arg1: i32, %arg2: memref<20000x64xf32, #tpu.memory_space<hbm>>, %arg3: memref<2x16x320x128xi32, #tpu.memory_space<hbm>>, %arg4: memref<16x320x128xi32, #tpu.memory_space<hbm>>, %arg5: memref<10112x64xf32, #tpu.memory_space<hbm>>, %arg6: memref<10112x128xf32, #tpu.memory_space<hbm>>, %arg7: memref<160x128xi32, #tpu.memory_space<vmem>>, %arg8: memref<160x128xi32, #tpu.memory_space<vmem>>, %arg9: memref<128x64xf32, #tpu.memory_space<vmem>>, %arg10: memref<128x64xf32, #tpu.memory_space<vmem>>, %arg11: memref<128x64xf32, #tpu.memory_space<vmem>>, %arg12: memref<128x64xf32, #tpu.memory_space<vmem>>, %arg13: memref<10112x64xf32, #tpu.memory_space<vmem_shared>>, %arg14: memref<!tpu.dma_semaphore, #tpu.memory_space<semaphore_mem>>, %arg15: memref<!tpu.dma_semaphore, #tpu.memory_space<semaphore_mem>>, %arg16: memref<!tpu.dma_semaphore, #tpu.memory_space<semaphore_mem>>, %arg17: memref<!tpu.dma_semaphore, #tpu.memory_space<semaphore_mem>>, %arg18: memref<!tpu.dma_semaphore, #tpu.memory_space<semaphore_mem>>, %arg19: memref<!tpu.dma_semaphore, #tpu.memory_space<semaphore_mem>>, %arg20: memref<!tpu.dma_semaphore, #tpu.memory_space<semaphore_mem>>, %arg21: memref<!tpu.dma_semaphore, #tpu.memory_space<semaphore_mem>>) attributes {dimension_semantics = [#tpu.dimension_semantics<core_parallel>, #tpu.dimension_semantics<subcore_parallel>], iteration_bounds = array<i64: 2, 16>, scalar_prefetch = 0 : i64, scratch_operands = 15 : i64, tpu.core_type = #tpu.core_type<sc_vector_subcore>, window_params = [{transform_indices = #map}, {transform_indices = #map1}, {transform_indices = #map2}, {transform_indices = #map}, {transform_indices = #map}]} {
    %mul3A = arith.constant 632 : i32
    %mul3A_0 = arith.muli %arg1, %mul3A : i32
    "tpu.region"() ({
      %run_scoped3A = tpu.sem_alloc : memref<!tpu.dma_semaphore, #tpu.memory_space<semaphore_mem>>
      %dma_start3A = arith.constant 0 : i32
      %dma_start3A_9 = tpu.memref_slice %arg13[%mul3A_0, %dma_start3A] : memref<10112x64xf32, #tpu.memory_space<vmem_shared>> -> memref<632x64xf32, #tpu.memory_space<vmem_shared>>
      %dma_start3A_10 = arith.constant 0 : i32
      %dma_start3A_11 = tpu.memref_slice %arg5[%mul3A_0, %dma_start3A_10] : memref<10112x64xf32, #tpu.memory_space<hbm>> -> memref<632x64xf32, #tpu.memory_space<hbm>>
      tpu.enqueue_dma source(%dma_start3A_11 : memref<632x64xf32, #tpu.memory_space<hbm>>) target(%dma_start3A_9 : memref<632x64xf32, #tpu.memory_space<vmem_shared>>) target_semaphore(%run_scoped3A : memref<!tpu.dma_semaphore, #tpu.memory_space<semaphore_mem>>)
      %dma_wait3A = arith.constant 0 : i32
      %dma_wait3A_12 = tpu.memref_slice %arg13[%mul3A_0, %dma_wait3A] : memref<10112x64xf32, #tpu.memory_space<vmem_shared>> -> memref<632x64xf32, #tpu.memory_space<vmem_shared>>
      %dma_wait3A_13 = arith.constant 0 : i32
      %dma_wait3A_14 = tpu.memref_slice %arg5[%mul3A_0, %dma_wait3A_13] : memref<10112x64xf32, #tpu.memory_space<hbm>> -> memref<632x64xf32, #tpu.memory_space<hbm>>
      tpu.wait_dma2 semaphore(%run_scoped3A : memref<!tpu.dma_semaphore, #tpu.memory_space<semaphore_mem>>) src(%dma_wait3A_14 : memref<632x64xf32, #tpu.memory_space<hbm>>) dst(%dma_wait3A_12 : memref<632x64xf32, #tpu.memory_space<vmem_shared>>)
      tpu.yield
    }) : () -> ()
    %barrier3A = arith.constant 0 : index
    tpu.barrier barrier_id(%barrier3A)
    %scan3A = arith.constant 0 : i32
    %scan3A_1 = arith.constant 0 : i32
    %scan3A_2 = arith.constant 2 : i32
    %scan3A_3 = arith.addi %scan3A_1, %scan3A_2 : i32
    %scan3A_4 = arith.constant 1 : i32
    scf.for %scan3A_9 = %scan3A_1 to %scan3A_3 step %scan3A_4  : i32 {
      %mul3A_10 = arith.constant 160 : i32
      %mul3A_11 = arith.muli %scan3A_9, %mul3A_10 : i32
      "tpu.region"() ({
        %run_scoped3A = tpu.sem_alloc : memref<!tpu.dma_semaphore, #tpu.memory_space<semaphore_mem>>
        %dma_start3A_67 = arith.constant 0 : i32
        %dma_start3A_68 = tpu.memref_slice %arg3[%arg0, %arg1, %mul3A_11, %dma_start3A_67] : memref<2x16x320x128xi32, #tpu.memory_space<hbm>> -> memref<1x1x160x128xi32, #tpu.memory_space<hbm>>
        %dma_start3A_69 = tpu.memref_squeeze %dma_start3A_68 : memref<1x1x160x128xi32, #tpu.memory_space<hbm>> -> memref<160x128xi32, #tpu.memory_space<hbm>>
        %dma_start3A_70 = arith.constant 0 : i32
        %dma_start3A_71 = tpu.memref_slice %arg3[%arg0, %arg1, %mul3A_11, %dma_start3A_70] : memref<2x16x320x128xi32, #tpu.memory_space<hbm>> -> memref<1x1x160x128xi32, #tpu.memory_space<hbm>>
        %dma_start3A_72 = tpu.memref_squeeze %dma_start3A_71 : memref<1x1x160x128xi32, #tpu.memory_space<hbm>> -> memref<160x128xi32, #tpu.memory_space<hbm>>
        tpu.enqueue_dma source(%dma_start3A_72 : memref<160x128xi32, #tpu.memory_space<hbm>>) target(%arg7 : memref<160x128xi32, #tpu.memory_space<vmem>>) target_semaphore(%run_scoped3A : memref<!tpu.dma_semaphore, #tpu.memory_space<semaphore_mem>>)
        %dma_wait3A_73 = arith.constant 0 : i32
        %dma_wait3A_74 = tpu.memref_slice %arg3[%arg0, %arg1, %mul3A_11, %dma_wait3A_73] : memref<2x16x320x128xi32, #tpu.memory_space<hbm>> -> memref<1x1x160x128xi32, #tpu.memory_space<hbm>>
        %dma_wait3A_75 = tpu.memref_squeeze %dma_wait3A_74 : memref<1x1x160x128xi32, #tpu.memory_space<hbm>> -> memref<160x128xi32, #tpu.memory_space<hbm>>
        %dma_wait3A_76 = arith.constant 0 : i32
        %dma_wait3A_77 = tpu.memref_slice %arg3[%arg0, %arg1, %mul3A_11, %dma_wait3A_76] : memref<2x16x320x128xi32, #tpu.memory_space<hbm>> -> memref<1x1x160x128xi32, #tpu.memory_space<hbm>>
        %dma_wait3A_78 = tpu.memref_squeeze %dma_wait3A_77 : memref<1x1x160x128xi32, #tpu.memory_space<hbm>> -> memref<160x128xi32, #tpu.memory_space<hbm>>
        tpu.wait_dma2 semaphore(%run_scoped3A : memref<!tpu.dma_semaphore, #tpu.memory_space<semaphore_mem>>) src(%dma_wait3A_78 : memref<160x128xi32, #tpu.memory_space<hbm>>) dst(%arg7 : memref<160x128xi32, #tpu.memory_space<vmem>>)
        tpu.yield
      }) : () -> ()
      %mul3A_12 = arith.constant 160 : i32
      %mul3A_13 = arith.muli %scan3A_9, %mul3A_12 : i32
      "tpu.region"() ({
        %run_scoped3A = tpu.sem_alloc : memref<!tpu.dma_semaphore, #tpu.memory_space<semaphore_mem>>
        %dma_start3A_67 = arith.constant 0 : i32
        %dma_start3A_68 = tpu.memref_slice %arg4[%arg1, %mul3A_13, %dma_start3A_67] : memref<16x320x128xi32, #tpu.memory_space<hbm>> -> memref<1x160x128xi32, #tpu.memory_space<hbm>>
        %dma_start3A_69 = tpu.memref_squeeze %dma_start3A_68 : memref<1x160x128xi32, #tpu.memory_space<hbm>> -> memref<160x128xi32, #tpu.memory_space<hbm>>
        %dma_start3A_70 = arith.constant 0 : i32
        %dma_start3A_71 = tpu.memref_slice %arg4[%arg1, %mul3A_13, %dma_start3A_70] : memref<16x320x128xi32, #tpu.memory_space<hbm>> -> memref<1x160x128xi32, #tpu.memory_space<hbm>>
        %dma_start3A_72 = tpu.memref_squeeze %dma_start3A_71 : memref<1x160x128xi32, #tpu.memory_space<hbm>> -> memref<160x128xi32, #tpu.memory_space<hbm>>
        tpu.enqueue_dma source(%dma_start3A_72 : memref<160x128xi32, #tpu.memory_space<hbm>>) target(%arg8 : memref<160x128xi32, #tpu.memory_space<vmem>>) target_semaphore(%run_scoped3A : memref<!tpu.dma_semaphore, #tpu.memory_space<semaphore_mem>>)
        %dma_wait3A_73 = arith.constant 0 : i32
        %dma_wait3A_74 = tpu.memref_slice %arg4[%arg1, %mul3A_13, %dma_wait3A_73] : memref<16x320x128xi32, #tpu.memory_space<hbm>> -> memref<1x160x128xi32, #tpu.memory_space<hbm>>
        %dma_wait3A_75 = tpu.memref_squeeze %dma_wait3A_74 : memref<1x160x128xi32, #tpu.memory_space<hbm>> -> memref<160x128xi32, #tpu.memory_space<hbm>>
        %dma_wait3A_76 = arith.constant 0 : i32
        %dma_wait3A_77 = tpu.memref_slice %arg4[%arg1, %mul3A_13, %dma_wait3A_76] : memref<16x320x128xi32, #tpu.memory_space<hbm>> -> memref<1x160x128xi32, #tpu.memory_space<hbm>>
        %dma_wait3A_78 = tpu.memref_squeeze %dma_wait3A_77 : memref<1x160x128xi32, #tpu.memory_space<hbm>> -> memref<160x128xi32, #tpu.memory_space<hbm>>
        tpu.wait_dma2 semaphore(%run_scoped3A : memref<!tpu.dma_semaphore, #tpu.memory_space<semaphore_mem>>) src(%dma_wait3A_78 : memref<160x128xi32, #tpu.memory_space<hbm>>) dst(%arg8 : memref<160x128xi32, #tpu.memory_space<vmem>>)
        tpu.yield
      }) : () -> ()
      %dma_start3A = arith.constant 0 : i32
      %dma_start3A_14 = arith.constant 0 : i32
      %dma_start3A_15 = tpu.memref_slice %arg7[%dma_start3A, %dma_start3A_14] : memref<160x128xi32, #tpu.memory_space<vmem>> -> memref<1x128xi32, #tpu.memory_space<vmem>>
      %dma_start3A_16 = tpu.memref_squeeze %dma_start3A_15 : memref<1x128xi32, #tpu.memory_space<vmem>> -> memref<128xi32, #tpu.memory_space<vmem>>
      %dma_start3A_17 = arith.constant 0 : i32
      %dma_start3A_18 = arith.constant 0 : i32
      %dma_start3A_19 = tpu.memref_slice %arg2[%dma_start3A_17, %dma_start3A_18] : memref<20000x64xf32, #tpu.memory_space<hbm>> -> memref<20000x64xf32, #tpu.memory_space<hbm>>
      tpu.enqueue_indirect_dma source(%dma_start3A_19 : memref<20000x64xf32, #tpu.memory_space<hbm>>) target(%arg9 : memref<128x64xf32, #tpu.memory_space<vmem>>) offsets(%dma_start3A_16 : memref<128xi32, #tpu.memory_space<vmem>>) semaphore(%arg14 : memref<!tpu.dma_semaphore, #tpu.memory_space<semaphore_mem>>)
      %dma_start3A_20 = arith.constant 1 : i32
      %dma_start3A_21 = arith.constant 0 : i32
      %dma_start3A_22 = tpu.memref_slice %arg7[%dma_start3A_20, %dma_start3A_21] : memref<160x128xi32, #tpu.memory_space<vmem>> -> memref<1x128xi32, #tpu.memory_space<vmem>>
      %dma_start3A_23 = tpu.memref_squeeze %dma_start3A_22 : memref<1x128xi32, #tpu.memory_space<vmem>> -> memref<128xi32, #tpu.memory_space<vmem>>
      %dma_start3A_24 = arith.constant 0 : i32
      %dma_start3A_25 = arith.constant 0 : i32
      %dma_start3A_26 = tpu.memref_slice %arg2[%dma_start3A_24, %dma_start3A_25] : memref<20000x64xf32, #tpu.memory_space<hbm>> -> memref<20000x64xf32, #tpu.memory_space<hbm>>
      tpu.enqueue_indirect_dma source(%dma_start3A_26 : memref<20000x64xf32, #tpu.memory_space<hbm>>) target(%arg10 : memref<128x64xf32, #tpu.memory_space<vmem>>) offsets(%dma_start3A_23 : memref<128xi32, #tpu.memory_space<vmem>>) semaphore(%arg15 : memref<!tpu.dma_semaphore, #tpu.memory_space<semaphore_mem>>)
      %dma_start3A_27 = arith.constant 2 : i32
      %dma_start3A_28 = arith.constant 0 : i32
      %dma_start3A_29 = tpu.memref_slice %arg7[%dma_start3A_27, %dma_start3A_28] : memref<160x128xi32, #tpu.memory_space<vmem>> -> memref<1x128xi32, #tpu.memory_space<vmem>>
      %dma_start3A_30 = tpu.memref_squeeze %dma_start3A_29 : memref<1x128xi32, #tpu.memory_space<vmem>> -> memref<128xi32, #tpu.memory_space<vmem>>
      %dma_start3A_31 = arith.constant 0 : i32
      %dma_start3A_32 = arith.constant 0 : i32
      %dma_start3A_33 = tpu.memref_slice %arg2[%dma_start3A_31, %dma_start3A_32] : memref<20000x64xf32, #tpu.memory_space<hbm>> -> memref<20000x64xf32, #tpu.memory_space<hbm>>
      tpu.enqueue_indirect_dma source(%dma_start3A_33 : memref<20000x64xf32, #tpu.memory_space<hbm>>) target(%arg11 : memref<128x64xf32, #tpu.memory_space<vmem>>) offsets(%dma_start3A_30 : memref<128xi32, #tpu.memory_space<vmem>>) semaphore(%arg16 : memref<!tpu.dma_semaphore, #tpu.memory_space<semaphore_mem>>)
      %scan3A_34 = arith.constant 0 : i32
      %scan3A_35 = arith.constant 0 : i32
      %scan3A_36 = arith.constant 40 : i32
      %scan3A_37 = arith.addi %scan3A_35, %scan3A_36 : i32
      %scan3A_38 = arith.constant 1 : i32
      scf.for %scan3A_67 = %scan3A_35 to %scan3A_37 step %scan3A_38  : i32 {
        %mul3A_68 = arith.constant 4 : i32
        %mul3A_69 = arith.muli %mul3A_68, %scan3A_67 : i32
        %add3A = arith.constant 0 : i32
        %add3A_70 = arith.addi %mul3A_69, %add3A : i32
        %dma_wait3A_71 = arith.constant 0 : i32
        %dma_wait3A_72 = tpu.memref_slice %arg7[%add3A_70, %dma_wait3A_71] : memref<160x128xi32, #tpu.memory_space<vmem>> -> memref<1x128xi32, #tpu.memory_space<vmem>>
        %dma_wait3A_73 = tpu.memref_squeeze %dma_wait3A_72 : memref<1x128xi32, #tpu.memory_space<vmem>> -> memref<128xi32, #tpu.memory_space<vmem>>
        %dma_wait3A_74 = arith.constant 0 : i32
        %dma_wait3A_75 = arith.constant 0 : i32
        %dma_wait3A_76 = tpu.memref_slice %arg2[%dma_wait3A_74, %dma_wait3A_75] : memref<20000x64xf32, #tpu.memory_space<hbm>> -> memref<20000x64xf32, #tpu.memory_space<hbm>>
        tpu.wait_indirect_dma semaphore(%arg14 : memref<!tpu.dma_semaphore, #tpu.memory_space<semaphore_mem>>) src(%dma_wait3A_76 : memref<20000x64xf32, #tpu.memory_space<hbm>>) dst(%arg9 : memref<128x64xf32, #tpu.memory_space<vmem>>)
        %dma_start3A_77 = arith.constant 0 : i32
        %dma_start3A_78 = tpu.memref_slice %arg8[%add3A_70, %dma_start3A_77] : memref<160x128xi32, #tpu.memory_space<vmem>> -> memref<1x128xi32, #tpu.memory_space<vmem>>
        %dma_start3A_79 = tpu.memref_squeeze %dma_start3A_78 : memref<1x128xi32, #tpu.memory_space<vmem>> -> memref<128xi32, #tpu.memory_space<vmem>>
        %dma_start3A_80 = arith.constant 0 : i32
        %dma_start3A_81 = arith.constant 0 : i32
        %dma_start3A_82 = tpu.memref_slice %arg13[%dma_start3A_80, %dma_start3A_81] : memref<10112x64xf32, #tpu.memory_space<vmem_shared>> -> memref<10112x64xf32, #tpu.memory_space<vmem_shared>>
        tpu.enqueue_indirect_dma source(%arg9 : memref<128x64xf32, #tpu.memory_space<vmem>>) target(%dma_start3A_82 : memref<10112x64xf32, #tpu.memory_space<vmem_shared>>) offsets(%dma_start3A_79 : memref<128xi32, #tpu.memory_space<vmem>>) semaphore(%arg18 : memref<!tpu.dma_semaphore, #tpu.memory_space<semaphore_mem>>) {add = true}
        %add3A_83 = arith.constant 4 : i32
        %add3A_84 = arith.addi %add3A_70, %add3A_83 : i32
        %sub3A = arith.constant 1 : i32
        %sub3A_85 = arith.subi %add3A_84, %sub3A : i32
        %lt3A = arith.constant 160 : i32
        %lt3A_86 = arith.cmpi slt, %sub3A_85, %lt3A : i32
        %convert_element_type3A = arith.extui %lt3A_86 : i1 to i32
        %cond3A = arith.constant 0 : i32
        %cond3A_87 = arith.cmpi ne, %convert_element_type3A, %cond3A : i32
        scf.if %cond3A_87 {
          %ge3A = arith.constant 1 : i32
          %ge3A_157 = arith.cmpi sge, %add3A_70, %ge3A : i32
          %convert_element_type3A_158 = arith.extui %ge3A_157 : i1 to i32
          %cond3A_159 = arith.constant 0 : i32
          %cond3A_160 = arith.cmpi ne, %convert_element_type3A_158, %cond3A_159 : i32
          scf.if %cond3A_160 {
            %dma_wait3A_171 = arith.constant 0 : i32
            %dma_wait3A_172 = arith.constant 0 : i32
            %dma_wait3A_173 = tpu.memref_slice %arg8[%dma_wait3A_171, %dma_wait3A_172] : memref<160x128xi32, #tpu.memory_space<vmem>> -> memref<1x128xi32, #tpu.memory_space<vmem>>
            %dma_wait3A_174 = tpu.memref_squeeze %dma_wait3A_173 : memref<1x128xi32, #tpu.memory_space<vmem>> -> memref<128xi32, #tpu.memory_space<vmem>>
            %dma_wait3A_175 = arith.constant 0 : i32
            %dma_wait3A_176 = arith.constant 0 : i32
            %dma_wait3A_177 = tpu.memref_slice %arg13[%dma_wait3A_175, %dma_wait3A_176] : memref<10112x64xf32, #tpu.memory_space<vmem_shared>> -> memref<10112x64xf32, #tpu.memory_space<vmem_shared>>
            tpu.wait_indirect_dma semaphore(%arg21 : memref<!tpu.dma_semaphore, #tpu.memory_space<semaphore_mem>>) src(%arg12 : memref<128x64xf32, #tpu.memory_space<vmem>>) dst(%dma_wait3A_177 : memref<10112x64xf32, #tpu.memory_space<vmem_shared>>)
          } else {
          }
          %add3A_161 = arith.constant 4 : i32
          %add3A_162 = arith.addi %add3A_70, %add3A_161 : i32
          %sub3A_163 = arith.constant 1 : i32
          %sub3A_164 = arith.subi %add3A_162, %sub3A_163 : i32
          %dma_start3A_165 = arith.constant 0 : i32
          %dma_start3A_166 = tpu.memref_slice %arg7[%sub3A_164, %dma_start3A_165] : memref<160x128xi32, #tpu.memory_space<vmem>> -> memref<1x128xi32, #tpu.memory_space<vmem>>
          %dma_start3A_167 = tpu.memref_squeeze %dma_start3A_166 : memref<1x128xi32, #tpu.memory_space<vmem>> -> memref<128xi32, #tpu.memory_space<vmem>>
          %dma_start3A_168 = arith.constant 0 : i32
          %dma_start3A_169 = arith.constant 0 : i32
          %dma_start3A_170 = tpu.memref_slice %arg2[%dma_start3A_168, %dma_start3A_169] : memref<20000x64xf32, #tpu.memory_space<hbm>> -> memref<20000x64xf32, #tpu.memory_space<hbm>>
          tpu.enqueue_indirect_dma source(%dma_start3A_170 : memref<20000x64xf32, #tpu.memory_space<hbm>>) target(%arg12 : memref<128x64xf32, #tpu.memory_space<vmem>>) offsets(%dma_start3A_167 : memref<128xi32, #tpu.memory_space<vmem>>) semaphore(%arg17 : memref<!tpu.dma_semaphore, #tpu.memory_space<semaphore_mem>>)
        } else {
        }
        %add3A_88 = arith.constant 1 : i32
        %add3A_89 = arith.addi %mul3A_69, %add3A_88 : i32
        %dma_wait3A_90 = arith.constant 0 : i32
        %dma_wait3A_91 = tpu.memref_slice %arg7[%add3A_89, %dma_wait3A_90] : memref<160x128xi32, #tpu.memory_space<vmem>> -> memref<1x128xi32, #tpu.memory_space<vmem>>
        %dma_wait3A_92 = tpu.memref_squeeze %dma_wait3A_91 : memref<1x128xi32, #tpu.memory_space<vmem>> -> memref<128xi32, #tpu.memory_space<vmem>>
        %dma_wait3A_93 = arith.constant 0 : i32
        %dma_wait3A_94 = arith.constant 0 : i32
        %dma_wait3A_95 = tpu.memref_slice %arg2[%dma_wait3A_93, %dma_wait3A_94] : memref<20000x64xf32, #tpu.memory_space<hbm>> -> memref<20000x64xf32, #tpu.memory_space<hbm>>
        tpu.wait_indirect_dma semaphore(%arg15 : memref<!tpu.dma_semaphore, #tpu.memory_space<semaphore_mem>>) src(%dma_wait3A_95 : memref<20000x64xf32, #tpu.memory_space<hbm>>) dst(%arg10 : memref<128x64xf32, #tpu.memory_space<vmem>>)
        %dma_start3A_96 = arith.constant 0 : i32
        %dma_start3A_97 = tpu.memref_slice %arg8[%add3A_89, %dma_start3A_96] : memref<160x128xi32, #tpu.memory_space<vmem>> -> memref<1x128xi32, #tpu.memory_space<vmem>>
        %dma_start3A_98 = tpu.memref_squeeze %dma_start3A_97 : memref<1x128xi32, #tpu.memory_space<vmem>> -> memref<128xi32, #tpu.memory_space<vmem>>
        %dma_start3A_99 = arith.constant 0 : i32
        %dma_start3A_100 = arith.constant 0 : i32
        %dma_start3A_101 = tpu.memref_slice %arg13[%dma_start3A_99, %dma_start3A_100] : memref<10112x64xf32, #tpu.memory_space<vmem_shared>> -> memref<10112x64xf32, #tpu.memory_space<vmem_shared>>
        tpu.enqueue_indirect_dma source(%arg10 : memref<128x64xf32, #tpu.memory_space<vmem>>) target(%dma_start3A_101 : memref<10112x64xf32, #tpu.memory_space<vmem_shared>>) offsets(%dma_start3A_98 : memref<128xi32, #tpu.memory_space<vmem>>) semaphore(%arg19 : memref<!tpu.dma_semaphore, #tpu.memory_space<semaphore_mem>>) {add = true}
        %add3A_102 = arith.constant 4 : i32
        %add3A_103 = arith.addi %add3A_89, %add3A_102 : i32
        %sub3A_104 = arith.constant 1 : i32
        %sub3A_105 = arith.subi %add3A_103, %sub3A_104 : i32
        %lt3A_106 = arith.constant 160 : i32
        %lt3A_107 = arith.cmpi slt, %sub3A_105, %lt3A_106 : i32
        %convert_element_type3A_108 = arith.extui %lt3A_107 : i1 to i32
        %cond3A_109 = arith.constant 0 : i32
        %cond3A_110 = arith.cmpi ne, %convert_element_type3A_108, %cond3A_109 : i32
        scf.if %cond3A_110 {
          %ge3A = arith.constant 1 : i32
          %ge3A_157 = arith.cmpi sge, %add3A_89, %ge3A : i32
          %convert_element_type3A_158 = arith.extui %ge3A_157 : i1 to i32
          %cond3A_159 = arith.constant 0 : i32
          %cond3A_160 = arith.cmpi ne, %convert_element_type3A_158, %cond3A_159 : i32
          scf.if %cond3A_160 {
            %dma_wait3A_171 = arith.constant 0 : i32
            %dma_wait3A_172 = arith.constant 0 : i32
            %dma_wait3A_173 = tpu.memref_slice %arg8[%dma_wait3A_171, %dma_wait3A_172] : memref<160x128xi32, #tpu.memory_space<vmem>> -> memref<1x128xi32, #tpu.memory_space<vmem>>
            %dma_wait3A_174 = tpu.memref_squeeze %dma_wait3A_173 : memref<1x128xi32, #tpu.memory_space<vmem>> -> memref<128xi32, #tpu.memory_space<vmem>>
            %dma_wait3A_175 = arith.constant 0 : i32
            %dma_wait3A_176 = arith.constant 0 : i32
            %dma_wait3A_177 = tpu.memref_slice %arg13[%dma_wait3A_175, %dma_wait3A_176] : memref<10112x64xf32, #tpu.memory_space<vmem_shared>> -> memref<10112x64xf32, #tpu.memory_space<vmem_shared>>
            tpu.wait_indirect_dma semaphore(%arg18 : memref<!tpu.dma_semaphore, #tpu.memory_space<semaphore_mem>>) src(%arg9 : memref<128x64xf32, #tpu.memory_space<vmem>>) dst(%dma_wait3A_177 : memref<10112x64xf32, #tpu.memory_space<vmem_shared>>)
          } else {
          }
          %add3A_161 = arith.constant 4 : i32
          %add3A_162 = arith.addi %add3A_89, %add3A_161 : i32
          %sub3A_163 = arith.constant 1 : i32
          %sub3A_164 = arith.subi %add3A_162, %sub3A_163 : i32
          %dma_start3A_165 = arith.constant 0 : i32
          %dma_start3A_166 = tpu.memref_slice %arg7[%sub3A_164, %dma_start3A_165] : memref<160x128xi32, #tpu.memory_space<vmem>> -> memref<1x128xi32, #tpu.memory_space<vmem>>
          %dma_start3A_167 = tpu.memref_squeeze %dma_start3A_166 : memref<1x128xi32, #tpu.memory_space<vmem>> -> memref<128xi32, #tpu.memory_space<vmem>>
          %dma_start3A_168 = arith.constant 0 : i32
          %dma_start3A_169 = arith.constant 0 : i32
          %dma_start3A_170 = tpu.memref_slice %arg2[%dma_start3A_168, %dma_start3A_169] : memref<20000x64xf32, #tpu.memory_space<hbm>> -> memref<20000x64xf32, #tpu.memory_space<hbm>>
          tpu.enqueue_indirect_dma source(%dma_start3A_170 : memref<20000x64xf32, #tpu.memory_space<hbm>>) target(%arg9 : memref<128x64xf32, #tpu.memory_space<vmem>>) offsets(%dma_start3A_167 : memref<128xi32, #tpu.memory_space<vmem>>) semaphore(%arg14 : memref<!tpu.dma_semaphore, #tpu.memory_space<semaphore_mem>>)
        } else {
        }
        %add3A_111 = arith.constant 2 : i32
        %add3A_112 = arith.addi %mul3A_69, %add3A_111 : i32
        %dma_wait3A_113 = arith.constant 0 : i32
        %dma_wait3A_114 = tpu.memref_slice %arg7[%add3A_112, %dma_wait3A_113] : memref<160x128xi32, #tpu.memory_space<vmem>> -> memref<1x128xi32, #tpu.memory_space<vmem>>
        %dma_wait3A_115 = tpu.memref_squeeze %dma_wait3A_114 : memref<1x128xi32, #tpu.memory_space<vmem>> -> memref<128xi32, #tpu.memory_space<vmem>>
        %dma_wait3A_116 = arith.constant 0 : i32
        %dma_wait3A_117 = arith.constant 0 : i32
        %dma_wait3A_118 = tpu.memref_slice %arg2[%dma_wait3A_116, %dma_wait3A_117] : memref<20000x64xf32, #tpu.memory_space<hbm>> -> memref<20000x64xf32, #tpu.memory_space<hbm>>
        tpu.wait_indirect_dma semaphore(%arg16 : memref<!tpu.dma_semaphore, #tpu.memory_space<semaphore_mem>>) src(%dma_wait3A_118 : memref<20000x64xf32, #tpu.memory_space<hbm>>) dst(%arg11 : memref<128x64xf32, #tpu.memory_space<vmem>>)
        %dma_start3A_119 = arith.constant 0 : i32
        %dma_start3A_120 = tpu.memref_slice %arg8[%add3A_112, %dma_start3A_119] : memref<160x128xi32, #tpu.memory_space<vmem>> -> memref<1x128xi32, #tpu.memory_space<vmem>>
        %dma_start3A_121 = tpu.memref_squeeze %dma_start3A_120 : memref<1x128xi32, #tpu.memory_space<vmem>> -> memref<128xi32, #tpu.memory_space<vmem>>
        %dma_start3A_122 = arith.constant 0 : i32
        %dma_start3A_123 = arith.constant 0 : i32
        %dma_start3A_124 = tpu.memref_slice %arg13[%dma_start3A_122, %dma_start3A_123] : memref<10112x64xf32, #tpu.memory_space<vmem_shared>> -> memref<10112x64xf32, #tpu.memory_space<vmem_shared>>
        tpu.enqueue_indirect_dma source(%arg11 : memref<128x64xf32, #tpu.memory_space<vmem>>) target(%dma_start3A_124 : memref<10112x64xf32, #tpu.memory_space<vmem_shared>>) offsets(%dma_start3A_121 : memref<128xi32, #tpu.memory_space<vmem>>) semaphore(%arg20 : memref<!tpu.dma_semaphore, #tpu.memory_space<semaphore_mem>>) {add = true}
        %add3A_125 = arith.constant 4 : i32
        %add3A_126 = arith.addi %add3A_112, %add3A_125 : i32
        %sub3A_127 = arith.constant 1 : i32
        %sub3A_128 = arith.subi %add3A_126, %sub3A_127 : i32
        %lt3A_129 = arith.constant 160 : i32
        %lt3A_130 = arith.cmpi slt, %sub3A_128, %lt3A_129 : i32
        %convert_element_type3A_131 = arith.extui %lt3A_130 : i1 to i32
        %cond3A_132 = arith.constant 0 : i32
        %cond3A_133 = arith.cmpi ne, %convert_element_type3A_131, %cond3A_132 : i32
        scf.if %cond3A_133 {
          %ge3A = arith.constant 1 : i32
          %ge3A_157 = arith.cmpi sge, %add3A_112, %ge3A : i32
          %convert_element_type3A_158 = arith.extui %ge3A_157 : i1 to i32
          %cond3A_159 = arith.constant 0 : i32
          %cond3A_160 = arith.cmpi ne, %convert_element_type3A_158, %cond3A_159 : i32
          scf.if %cond3A_160 {
            %dma_wait3A_171 = arith.constant 0 : i32
            %dma_wait3A_172 = arith.constant 0 : i32
            %dma_wait3A_173 = tpu.memref_slice %arg8[%dma_wait3A_171, %dma_wait3A_172] : memref<160x128xi32, #tpu.memory_space<vmem>> -> memref<1x128xi32, #tpu.memory_space<vmem>>
            %dma_wait3A_174 = tpu.memref_squeeze %dma_wait3A_173 : memref<1x128xi32, #tpu.memory_space<vmem>> -> memref<128xi32, #tpu.memory_space<vmem>>
            %dma_wait3A_175 = arith.constant 0 : i32
            %dma_wait3A_176 = arith.constant 0 : i32
            %dma_wait3A_177 = tpu.memref_slice %arg13[%dma_wait3A_175, %dma_wait3A_176] : memref<10112x64xf32, #tpu.memory_space<vmem_shared>> -> memref<10112x64xf32, #tpu.memory_space<vmem_shared>>
            tpu.wait_indirect_dma semaphore(%arg19 : memref<!tpu.dma_semaphore, #tpu.memory_space<semaphore_mem>>) src(%arg10 : memref<128x64xf32, #tpu.memory_space<vmem>>) dst(%dma_wait3A_177 : memref<10112x64xf32, #tpu.memory_space<vmem_shared>>)
          } else {
          }
          %add3A_161 = arith.constant 4 : i32
          %add3A_162 = arith.addi %add3A_112, %add3A_161 : i32
          %sub3A_163 = arith.constant 1 : i32
          %sub3A_164 = arith.subi %add3A_162, %sub3A_163 : i32
          %dma_start3A_165 = arith.constant 0 : i32
          %dma_start3A_166 = tpu.memref_slice %arg7[%sub3A_164, %dma_start3A_165] : memref<160x128xi32, #tpu.memory_space<vmem>> -> memref<1x128xi32, #tpu.memory_space<vmem>>
          %dma_start3A_167 = tpu.memref_squeeze %dma_start3A_166 : memref<1x128xi32, #tpu.memory_space<vmem>> -> memref<128xi32, #tpu.memory_space<vmem>>
          %dma_start3A_168 = arith.constant 0 : i32
          %dma_start3A_169 = arith.constant 0 : i32
          %dma_start3A_170 = tpu.memref_slice %arg2[%dma_start3A_168, %dma_start3A_169] : memref<20000x64xf32, #tpu.memory_space<hbm>> -> memref<20000x64xf32, #tpu.memory_space<hbm>>
          tpu.enqueue_indirect_dma source(%dma_start3A_170 : memref<20000x64xf32, #tpu.memory_space<hbm>>) target(%arg10 : memref<128x64xf32, #tpu.memory_space<vmem>>) offsets(%dma_start3A_167 : memref<128xi32, #tpu.memory_space<vmem>>) semaphore(%arg15 : memref<!tpu.dma_semaphore, #tpu.memory_space<semaphore_mem>>)
        } else {
        }
        %add3A_134 = arith.constant 3 : i32
        %add3A_135 = arith.addi %mul3A_69, %add3A_134 : i32
        %dma_wait3A_136 = arith.constant 0 : i32
        %dma_wait3A_137 = tpu.memref_slice %arg7[%add3A_135, %dma_wait3A_136] : memref<160x128xi32, #tpu.memory_space<vmem>> -> memref<1x128xi32, #tpu.memory_space<vmem>>
        %dma_wait3A_138 = tpu.memref_squeeze %dma_wait3A_137 : memref<1x128xi32, #tpu.memory_space<vmem>> -> memref<128xi32, #tpu.memory_space<vmem>>
        %dma_wait3A_139 = arith.constant 0 : i32
        %dma_wait3A_140 = arith.constant 0 : i32
        %dma_wait3A_141 = tpu.memref_slice %arg2[%dma_wait3A_139, %dma_wait3A_140] : memref<20000x64xf32, #tpu.memory_space<hbm>> -> memref<20000x64xf32, #tpu.memory_space<hbm>>
        tpu.wait_indirect_dma semaphore(%arg17 : memref<!tpu.dma_semaphore, #tpu.memory_space<semaphore_mem>>) src(%dma_wait3A_141 : memref<20000x64xf32, #tpu.memory_space<hbm>>) dst(%arg12 : memref<128x64xf32, #tpu.memory_space<vmem>>)
        %dma_start3A_142 = arith.constant 0 : i32
        %dma_start3A_143 = tpu.memref_slice %arg8[%add3A_135, %dma_start3A_142] : memref<160x128xi32, #tpu.memory_space<vmem>> -> memref<1x128xi32, #tpu.memory_space<vmem>>
        %dma_start3A_144 = tpu.memref_squeeze %dma_start3A_143 : memref<1x128xi32, #tpu.memory_space<vmem>> -> memref<128xi32, #tpu.memory_space<vmem>>
        %dma_start3A_145 = arith.constant 0 : i32
        %dma_start3A_146 = arith.constant 0 : i32
        %dma_start3A_147 = tpu.memref_slice %arg13[%dma_start3A_145, %dma_start3A_146] : memref<10112x64xf32, #tpu.memory_space<vmem_shared>> -> memref<10112x64xf32, #tpu.memory_space<vmem_shared>>
        tpu.enqueue_indirect_dma source(%arg12 : memref<128x64xf32, #tpu.memory_space<vmem>>) target(%dma_start3A_147 : memref<10112x64xf32, #tpu.memory_space<vmem_shared>>) offsets(%dma_start3A_144 : memref<128xi32, #tpu.memory_space<vmem>>) semaphore(%arg21 : memref<!tpu.dma_semaphore, #tpu.memory_space<semaphore_mem>>) {add = true}
        %add3A_148 = arith.constant 4 : i32
        %add3A_149 = arith.addi %add3A_135, %add3A_148 : i32
        %sub3A_150 = arith.constant 1 : i32
        %sub3A_151 = arith.subi %add3A_149, %sub3A_150 : i32
        %lt3A_152 = arith.constant 160 : i32
        %lt3A_153 = arith.cmpi slt, %sub3A_151, %lt3A_152 : i32
        %convert_element_type3A_154 = arith.extui %lt3A_153 : i1 to i32
        %cond3A_155 = arith.constant 0 : i32
        %cond3A_156 = arith.cmpi ne, %convert_element_type3A_154, %cond3A_155 : i32
        scf.if %cond3A_156 {
          %ge3A = arith.constant 1 : i32
          %ge3A_157 = arith.cmpi sge, %add3A_135, %ge3A : i32
          %convert_element_type3A_158 = arith.extui %ge3A_157 : i1 to i32
          %cond3A_159 = arith.constant 0 : i32
          %cond3A_160 = arith.cmpi ne, %convert_element_type3A_158, %cond3A_159 : i32
          scf.if %cond3A_160 {
            %dma_wait3A_171 = arith.constant 0 : i32
            %dma_wait3A_172 = arith.constant 0 : i32
            %dma_wait3A_173 = tpu.memref_slice %arg8[%dma_wait3A_171, %dma_wait3A_172] : memref<160x128xi32, #tpu.memory_space<vmem>> -> memref<1x128xi32, #tpu.memory_space<vmem>>
            %dma_wait3A_174 = tpu.memref_squeeze %dma_wait3A_173 : memref<1x128xi32, #tpu.memory_space<vmem>> -> memref<128xi32, #tpu.memory_space<vmem>>
            %dma_wait3A_175 = arith.constant 0 : i32
            %dma_wait3A_176 = arith.constant 0 : i32
            %dma_wait3A_177 = tpu.memref_slice %arg13[%dma_wait3A_175, %dma_wait3A_176] : memref<10112x64xf32, #tpu.memory_space<vmem_shared>> -> memref<10112x64xf32, #tpu.memory_space<vmem_shared>>
            tpu.wait_indirect_dma semaphore(%arg20 : memref<!tpu.dma_semaphore, #tpu.memory_space<semaphore_mem>>) src(%arg11 : memref<128x64xf32, #tpu.memory_space<vmem>>) dst(%dma_wait3A_177 : memref<10112x64xf32, #tpu.memory_space<vmem_shared>>)
          } else {
          }
          %add3A_161 = arith.constant 4 : i32
          %add3A_162 = arith.addi %add3A_135, %add3A_161 : i32
          %sub3A_163 = arith.constant 1 : i32
          %sub3A_164 = arith.subi %add3A_162, %sub3A_163 : i32
          %dma_start3A_165 = arith.constant 0 : i32
          %dma_start3A_166 = tpu.memref_slice %arg7[%sub3A_164, %dma_start3A_165] : memref<160x128xi32, #tpu.memory_space<vmem>> -> memref<1x128xi32, #tpu.memory_space<vmem>>
          %dma_start3A_167 = tpu.memref_squeeze %dma_start3A_166 : memref<1x128xi32, #tpu.memory_space<vmem>> -> memref<128xi32, #tpu.memory_space<vmem>>
          %dma_start3A_168 = arith.constant 0 : i32
          %dma_start3A_169 = arith.constant 0 : i32
          %dma_start3A_170 = tpu.memref_slice %arg2[%dma_start3A_168, %dma_start3A_169] : memref<20000x64xf32, #tpu.memory_space<hbm>> -> memref<20000x64xf32, #tpu.memory_space<hbm>>
          tpu.enqueue_indirect_dma source(%dma_start3A_170 : memref<20000x64xf32, #tpu.memory_space<hbm>>) target(%arg11 : memref<128x64xf32, #tpu.memory_space<vmem>>) offsets(%dma_start3A_167 : memref<128xi32, #tpu.memory_space<vmem>>) semaphore(%arg16 : memref<!tpu.dma_semaphore, #tpu.memory_space<semaphore_mem>>)
        } else {
        }
      }
      %scan3A_39 = arith.constant 40 : i32
      %dma_wait3A = arith.constant 0 : i32
      %dma_wait3A_40 = arith.constant 0 : i32
      %dma_wait3A_41 = tpu.memref_slice %arg8[%dma_wait3A, %dma_wait3A_40] : memref<160x128xi32, #tpu.memory_space<vmem>> -> memref<1x128xi32, #tpu.memory_space<vmem>>
      %dma_wait3A_42 = tpu.memref_squeeze %dma_wait3A_41 : memref<1x128xi32, #tpu.memory_space<vmem>> -> memref<128xi32, #tpu.memory_space<vmem>>
      %dma_wait3A_43 = arith.constant 0 : i32
      %dma_wait3A_44 = arith.constant 0 : i32
      %dma_wait3A_45 = tpu.memref_slice %arg13[%dma_wait3A_43, %dma_wait3A_44] : memref<10112x64xf32, #tpu.memory_space<vmem_shared>> -> memref<10112x64xf32, #tpu.memory_space<vmem_shared>>
      tpu.wait_indirect_dma semaphore(%arg18 : memref<!tpu.dma_semaphore, #tpu.memory_space<semaphore_mem>>) src(%arg9 : memref<128x64xf32, #tpu.memory_space<vmem>>) dst(%dma_wait3A_45 : memref<10112x64xf32, #tpu.memory_space<vmem_shared>>)
      %dma_wait3A_46 = arith.constant 0 : i32
      %dma_wait3A_47 = arith.constant 0 : i32
      %dma_wait3A_48 = tpu.memref_slice %arg8[%dma_wait3A_46, %dma_wait3A_47] : memref<160x128xi32, #tpu.memory_space<vmem>> -> memref<1x128xi32, #tpu.memory_space<vmem>>
      %dma_wait3A_49 = tpu.memref_squeeze %dma_wait3A_48 : memref<1x128xi32, #tpu.memory_space<vmem>> -> memref<128xi32, #tpu.memory_space<vmem>>
      %dma_wait3A_50 = arith.constant 0 : i32
      %dma_wait3A_51 = arith.constant 0 : i32
      %dma_wait3A_52 = tpu.memref_slice %arg13[%dma_wait3A_50, %dma_wait3A_51] : memref<10112x64xf32, #tpu.memory_space<vmem_shared>> -> memref<10112x64xf32, #tpu.memory_space<vmem_shared>>
      tpu.wait_indirect_dma semaphore(%arg19 : memref<!tpu.dma_semaphore, #tpu.memory_space<semaphore_mem>>) src(%arg10 : memref<128x64xf32, #tpu.memory_space<vmem>>) dst(%dma_wait3A_52 : memref<10112x64xf32, #tpu.memory_space<vmem_shared>>)
      %dma_wait3A_53 = arith.constant 0 : i32
      %dma_wait3A_54 = arith.constant 0 : i32
      %dma_wait3A_55 = tpu.memref_slice %arg8[%dma_wait3A_53, %dma_wait3A_54] : memref<160x128xi32, #tpu.memory_space<vmem>> -> memref<1x128xi32, #tpu.memory_space<vmem>>
      %dma_wait3A_56 = tpu.memref_squeeze %dma_wait3A_55 : memref<1x128xi32, #tpu.memory_space<vmem>> -> memref<128xi32, #tpu.memory_space<vmem>>
      %dma_wait3A_57 = arith.constant 0 : i32
      %dma_wait3A_58 = arith.constant 0 : i32
      %dma_wait3A_59 = tpu.memref_slice %arg13[%dma_wait3A_57, %dma_wait3A_58] : memref<10112x64xf32, #tpu.memory_space<vmem_shared>> -> memref<10112x64xf32, #tpu.memory_space<vmem_shared>>
      tpu.wait_indirect_dma semaphore(%arg20 : memref<!tpu.dma_semaphore, #tpu.memory_space<semaphore_mem>>) src(%arg11 : memref<128x64xf32, #tpu.memory_space<vmem>>) dst(%dma_wait3A_59 : memref<10112x64xf32, #tpu.memory_space<vmem_shared>>)
      %dma_wait3A_60 = arith.constant 0 : i32
      %dma_wait3A_61 = arith.constant 0 : i32
      %dma_wait3A_62 = tpu.memref_slice %arg8[%dma_wait3A_60, %dma_wait3A_61] : memref<160x128xi32, #tpu.memory_space<vmem>> -> memref<1x128xi32, #tpu.memory_space<vmem>>
      %dma_wait3A_63 = tpu.memref_squeeze %dma_wait3A_62 : memref<1x128xi32, #tpu.memory_space<vmem>> -> memref<128xi32, #tpu.memory_space<vmem>>
      %dma_wait3A_64 = arith.constant 0 : i32
      %dma_wait3A_65 = arith.constant 0 : i32
      %dma_wait3A_66 = tpu.memref_slice %arg13[%dma_wait3A_64, %dma_wait3A_65] : memref<10112x64xf32, #tpu.memory_space<vmem_shared>> -> memref<10112x64xf32, #tpu.memory_space<vmem_shared>>
      tpu.wait_indirect_dma semaphore(%arg21 : memref<!tpu.dma_semaphore, #tpu.memory_space<semaphore_mem>>) src(%arg12 : memref<128x64xf32, #tpu.memory_space<vmem>>) dst(%dma_wait3A_66 : memref<10112x64xf32, #tpu.memory_space<vmem_shared>>)
    }
    %scan3A_5 = arith.constant 2 : i32
    %barrier3A_6 = arith.constant 0 : index
    tpu.barrier barrier_id(%barrier3A_6)
    %mul3A_7 = arith.constant 64 : i32
    %mul3A_8 = arith.muli %arg0, %mul3A_7 : i32
    "tpu.region"() ({
      %run_scoped3A = tpu.sem_alloc : memref<!tpu.dma_semaphore, #tpu.memory_space<semaphore_mem>>
      %dma_start3A = tpu.memref_slice %arg6[%mul3A_0, %mul3A_8] : memref<10112x128xf32, #tpu.memory_space<hbm>> -> memref<632x64xf32, #tpu.memory_space<hbm>>
      %dma_start3A_9 = arith.constant 0 : i32
      %dma_start3A_10 = tpu.memref_slice %arg13[%mul3A_0, %dma_start3A_9] : memref<10112x64xf32, #tpu.memory_space<vmem_shared>> -> memref<632x64xf32, #tpu.memory_space<vmem_shared>>
      tpu.enqueue_dma source(%dma_start3A_10 : memref<632x64xf32, #tpu.memory_space<vmem_shared>>) target(%dma_start3A : memref<632x64xf32, #tpu.memory_space<hbm>>) target_semaphore(%run_scoped3A : memref<!tpu.dma_semaphore, #tpu.memory_space<semaphore_mem>>)
      %dma_wait3A = tpu.memref_slice %arg6[%mul3A_0, %mul3A_8] : memref<10112x128xf32, #tpu.memory_space<hbm>> -> memref<632x64xf32, #tpu.memory_space<hbm>>
      %dma_wait3A_11 = arith.constant 0 : i32
      %dma_wait3A_12 = tpu.memref_slice %arg13[%mul3A_0, %dma_wait3A_11] : memref<10112x64xf32, #tpu.memory_space<vmem_shared>> -> memref<632x64xf32, #tpu.memory_space<vmem_shared>>
      tpu.wait_dma2 semaphore(%run_scoped3A : memref<!tpu.dma_semaphore, #tpu.memory_space<semaphore_mem>>) src(%dma_wait3A_12 : memref<632x64xf32, #tpu.memory_space<vmem_shared>>) dst(%dma_wait3A : memref<632x64xf32, #tpu.memory_space<hbm>>)
      tpu.yield
    }) : () -> ()
    return
  }
}

#map = affine_map<(d0, d1) -> (0, 0)>
#map1 = affine_map<(d0, d1) -> (0, 0, 0)>
module attributes {stable_mosaic.version = 14 : i64} {
  func.func @deg(%arg0: i32, %arg1: i32, %arg2: memref<128x16xf32, #tpu.memory_space<hbm>>, %arg3: memref<32x160x128xi32, #tpu.memory_space<hbm>>, %arg4: memref<10112x64xf32, #tpu.memory_space<hbm>>, %arg5: memref<10112x128xf32, #tpu.memory_space<hbm>>, %arg6: memref<160x128xi32, #tpu.memory_space<vmem>>, %arg7: memref<128x16xf32, #tpu.memory_space<vmem>>, %arg8: memref<10112x16xf32, #tpu.memory_space<vmem_shared>>, %arg9: memref<!tpu.dma_semaphore, #tpu.memory_space<semaphore_mem>>, %arg10: memref<!tpu.dma_semaphore, #tpu.memory_space<semaphore_mem>>, %arg11: memref<!tpu.dma_semaphore, #tpu.memory_space<semaphore_mem>>, %arg12: memref<!tpu.dma_semaphore, #tpu.memory_space<semaphore_mem>>) attributes {dimension_semantics = [#tpu.dimension_semantics<core_parallel>, #tpu.dimension_semantics<subcore_parallel>], iteration_bounds = array<i64: 2, 16>, scalar_prefetch = 0 : i64, scratch_operands = 7 : i64, tpu.core_type = #tpu.core_type<sc_vector_subcore>, window_params = [{transform_indices = #map}, {transform_indices = #map1}, {transform_indices = #map}, {transform_indices = #map}]} {
    %mul3A = arith.constant 2 : i32
    %mul3A_0 = arith.muli %arg1, %mul3A : i32
    %add3A = arith.addi %mul3A_0, %arg0 : i32
    %mul3A_1 = arith.constant 632 : i32
    %mul3A_2 = arith.muli %arg1, %mul3A_1 : i32
    "tpu.region"() ({
      %run_scoped3A = tpu.sem_alloc : memref<!tpu.dma_semaphore, #tpu.memory_space<semaphore_mem>>
      %dma_start3A = arith.constant 0 : i32
      %dma_start3A_38 = tpu.memref_slice %arg8[%mul3A_2, %dma_start3A] : memref<10112x16xf32, #tpu.memory_space<vmem_shared>> -> memref<632x16xf32, #tpu.memory_space<vmem_shared>>
      %dma_start3A_39 = arith.constant 0 : i32
      %dma_start3A_40 = tpu.memref_slice %arg4[%mul3A_2, %dma_start3A_39] : memref<10112x64xf32, #tpu.memory_space<hbm>> -> memref<632x16xf32, #tpu.memory_space<hbm>>
      tpu.enqueue_dma source(%dma_start3A_40 : memref<632x16xf32, #tpu.memory_space<hbm>>) target(%dma_start3A_38 : memref<632x16xf32, #tpu.memory_space<vmem_shared>>) target_semaphore(%run_scoped3A : memref<!tpu.dma_semaphore, #tpu.memory_space<semaphore_mem>>)
      %dma_wait3A_41 = arith.constant 0 : i32
      %dma_wait3A_42 = tpu.memref_slice %arg8[%mul3A_2, %dma_wait3A_41] : memref<10112x16xf32, #tpu.memory_space<vmem_shared>> -> memref<632x16xf32, #tpu.memory_space<vmem_shared>>
      %dma_wait3A_43 = arith.constant 0 : i32
      %dma_wait3A_44 = tpu.memref_slice %arg4[%mul3A_2, %dma_wait3A_43] : memref<10112x64xf32, #tpu.memory_space<hbm>> -> memref<632x16xf32, #tpu.memory_space<hbm>>
      tpu.wait_dma2 semaphore(%run_scoped3A : memref<!tpu.dma_semaphore, #tpu.memory_space<semaphore_mem>>) src(%dma_wait3A_44 : memref<632x16xf32, #tpu.memory_space<hbm>>) dst(%dma_wait3A_42 : memref<632x16xf32, #tpu.memory_space<vmem_shared>>)
      tpu.yield
    }) : () -> ()
    "tpu.region"() ({
      %run_scoped3A = tpu.sem_alloc : memref<!tpu.dma_semaphore, #tpu.memory_space<semaphore_mem>>
      %dma_start3A = arith.constant 0 : i32
      %dma_start3A_38 = arith.constant 0 : i32
      %dma_start3A_39 = tpu.memref_slice %arg3[%add3A, %dma_start3A, %dma_start3A_38] : memref<32x160x128xi32, #tpu.memory_space<hbm>> -> memref<1x160x128xi32, #tpu.memory_space<hbm>>
      %dma_start3A_40 = tpu.memref_squeeze %dma_start3A_39 : memref<1x160x128xi32, #tpu.memory_space<hbm>> -> memref<160x128xi32, #tpu.memory_space<hbm>>
      %dma_start3A_41 = arith.constant 0 : i32
      %dma_start3A_42 = arith.constant 0 : i32
      %dma_start3A_43 = tpu.memref_slice %arg3[%add3A, %dma_start3A_41, %dma_start3A_42] : memref<32x160x128xi32, #tpu.memory_space<hbm>> -> memref<1x160x128xi32, #tpu.memory_space<hbm>>
      %dma_start3A_44 = tpu.memref_squeeze %dma_start3A_43 : memref<1x160x128xi32, #tpu.memory_space<hbm>> -> memref<160x128xi32, #tpu.memory_space<hbm>>
      tpu.enqueue_dma source(%dma_start3A_44 : memref<160x128xi32, #tpu.memory_space<hbm>>) target(%arg6 : memref<160x128xi32, #tpu.memory_space<vmem>>) target_semaphore(%run_scoped3A : memref<!tpu.dma_semaphore, #tpu.memory_space<semaphore_mem>>)
      %dma_wait3A_45 = arith.constant 0 : i32
      %dma_wait3A_46 = arith.constant 0 : i32
      %dma_wait3A_47 = tpu.memref_slice %arg3[%add3A, %dma_wait3A_45, %dma_wait3A_46] : memref<32x160x128xi32, #tpu.memory_space<hbm>> -> memref<1x160x128xi32, #tpu.memory_space<hbm>>
      %dma_wait3A_48 = tpu.memref_squeeze %dma_wait3A_47 : memref<1x160x128xi32, #tpu.memory_space<hbm>> -> memref<160x128xi32, #tpu.memory_space<hbm>>
      %dma_wait3A_49 = arith.constant 0 : i32
      %dma_wait3A_50 = arith.constant 0 : i32
      %dma_wait3A_51 = tpu.memref_slice %arg3[%add3A, %dma_wait3A_49, %dma_wait3A_50] : memref<32x160x128xi32, #tpu.memory_space<hbm>> -> memref<1x160x128xi32, #tpu.memory_space<hbm>>
      %dma_wait3A_52 = tpu.memref_squeeze %dma_wait3A_51 : memref<1x160x128xi32, #tpu.memory_space<hbm>> -> memref<160x128xi32, #tpu.memory_space<hbm>>
      tpu.wait_dma2 semaphore(%run_scoped3A : memref<!tpu.dma_semaphore, #tpu.memory_space<semaphore_mem>>) src(%dma_wait3A_52 : memref<160x128xi32, #tpu.memory_space<hbm>>) dst(%arg6 : memref<160x128xi32, #tpu.memory_space<vmem>>)
      tpu.yield
    }) : () -> ()
    "tpu.region"() ({
      %run_scoped3A = tpu.sem_alloc : memref<!tpu.dma_semaphore, #tpu.memory_space<semaphore_mem>>
      tpu.enqueue_dma source(%arg2 : memref<128x16xf32, #tpu.memory_space<hbm>>) target(%arg7 : memref<128x16xf32, #tpu.memory_space<vmem>>) target_semaphore(%run_scoped3A : memref<!tpu.dma_semaphore, #tpu.memory_space<semaphore_mem>>)
      tpu.wait_dma2 semaphore(%run_scoped3A : memref<!tpu.dma_semaphore, #tpu.memory_space<semaphore_mem>>) src(%arg2 : memref<128x16xf32, #tpu.memory_space<hbm>>) dst(%arg7 : memref<128x16xf32, #tpu.memory_space<vmem>>)
      tpu.yield
    }) : () -> ()
    %barrier3A = arith.constant 0 : index
    tpu.barrier barrier_id(%barrier3A)
    %scan3A = arith.constant 0 : i32
    %scan3A_3 = arith.constant 0 : i32
    %scan3A_4 = arith.constant 40 : i32
    %scan3A_5 = arith.addi %scan3A_3, %scan3A_4 : i32
    %scan3A_6 = arith.constant 1 : i32
    scf.for %scan3A_38 = %scan3A_3 to %scan3A_5 step %scan3A_6  : i32 {
      %mul3A_39 = arith.constant 4 : i32
      %mul3A_40 = arith.muli %mul3A_39, %scan3A_38 : i32
      %add3A_41 = arith.constant 0 : i32
      %add3A_42 = arith.addi %mul3A_40, %add3A_41 : i32
      %ge3A = arith.constant 4 : i32
      %ge3A_43 = arith.cmpi sge, %add3A_42, %ge3A : i32
      %convert_element_type3A = arith.extui %ge3A_43 : i1 to i32
      %cond3A = arith.constant 0 : i32
      %cond3A_44 = arith.cmpi ne, %convert_element_type3A, %cond3A : i32
      scf.if %cond3A_44 {
        %dma_wait3A_89 = arith.constant 0 : i32
        %dma_wait3A_90 = arith.constant 0 : i32
        %dma_wait3A_91 = tpu.memref_slice %arg6[%dma_wait3A_89, %dma_wait3A_90] : memref<160x128xi32, #tpu.memory_space<vmem>> -> memref<1x128xi32, #tpu.memory_space<vmem>>
        %dma_wait3A_92 = tpu.memref_squeeze %dma_wait3A_91 : memref<1x128xi32, #tpu.memory_space<vmem>> -> memref<128xi32, #tpu.memory_space<vmem>>
        %dma_wait3A_93 = arith.constant 0 : i32
        %dma_wait3A_94 = arith.constant 0 : i32
        %dma_wait3A_95 = tpu.memref_slice %arg8[%dma_wait3A_93, %dma_wait3A_94] : memref<10112x16xf32, #tpu.memory_space<vmem_shared>> -> memref<10112x16xf32, #tpu.memory_space<vmem_shared>>
        tpu.wait_indirect_dma semaphore(%arg9 : memref<!tpu.dma_semaphore, #tpu.memory_space<semaphore_mem>>) src(%arg7 : memref<128x16xf32, #tpu.memory_space<vmem>>) dst(%dma_wait3A_95 : memref<10112x16xf32, #tpu.memory_space<vmem_shared>>)
      } else {
      }
      %dma_start3A = arith.constant 0 : i32
      %dma_start3A_45 = tpu.memref_slice %arg6[%add3A_42, %dma_start3A] : memref<160x128xi32, #tpu.memory_space<vmem>> -> memref<1x128xi32, #tpu.memory_space<vmem>>
      %dma_start3A_46 = tpu.memref_squeeze %dma_start3A_45 : memref<1x128xi32, #tpu.memory_space<vmem>> -> memref<128xi32, #tpu.memory_space<vmem>>
      %dma_start3A_47 = arith.constant 0 : i32
      %dma_start3A_48 = arith.constant 0 : i32
      %dma_start3A_49 = tpu.memref_slice %arg8[%dma_start3A_47, %dma_start3A_48] : memref<10112x16xf32, #tpu.memory_space<vmem_shared>> -> memref<10112x16xf32, #tpu.memory_space<vmem_shared>>
      tpu.enqueue_indirect_dma source(%arg7 : memref<128x16xf32, #tpu.memory_space<vmem>>) target(%dma_start3A_49 : memref<10112x16xf32, #tpu.memory_space<vmem_shared>>) offsets(%dma_start3A_46 : memref<128xi32, #tpu.memory_space<vmem>>) semaphore(%arg9 : memref<!tpu.dma_semaphore, #tpu.memory_space<semaphore_mem>>) {add = true}
      %add3A_50 = arith.constant 1 : i32
      %add3A_51 = arith.addi %mul3A_40, %add3A_50 : i32
      %ge3A_52 = arith.constant 4 : i32
      %ge3A_53 = arith.cmpi sge, %add3A_51, %ge3A_52 : i32
      %convert_element_type3A_54 = arith.extui %ge3A_53 : i1 to i32
      %cond3A_55 = arith.constant 0 : i32
      %cond3A_56 = arith.cmpi ne, %convert_element_type3A_54, %cond3A_55 : i32
      scf.if %cond3A_56 {
        %dma_wait3A_89 = arith.constant 0 : i32
        %dma_wait3A_90 = arith.constant 0 : i32
        %dma_wait3A_91 = tpu.memref_slice %arg6[%dma_wait3A_89, %dma_wait3A_90] : memref<160x128xi32, #tpu.memory_space<vmem>> -> memref<1x128xi32, #tpu.memory_space<vmem>>
        %dma_wait3A_92 = tpu.memref_squeeze %dma_wait3A_91 : memref<1x128xi32, #tpu.memory_space<vmem>> -> memref<128xi32, #tpu.memory_space<vmem>>
        %dma_wait3A_93 = arith.constant 0 : i32
        %dma_wait3A_94 = arith.constant 0 : i32
        %dma_wait3A_95 = tpu.memref_slice %arg8[%dma_wait3A_93, %dma_wait3A_94] : memref<10112x16xf32, #tpu.memory_space<vmem_shared>> -> memref<10112x16xf32, #tpu.memory_space<vmem_shared>>
        tpu.wait_indirect_dma semaphore(%arg10 : memref<!tpu.dma_semaphore, #tpu.memory_space<semaphore_mem>>) src(%arg7 : memref<128x16xf32, #tpu.memory_space<vmem>>) dst(%dma_wait3A_95 : memref<10112x16xf32, #tpu.memory_space<vmem_shared>>)
      } else {
      }
      %dma_start3A_57 = arith.constant 0 : i32
      %dma_start3A_58 = tpu.memref_slice %arg6[%add3A_51, %dma_start3A_57] : memref<160x128xi32, #tpu.memory_space<vmem>> -> memref<1x128xi32, #tpu.memory_space<vmem>>
      %dma_start3A_59 = tpu.memref_squeeze %dma_start3A_58 : memref<1x128xi32, #tpu.memory_space<vmem>> -> memref<128xi32, #tpu.memory_space<vmem>>
      %dma_start3A_60 = arith.constant 0 : i32
      %dma_start3A_61 = arith.constant 0 : i32
      %dma_start3A_62 = tpu.memref_slice %arg8[%dma_start3A_60, %dma_start3A_61] : memref<10112x16xf32, #tpu.memory_space<vmem_shared>> -> memref<10112x16xf32, #tpu.memory_space<vmem_shared>>
      tpu.enqueue_indirect_dma source(%arg7 : memref<128x16xf32, #tpu.memory_space<vmem>>) target(%dma_start3A_62 : memref<10112x16xf32, #tpu.memory_space<vmem_shared>>) offsets(%dma_start3A_59 : memref<128xi32, #tpu.memory_space<vmem>>) semaphore(%arg10 : memref<!tpu.dma_semaphore, #tpu.memory_space<semaphore_mem>>) {add = true}
      %add3A_63 = arith.constant 2 : i32
      %add3A_64 = arith.addi %mul3A_40, %add3A_63 : i32
      %ge3A_65 = arith.constant 4 : i32
      %ge3A_66 = arith.cmpi sge, %add3A_64, %ge3A_65 : i32
      %convert_element_type3A_67 = arith.extui %ge3A_66 : i1 to i32
      %cond3A_68 = arith.constant 0 : i32
      %cond3A_69 = arith.cmpi ne, %convert_element_type3A_67, %cond3A_68 : i32
      scf.if %cond3A_69 {
        %dma_wait3A_89 = arith.constant 0 : i32
        %dma_wait3A_90 = arith.constant 0 : i32
        %dma_wait3A_91 = tpu.memref_slice %arg6[%dma_wait3A_89, %dma_wait3A_90] : memref<160x128xi32, #tpu.memory_space<vmem>> -> memref<1x128xi32, #tpu.memory_space<vmem>>
        %dma_wait3A_92 = tpu.memref_squeeze %dma_wait3A_91 : memref<1x128xi32, #tpu.memory_space<vmem>> -> memref<128xi32, #tpu.memory_space<vmem>>
        %dma_wait3A_93 = arith.constant 0 : i32
        %dma_wait3A_94 = arith.constant 0 : i32
        %dma_wait3A_95 = tpu.memref_slice %arg8[%dma_wait3A_93, %dma_wait3A_94] : memref<10112x16xf32, #tpu.memory_space<vmem_shared>> -> memref<10112x16xf32, #tpu.memory_space<vmem_shared>>
        tpu.wait_indirect_dma semaphore(%arg11 : memref<!tpu.dma_semaphore, #tpu.memory_space<semaphore_mem>>) src(%arg7 : memref<128x16xf32, #tpu.memory_space<vmem>>) dst(%dma_wait3A_95 : memref<10112x16xf32, #tpu.memory_space<vmem_shared>>)
      } else {
      }
      %dma_start3A_70 = arith.constant 0 : i32
      %dma_start3A_71 = tpu.memref_slice %arg6[%add3A_64, %dma_start3A_70] : memref<160x128xi32, #tpu.memory_space<vmem>> -> memref<1x128xi32, #tpu.memory_space<vmem>>
      %dma_start3A_72 = tpu.memref_squeeze %dma_start3A_71 : memref<1x128xi32, #tpu.memory_space<vmem>> -> memref<128xi32, #tpu.memory_space<vmem>>
      %dma_start3A_73 = arith.constant 0 : i32
      %dma_start3A_74 = arith.constant 0 : i32
      %dma_start3A_75 = tpu.memref_slice %arg8[%dma_start3A_73, %dma_start3A_74] : memref<10112x16xf32, #tpu.memory_space<vmem_shared>> -> memref<10112x16xf32, #tpu.memory_space<vmem_shared>>
      tpu.enqueue_indirect_dma source(%arg7 : memref<128x16xf32, #tpu.memory_space<vmem>>) target(%dma_start3A_75 : memref<10112x16xf32, #tpu.memory_space<vmem_shared>>) offsets(%dma_start3A_72 : memref<128xi32, #tpu.memory_space<vmem>>) semaphore(%arg11 : memref<!tpu.dma_semaphore, #tpu.memory_space<semaphore_mem>>) {add = true}
      %add3A_76 = arith.constant 3 : i32
      %add3A_77 = arith.addi %mul3A_40, %add3A_76 : i32
      %ge3A_78 = arith.constant 4 : i32
      %ge3A_79 = arith.cmpi sge, %add3A_77, %ge3A_78 : i32
      %convert_element_type3A_80 = arith.extui %ge3A_79 : i1 to i32
      %cond3A_81 = arith.constant 0 : i32
      %cond3A_82 = arith.cmpi ne, %convert_element_type3A_80, %cond3A_81 : i32
      scf.if %cond3A_82 {
        %dma_wait3A_89 = arith.constant 0 : i32
        %dma_wait3A_90 = arith.constant 0 : i32
        %dma_wait3A_91 = tpu.memref_slice %arg6[%dma_wait3A_89, %dma_wait3A_90] : memref<160x128xi32, #tpu.memory_space<vmem>> -> memref<1x128xi32, #tpu.memory_space<vmem>>
        %dma_wait3A_92 = tpu.memref_squeeze %dma_wait3A_91 : memref<1x128xi32, #tpu.memory_space<vmem>> -> memref<128xi32, #tpu.memory_space<vmem>>
        %dma_wait3A_93 = arith.constant 0 : i32
        %dma_wait3A_94 = arith.constant 0 : i32
        %dma_wait3A_95 = tpu.memref_slice %arg8[%dma_wait3A_93, %dma_wait3A_94] : memref<10112x16xf32, #tpu.memory_space<vmem_shared>> -> memref<10112x16xf32, #tpu.memory_space<vmem_shared>>
        tpu.wait_indirect_dma semaphore(%arg12 : memref<!tpu.dma_semaphore, #tpu.memory_space<semaphore_mem>>) src(%arg7 : memref<128x16xf32, #tpu.memory_space<vmem>>) dst(%dma_wait3A_95 : memref<10112x16xf32, #tpu.memory_space<vmem_shared>>)
      } else {
      }
      %dma_start3A_83 = arith.constant 0 : i32
      %dma_start3A_84 = tpu.memref_slice %arg6[%add3A_77, %dma_start3A_83] : memref<160x128xi32, #tpu.memory_space<vmem>> -> memref<1x128xi32, #tpu.memory_space<vmem>>
      %dma_start3A_85 = tpu.memref_squeeze %dma_start3A_84 : memref<1x128xi32, #tpu.memory_space<vmem>> -> memref<128xi32, #tpu.memory_space<vmem>>
      %dma_start3A_86 = arith.constant 0 : i32
      %dma_start3A_87 = arith.constant 0 : i32
      %dma_start3A_88 = tpu.memref_slice %arg8[%dma_start3A_86, %dma_start3A_87] : memref<10112x16xf32, #tpu.memory_space<vmem_shared>> -> memref<10112x16xf32, #tpu.memory_space<vmem_shared>>
      tpu.enqueue_indirect_dma source(%arg7 : memref<128x16xf32, #tpu.memory_space<vmem>>) target(%dma_start3A_88 : memref<10112x16xf32, #tpu.memory_space<vmem_shared>>) offsets(%dma_start3A_85 : memref<128xi32, #tpu.memory_space<vmem>>) semaphore(%arg12 : memref<!tpu.dma_semaphore, #tpu.memory_space<semaphore_mem>>) {add = true}
    }
    %scan3A_7 = arith.constant 40 : i32
    %dma_wait3A = arith.constant 0 : i32
    %dma_wait3A_8 = arith.constant 0 : i32
    %dma_wait3A_9 = tpu.memref_slice %arg6[%dma_wait3A, %dma_wait3A_8] : memref<160x128xi32, #tpu.memory_space<vmem>> -> memref<1x128xi32, #tpu.memory_space<vmem>>
    %dma_wait3A_10 = tpu.memref_squeeze %dma_wait3A_9 : memref<1x128xi32, #tpu.memory_space<vmem>> -> memref<128xi32, #tpu.memory_space<vmem>>
    %dma_wait3A_11 = arith.constant 0 : i32
    %dma_wait3A_12 = arith.constant 0 : i32
    %dma_wait3A_13 = tpu.memref_slice %arg8[%dma_wait3A_11, %dma_wait3A_12] : memref<10112x16xf32, #tpu.memory_space<vmem_shared>> -> memref<10112x16xf32, #tpu.memory_space<vmem_shared>>
    tpu.wait_indirect_dma semaphore(%arg9 : memref<!tpu.dma_semaphore, #tpu.memory_space<semaphore_mem>>) src(%arg7 : memref<128x16xf32, #tpu.memory_space<vmem>>) dst(%dma_wait3A_13 : memref<10112x16xf32, #tpu.memory_space<vmem_shared>>)
    %dma_wait3A_14 = arith.constant 0 : i32
    %dma_wait3A_15 = arith.constant 0 : i32
    %dma_wait3A_16 = tpu.memref_slice %arg6[%dma_wait3A_14, %dma_wait3A_15] : memref<160x128xi32, #tpu.memory_space<vmem>> -> memref<1x128xi32, #tpu.memory_space<vmem>>
    %dma_wait3A_17 = tpu.memref_squeeze %dma_wait3A_16 : memref<1x128xi32, #tpu.memory_space<vmem>> -> memref<128xi32, #tpu.memory_space<vmem>>
    %dma_wait3A_18 = arith.constant 0 : i32
    %dma_wait3A_19 = arith.constant 0 : i32
    %dma_wait3A_20 = tpu.memref_slice %arg8[%dma_wait3A_18, %dma_wait3A_19] : memref<10112x16xf32, #tpu.memory_space<vmem_shared>> -> memref<10112x16xf32, #tpu.memory_space<vmem_shared>>
    tpu.wait_indirect_dma semaphore(%arg10 : memref<!tpu.dma_semaphore, #tpu.memory_space<semaphore_mem>>) src(%arg7 : memref<128x16xf32, #tpu.memory_space<vmem>>) dst(%dma_wait3A_20 : memref<10112x16xf32, #tpu.memory_space<vmem_shared>>)
    %dma_wait3A_21 = arith.constant 0 : i32
    %dma_wait3A_22 = arith.constant 0 : i32
    %dma_wait3A_23 = tpu.memref_slice %arg6[%dma_wait3A_21, %dma_wait3A_22] : memref<160x128xi32, #tpu.memory_space<vmem>> -> memref<1x128xi32, #tpu.memory_space<vmem>>
    %dma_wait3A_24 = tpu.memref_squeeze %dma_wait3A_23 : memref<1x128xi32, #tpu.memory_space<vmem>> -> memref<128xi32, #tpu.memory_space<vmem>>
    %dma_wait3A_25 = arith.constant 0 : i32
    %dma_wait3A_26 = arith.constant 0 : i32
    %dma_wait3A_27 = tpu.memref_slice %arg8[%dma_wait3A_25, %dma_wait3A_26] : memref<10112x16xf32, #tpu.memory_space<vmem_shared>> -> memref<10112x16xf32, #tpu.memory_space<vmem_shared>>
    tpu.wait_indirect_dma semaphore(%arg11 : memref<!tpu.dma_semaphore, #tpu.memory_space<semaphore_mem>>) src(%arg7 : memref<128x16xf32, #tpu.memory_space<vmem>>) dst(%dma_wait3A_27 : memref<10112x16xf32, #tpu.memory_space<vmem_shared>>)
    %dma_wait3A_28 = arith.constant 0 : i32
    %dma_wait3A_29 = arith.constant 0 : i32
    %dma_wait3A_30 = tpu.memref_slice %arg6[%dma_wait3A_28, %dma_wait3A_29] : memref<160x128xi32, #tpu.memory_space<vmem>> -> memref<1x128xi32, #tpu.memory_space<vmem>>
    %dma_wait3A_31 = tpu.memref_squeeze %dma_wait3A_30 : memref<1x128xi32, #tpu.memory_space<vmem>> -> memref<128xi32, #tpu.memory_space<vmem>>
    %dma_wait3A_32 = arith.constant 0 : i32
    %dma_wait3A_33 = arith.constant 0 : i32
    %dma_wait3A_34 = tpu.memref_slice %arg8[%dma_wait3A_32, %dma_wait3A_33] : memref<10112x16xf32, #tpu.memory_space<vmem_shared>> -> memref<10112x16xf32, #tpu.memory_space<vmem_shared>>
    tpu.wait_indirect_dma semaphore(%arg12 : memref<!tpu.dma_semaphore, #tpu.memory_space<semaphore_mem>>) src(%arg7 : memref<128x16xf32, #tpu.memory_space<vmem>>) dst(%dma_wait3A_34 : memref<10112x16xf32, #tpu.memory_space<vmem_shared>>)
    %barrier3A_35 = arith.constant 0 : index
    tpu.barrier barrier_id(%barrier3A_35)
    %mul3A_36 = arith.constant 16 : i32
    %mul3A_37 = arith.muli %arg0, %mul3A_36 : i32
    "tpu.region"() ({
      %run_scoped3A = tpu.sem_alloc : memref<!tpu.dma_semaphore, #tpu.memory_space<semaphore_mem>>
      %dma_start3A = tpu.memref_slice %arg5[%mul3A_2, %mul3A_37] : memref<10112x128xf32, #tpu.memory_space<hbm>> -> memref<632x16xf32, #tpu.memory_space<hbm>>
      %dma_start3A_38 = arith.constant 0 : i32
      %dma_start3A_39 = tpu.memref_slice %arg8[%mul3A_2, %dma_start3A_38] : memref<10112x16xf32, #tpu.memory_space<vmem_shared>> -> memref<632x16xf32, #tpu.memory_space<vmem_shared>>
      tpu.enqueue_dma source(%dma_start3A_39 : memref<632x16xf32, #tpu.memory_space<vmem_shared>>) target(%dma_start3A : memref<632x16xf32, #tpu.memory_space<hbm>>) target_semaphore(%run_scoped3A : memref<!tpu.dma_semaphore, #tpu.memory_space<semaphore_mem>>)
      %dma_wait3A_40 = tpu.memref_slice %arg5[%mul3A_2, %mul3A_37] : memref<10112x128xf32, #tpu.memory_space<hbm>> -> memref<632x16xf32, #tpu.memory_space<hbm>>
      %dma_wait3A_41 = arith.constant 0 : i32
      %dma_wait3A_42 = tpu.memref_slice %arg8[%mul3A_2, %dma_wait3A_41] : memref<10112x16xf32, #tpu.memory_space<vmem_shared>> -> memref<632x16xf32, #tpu.memory_space<vmem_shared>>
      tpu.wait_dma2 semaphore(%run_scoped3A : memref<!tpu.dma_semaphore, #tpu.memory_space<semaphore_mem>>) src(%dma_wait3A_42 : memref<632x16xf32, #tpu.memory_space<vmem_shared>>) dst(%dma_wait3A_40 : memref<632x16xf32, #tpu.memory_space<hbm>>)
      tpu.yield
    }) : () -> ()
    return
  }
}

#map = affine_map<(d0, d1) -> (0, 0)>
#map1 = affine_map<(d0, d1) -> (0, 0, 0, 0)>
#map2 = affine_map<(d0, d1) -> (0, 0, 0)>
module attributes {stable_mosaic.version = 14 : i64} {
  func.func @agg(%arg0: i32, %arg1: i32, %arg2: memref<20000x64xf32, #tpu.memory_space<hbm>>, %arg3: memref<2x16x320x128xi32, #tpu.memory_space<hbm>>, %arg4: memref<16x320x128xi32, #tpu.memory_space<hbm>>, %arg5: memref<10112x64xf32, #tpu.memory_space<hbm>>, %arg6: memref<10112x128xf32, #tpu.memory_space<hbm>>, %arg7: memref<160x128xi32, #tpu.memory_space<vmem>>, %arg8: memref<160x128xi32, #tpu.memory_space<vmem>>, %arg9: memref<128x64xf32, #tpu.memory_space<vmem>>, %arg10: memref<128x64xf32, #tpu.memory_space<vmem>>, %arg11: memref<128x64xf32, #tpu.memory_space<vmem>>, %arg12: memref<128x64xf32, #tpu.memory_space<vmem>>, %arg13: memref<10112x64xf32, #tpu.memory_space<vmem_shared>>, %arg14: memref<!tpu.dma_semaphore, #tpu.memory_space<semaphore_mem>>, %arg15: memref<!tpu.dma_semaphore, #tpu.memory_space<semaphore_mem>>, %arg16: memref<!tpu.dma_semaphore, #tpu.memory_space<semaphore_mem>>, %arg17: memref<!tpu.dma_semaphore, #tpu.memory_space<semaphore_mem>>, %arg18: memref<!tpu.dma_semaphore, #tpu.memory_space<semaphore_mem>>, %arg19: memref<!tpu.dma_semaphore, #tpu.memory_space<semaphore_mem>>, %arg20: memref<!tpu.dma_semaphore, #tpu.memory_space<semaphore_mem>>, %arg21: memref<!tpu.dma_semaphore, #tpu.memory_space<semaphore_mem>>) attributes {dimension_semantics = [#tpu.dimension_semantics<core_parallel>, #tpu.dimension_semantics<subcore_parallel>], iteration_bounds = array<i64: 2, 16>, scalar_prefetch = 0 : i64, scratch_operands = 15 : i64, tpu.core_type = #tpu.core_type<sc_vector_subcore>, window_params = [{transform_indices = #map}, {transform_indices = #map1}, {transform_indices = #map2}, {transform_indices = #map}, {transform_indices = #map}]} {
    %mul3A = arith.constant 632 : i32
    %mul3A_0 = arith.muli %arg1, %mul3A : i32
    "tpu.region"() ({
      %run_scoped3A = tpu.sem_alloc : memref<!tpu.dma_semaphore, #tpu.memory_space<semaphore_mem>>
      %dma_start3A = arith.constant 0 : i32
      %dma_start3A_9 = tpu.memref_slice %arg13[%mul3A_0, %dma_start3A] : memref<10112x64xf32, #tpu.memory_space<vmem_shared>> -> memref<632x64xf32, #tpu.memory_space<vmem_shared>>
      %dma_start3A_10 = arith.constant 0 : i32
      %dma_start3A_11 = tpu.memref_slice %arg5[%mul3A_0, %dma_start3A_10] : memref<10112x64xf32, #tpu.memory_space<hbm>> -> memref<632x64xf32, #tpu.memory_space<hbm>>
      tpu.enqueue_dma source(%dma_start3A_11 : memref<632x64xf32, #tpu.memory_space<hbm>>) target(%dma_start3A_9 : memref<632x64xf32, #tpu.memory_space<vmem_shared>>) target_semaphore(%run_scoped3A : memref<!tpu.dma_semaphore, #tpu.memory_space<semaphore_mem>>)
      %dma_wait3A = arith.constant 0 : i32
      %dma_wait3A_12 = tpu.memref_slice %arg13[%mul3A_0, %dma_wait3A] : memref<10112x64xf32, #tpu.memory_space<vmem_shared>> -> memref<632x64xf32, #tpu.memory_space<vmem_shared>>
      %dma_wait3A_13 = arith.constant 0 : i32
      %dma_wait3A_14 = tpu.memref_slice %arg5[%mul3A_0, %dma_wait3A_13] : memref<10112x64xf32, #tpu.memory_space<hbm>> -> memref<632x64xf32, #tpu.memory_space<hbm>>
      tpu.wait_dma2 semaphore(%run_scoped3A : memref<!tpu.dma_semaphore, #tpu.memory_space<semaphore_mem>>) src(%dma_wait3A_14 : memref<632x64xf32, #tpu.memory_space<hbm>>) dst(%dma_wait3A_12 : memref<632x64xf32, #tpu.memory_space<vmem_shared>>)
      tpu.yield
    }) : () -> ()
    %barrier3A = arith.constant 0 : index
    tpu.barrier barrier_id(%barrier3A)
    %scan3A = arith.constant 0 : i32
    %scan3A_1 = arith.constant 0 : i32
    %scan3A_2 = arith.constant 2 : i32
    %scan3A_3 = arith.addi %scan3A_1, %scan3A_2 : i32
    %scan3A_4 = arith.constant 1 : i32
    scf.for %scan3A_9 = %scan3A_1 to %scan3A_3 step %scan3A_4  : i32 {
      %mul3A_10 = arith.constant 160 : i32
      %mul3A_11 = arith.muli %scan3A_9, %mul3A_10 : i32
      "tpu.region"() ({
        %run_scoped3A = tpu.sem_alloc : memref<!tpu.dma_semaphore, #tpu.memory_space<semaphore_mem>>
        %dma_start3A_67 = arith.constant 0 : i32
        %dma_start3A_68 = tpu.memref_slice %arg3[%arg0, %arg1, %mul3A_11, %dma_start3A_67] : memref<2x16x320x128xi32, #tpu.memory_space<hbm>> -> memref<1x1x160x128xi32, #tpu.memory_space<hbm>>
        %dma_start3A_69 = tpu.memref_squeeze %dma_start3A_68 : memref<1x1x160x128xi32, #tpu.memory_space<hbm>> -> memref<160x128xi32, #tpu.memory_space<hbm>>
        %dma_start3A_70 = arith.constant 0 : i32
        %dma_start3A_71 = tpu.memref_slice %arg3[%arg0, %arg1, %mul3A_11, %dma_start3A_70] : memref<2x16x320x128xi32, #tpu.memory_space<hbm>> -> memref<1x1x160x128xi32, #tpu.memory_space<hbm>>
        %dma_start3A_72 = tpu.memref_squeeze %dma_start3A_71 : memref<1x1x160x128xi32, #tpu.memory_space<hbm>> -> memref<160x128xi32, #tpu.memory_space<hbm>>
        tpu.enqueue_dma source(%dma_start3A_72 : memref<160x128xi32, #tpu.memory_space<hbm>>) target(%arg7 : memref<160x128xi32, #tpu.memory_space<vmem>>) target_semaphore(%run_scoped3A : memref<!tpu.dma_semaphore, #tpu.memory_space<semaphore_mem>>)
        %dma_wait3A_73 = arith.constant 0 : i32
        %dma_wait3A_74 = tpu.memref_slice %arg3[%arg0, %arg1, %mul3A_11, %dma_wait3A_73] : memref<2x16x320x128xi32, #tpu.memory_space<hbm>> -> memref<1x1x160x128xi32, #tpu.memory_space<hbm>>
        %dma_wait3A_75 = tpu.memref_squeeze %dma_wait3A_74 : memref<1x1x160x128xi32, #tpu.memory_space<hbm>> -> memref<160x128xi32, #tpu.memory_space<hbm>>
        %dma_wait3A_76 = arith.constant 0 : i32
        %dma_wait3A_77 = tpu.memref_slice %arg3[%arg0, %arg1, %mul3A_11, %dma_wait3A_76] : memref<2x16x320x128xi32, #tpu.memory_space<hbm>> -> memref<1x1x160x128xi32, #tpu.memory_space<hbm>>
        %dma_wait3A_78 = tpu.memref_squeeze %dma_wait3A_77 : memref<1x1x160x128xi32, #tpu.memory_space<hbm>> -> memref<160x128xi32, #tpu.memory_space<hbm>>
        tpu.wait_dma2 semaphore(%run_scoped3A : memref<!tpu.dma_semaphore, #tpu.memory_space<semaphore_mem>>) src(%dma_wait3A_78 : memref<160x128xi32, #tpu.memory_space<hbm>>) dst(%arg7 : memref<160x128xi32, #tpu.memory_space<vmem>>)
        tpu.yield
      }) : () -> ()
      %mul3A_12 = arith.constant 160 : i32
      %mul3A_13 = arith.muli %scan3A_9, %mul3A_12 : i32
      "tpu.region"() ({
        %run_scoped3A = tpu.sem_alloc : memref<!tpu.dma_semaphore, #tpu.memory_space<semaphore_mem>>
        %dma_start3A_67 = arith.constant 0 : i32
        %dma_start3A_68 = tpu.memref_slice %arg4[%arg1, %mul3A_13, %dma_start3A_67] : memref<16x320x128xi32, #tpu.memory_space<hbm>> -> memref<1x160x128xi32, #tpu.memory_space<hbm>>
        %dma_start3A_69 = tpu.memref_squeeze %dma_start3A_68 : memref<1x160x128xi32, #tpu.memory_space<hbm>> -> memref<160x128xi32, #tpu.memory_space<hbm>>
        %dma_start3A_70 = arith.constant 0 : i32
        %dma_start3A_71 = tpu.memref_slice %arg4[%arg1, %mul3A_13, %dma_start3A_70] : memref<16x320x128xi32, #tpu.memory_space<hbm>> -> memref<1x160x128xi32, #tpu.memory_space<hbm>>
        %dma_start3A_72 = tpu.memref_squeeze %dma_start3A_71 : memref<1x160x128xi32, #tpu.memory_space<hbm>> -> memref<160x128xi32, #tpu.memory_space<hbm>>
        tpu.enqueue_dma source(%dma_start3A_72 : memref<160x128xi32, #tpu.memory_space<hbm>>) target(%arg8 : memref<160x128xi32, #tpu.memory_space<vmem>>) target_semaphore(%run_scoped3A : memref<!tpu.dma_semaphore, #tpu.memory_space<semaphore_mem>>)
        %dma_wait3A_73 = arith.constant 0 : i32
        %dma_wait3A_74 = tpu.memref_slice %arg4[%arg1, %mul3A_13, %dma_wait3A_73] : memref<16x320x128xi32, #tpu.memory_space<hbm>> -> memref<1x160x128xi32, #tpu.memory_space<hbm>>
        %dma_wait3A_75 = tpu.memref_squeeze %dma_wait3A_74 : memref<1x160x128xi32, #tpu.memory_space<hbm>> -> memref<160x128xi32, #tpu.memory_space<hbm>>
        %dma_wait3A_76 = arith.constant 0 : i32
        %dma_wait3A_77 = tpu.memref_slice %arg4[%arg1, %mul3A_13, %dma_wait3A_76] : memref<16x320x128xi32, #tpu.memory_space<hbm>> -> memref<1x160x128xi32, #tpu.memory_space<hbm>>
        %dma_wait3A_78 = tpu.memref_squeeze %dma_wait3A_77 : memref<1x160x128xi32, #tpu.memory_space<hbm>> -> memref<160x128xi32, #tpu.memory_space<hbm>>
        tpu.wait_dma2 semaphore(%run_scoped3A : memref<!tpu.dma_semaphore, #tpu.memory_space<semaphore_mem>>) src(%dma_wait3A_78 : memref<160x128xi32, #tpu.memory_space<hbm>>) dst(%arg8 : memref<160x128xi32, #tpu.memory_space<vmem>>)
        tpu.yield
      }) : () -> ()
      %dma_start3A = arith.constant 0 : i32
      %dma_start3A_14 = arith.constant 0 : i32
      %dma_start3A_15 = tpu.memref_slice %arg7[%dma_start3A, %dma_start3A_14] : memref<160x128xi32, #tpu.memory_space<vmem>> -> memref<1x128xi32, #tpu.memory_space<vmem>>
      %dma_start3A_16 = tpu.memref_squeeze %dma_start3A_15 : memref<1x128xi32, #tpu.memory_space<vmem>> -> memref<128xi32, #tpu.memory_space<vmem>>
      %dma_start3A_17 = arith.constant 0 : i32
      %dma_start3A_18 = arith.constant 0 : i32
      %dma_start3A_19 = tpu.memref_slice %arg2[%dma_start3A_17, %dma_start3A_18] : memref<20000x64xf32, #tpu.memory_space<hbm>> -> memref<20000x64xf32, #tpu.memory_space<hbm>>
      tpu.enqueue_indirect_dma source(%dma_start3A_19 : memref<20000x64xf32, #tpu.memory_space<hbm>>) target(%arg9 : memref<128x64xf32, #tpu.memory_space<vmem>>) offsets(%dma_start3A_16 : memref<128xi32, #tpu.memory_space<vmem>>) semaphore(%arg14 : memref<!tpu.dma_semaphore, #tpu.memory_space<semaphore_mem>>)
      %dma_start3A_20 = arith.constant 1 : i32
      %dma_start3A_21 = arith.constant 0 : i32
      %dma_start3A_22 = tpu.memref_slice %arg7[%dma_start3A_20, %dma_start3A_21] : memref<160x128xi32, #tpu.memory_space<vmem>> -> memref<1x128xi32, #tpu.memory_space<vmem>>
      %dma_start3A_23 = tpu.memref_squeeze %dma_start3A_22 : memref<1x128xi32, #tpu.memory_space<vmem>> -> memref<128xi32, #tpu.memory_space<vmem>>
      %dma_start3A_24 = arith.constant 0 : i32
      %dma_start3A_25 = arith.constant 0 : i32
      %dma_start3A_26 = tpu.memref_slice %arg2[%dma_start3A_24, %dma_start3A_25] : memref<20000x64xf32, #tpu.memory_space<hbm>> -> memref<20000x64xf32, #tpu.memory_space<hbm>>
      tpu.enqueue_indirect_dma source(%dma_start3A_26 : memref<20000x64xf32, #tpu.memory_space<hbm>>) target(%arg10 : memref<128x64xf32, #tpu.memory_space<vmem>>) offsets(%dma_start3A_23 : memref<128xi32, #tpu.memory_space<vmem>>) semaphore(%arg15 : memref<!tpu.dma_semaphore, #tpu.memory_space<semaphore_mem>>)
      %dma_start3A_27 = arith.constant 2 : i32
      %dma_start3A_28 = arith.constant 0 : i32
      %dma_start3A_29 = tpu.memref_slice %arg7[%dma_start3A_27, %dma_start3A_28] : memref<160x128xi32, #tpu.memory_space<vmem>> -> memref<1x128xi32, #tpu.memory_space<vmem>>
      %dma_start3A_30 = tpu.memref_squeeze %dma_start3A_29 : memref<1x128xi32, #tpu.memory_space<vmem>> -> memref<128xi32, #tpu.memory_space<vmem>>
      %dma_start3A_31 = arith.constant 0 : i32
      %dma_start3A_32 = arith.constant 0 : i32
      %dma_start3A_33 = tpu.memref_slice %arg2[%dma_start3A_31, %dma_start3A_32] : memref<20000x64xf32, #tpu.memory_space<hbm>> -> memref<20000x64xf32, #tpu.memory_space<hbm>>
      tpu.enqueue_indirect_dma source(%dma_start3A_33 : memref<20000x64xf32, #tpu.memory_space<hbm>>) target(%arg11 : memref<128x64xf32, #tpu.memory_space<vmem>>) offsets(%dma_start3A_30 : memref<128xi32, #tpu.memory_space<vmem>>) semaphore(%arg16 : memref<!tpu.dma_semaphore, #tpu.memory_space<semaphore_mem>>)
      %scan3A_34 = arith.constant 0 : i32
      %scan3A_35 = arith.constant 0 : i32
      %scan3A_36 = arith.constant 40 : i32
      %scan3A_37 = arith.addi %scan3A_35, %scan3A_36 : i32
      %scan3A_38 = arith.constant 1 : i32
      scf.for %scan3A_67 = %scan3A_35 to %scan3A_37 step %scan3A_38  : i32 {
        %mul3A_68 = arith.constant 4 : i32
        %mul3A_69 = arith.muli %mul3A_68, %scan3A_67 : i32
        %add3A = arith.constant 0 : i32
        %add3A_70 = arith.addi %mul3A_69, %add3A : i32
        %dma_wait3A_71 = arith.constant 0 : i32
        %dma_wait3A_72 = tpu.memref_slice %arg7[%add3A_70, %dma_wait3A_71] : memref<160x128xi32, #tpu.memory_space<vmem>> -> memref<1x128xi32, #tpu.memory_space<vmem>>
        %dma_wait3A_73 = tpu.memref_squeeze %dma_wait3A_72 : memref<1x128xi32, #tpu.memory_space<vmem>> -> memref<128xi32, #tpu.memory_space<vmem>>
        %dma_wait3A_74 = arith.constant 0 : i32
        %dma_wait3A_75 = arith.constant 0 : i32
        %dma_wait3A_76 = tpu.memref_slice %arg2[%dma_wait3A_74, %dma_wait3A_75] : memref<20000x64xf32, #tpu.memory_space<hbm>> -> memref<20000x64xf32, #tpu.memory_space<hbm>>
        tpu.wait_indirect_dma semaphore(%arg14 : memref<!tpu.dma_semaphore, #tpu.memory_space<semaphore_mem>>) src(%dma_wait3A_76 : memref<20000x64xf32, #tpu.memory_space<hbm>>) dst(%arg9 : memref<128x64xf32, #tpu.memory_space<vmem>>)
        %dma_start3A_77 = arith.constant 0 : i32
        %dma_start3A_78 = tpu.memref_slice %arg8[%add3A_70, %dma_start3A_77] : memref<160x128xi32, #tpu.memory_space<vmem>> -> memref<1x128xi32, #tpu.memory_space<vmem>>
        %dma_start3A_79 = tpu.memref_squeeze %dma_start3A_78 : memref<1x128xi32, #tpu.memory_space<vmem>> -> memref<128xi32, #tpu.memory_space<vmem>>
        %dma_start3A_80 = arith.constant 0 : i32
        %dma_start3A_81 = arith.constant 0 : i32
        %dma_start3A_82 = tpu.memref_slice %arg13[%dma_start3A_80, %dma_start3A_81] : memref<10112x64xf32, #tpu.memory_space<vmem_shared>> -> memref<10112x64xf32, #tpu.memory_space<vmem_shared>>
        tpu.enqueue_indirect_dma source(%arg9 : memref<128x64xf32, #tpu.memory_space<vmem>>) target(%dma_start3A_82 : memref<10112x64xf32, #tpu.memory_space<vmem_shared>>) offsets(%dma_start3A_79 : memref<128xi32, #tpu.memory_space<vmem>>) semaphore(%arg18 : memref<!tpu.dma_semaphore, #tpu.memory_space<semaphore_mem>>) {add = true}
        %add3A_83 = arith.constant 4 : i32
        %add3A_84 = arith.addi %add3A_70, %add3A_83 : i32
        %sub3A = arith.constant 1 : i32
        %sub3A_85 = arith.subi %add3A_84, %sub3A : i32
        %lt3A = arith.constant 160 : i32
        %lt3A_86 = arith.cmpi slt, %sub3A_85, %lt3A : i32
        %convert_element_type3A = arith.extui %lt3A_86 : i1 to i32
        %cond3A = arith.constant 0 : i32
        %cond3A_87 = arith.cmpi ne, %convert_element_type3A, %cond3A : i32
        scf.if %cond3A_87 {
          %ge3A = arith.constant 1 : i32
          %ge3A_157 = arith.cmpi sge, %add3A_70, %ge3A : i32
          %convert_element_type3A_158 = arith.extui %ge3A_157 : i1 to i32
          %cond3A_159 = arith.constant 0 : i32
          %cond3A_160 = arith.cmpi ne, %convert_element_type3A_158, %cond3A_159 : i32
          scf.if %cond3A_160 {
            %dma_wait3A_171 = arith.constant 0 : i32
            %dma_wait3A_172 = arith.constant 0 : i32
            %dma_wait3A_173 = tpu.memref_slice %arg8[%dma_wait3A_171, %dma_wait3A_172] : memref<160x128xi32, #tpu.memory_space<vmem>> -> memref<1x128xi32, #tpu.memory_space<vmem>>
            %dma_wait3A_174 = tpu.memref_squeeze %dma_wait3A_173 : memref<1x128xi32, #tpu.memory_space<vmem>> -> memref<128xi32, #tpu.memory_space<vmem>>
            %dma_wait3A_175 = arith.constant 0 : i32
            %dma_wait3A_176 = arith.constant 0 : i32
            %dma_wait3A_177 = tpu.memref_slice %arg13[%dma_wait3A_175, %dma_wait3A_176] : memref<10112x64xf32, #tpu.memory_space<vmem_shared>> -> memref<10112x64xf32, #tpu.memory_space<vmem_shared>>
            tpu.wait_indirect_dma semaphore(%arg21 : memref<!tpu.dma_semaphore, #tpu.memory_space<semaphore_mem>>) src(%arg12 : memref<128x64xf32, #tpu.memory_space<vmem>>) dst(%dma_wait3A_177 : memref<10112x64xf32, #tpu.memory_space<vmem_shared>>)
          } else {
          }
          %add3A_161 = arith.constant 4 : i32
          %add3A_162 = arith.addi %add3A_70, %add3A_161 : i32
          %sub3A_163 = arith.constant 1 : i32
          %sub3A_164 = arith.subi %add3A_162, %sub3A_163 : i32
          %dma_start3A_165 = arith.constant 0 : i32
          %dma_start3A_166 = tpu.memref_slice %arg7[%sub3A_164, %dma_start3A_165] : memref<160x128xi32, #tpu.memory_space<vmem>> -> memref<1x128xi32, #tpu.memory_space<vmem>>
          %dma_start3A_167 = tpu.memref_squeeze %dma_start3A_166 : memref<1x128xi32, #tpu.memory_space<vmem>> -> memref<128xi32, #tpu.memory_space<vmem>>
          %dma_start3A_168 = arith.constant 0 : i32
          %dma_start3A_169 = arith.constant 0 : i32
          %dma_start3A_170 = tpu.memref_slice %arg2[%dma_start3A_168, %dma_start3A_169] : memref<20000x64xf32, #tpu.memory_space<hbm>> -> memref<20000x64xf32, #tpu.memory_space<hbm>>
          tpu.enqueue_indirect_dma source(%dma_start3A_170 : memref<20000x64xf32, #tpu.memory_space<hbm>>) target(%arg12 : memref<128x64xf32, #tpu.memory_space<vmem>>) offsets(%dma_start3A_167 : memref<128xi32, #tpu.memory_space<vmem>>) semaphore(%arg17 : memref<!tpu.dma_semaphore, #tpu.memory_space<semaphore_mem>>)
        } else {
        }
        %add3A_88 = arith.constant 1 : i32
        %add3A_89 = arith.addi %mul3A_69, %add3A_88 : i32
        %dma_wait3A_90 = arith.constant 0 : i32
        %dma_wait3A_91 = tpu.memref_slice %arg7[%add3A_89, %dma_wait3A_90] : memref<160x128xi32, #tpu.memory_space<vmem>> -> memref<1x128xi32, #tpu.memory_space<vmem>>
        %dma_wait3A_92 = tpu.memref_squeeze %dma_wait3A_91 : memref<1x128xi32, #tpu.memory_space<vmem>> -> memref<128xi32, #tpu.memory_space<vmem>>
        %dma_wait3A_93 = arith.constant 0 : i32
        %dma_wait3A_94 = arith.constant 0 : i32
        %dma_wait3A_95 = tpu.memref_slice %arg2[%dma_wait3A_93, %dma_wait3A_94] : memref<20000x64xf32, #tpu.memory_space<hbm>> -> memref<20000x64xf32, #tpu.memory_space<hbm>>
        tpu.wait_indirect_dma semaphore(%arg15 : memref<!tpu.dma_semaphore, #tpu.memory_space<semaphore_mem>>) src(%dma_wait3A_95 : memref<20000x64xf32, #tpu.memory_space<hbm>>) dst(%arg10 : memref<128x64xf32, #tpu.memory_space<vmem>>)
        %dma_start3A_96 = arith.constant 0 : i32
        %dma_start3A_97 = tpu.memref_slice %arg8[%add3A_89, %dma_start3A_96] : memref<160x128xi32, #tpu.memory_space<vmem>> -> memref<1x128xi32, #tpu.memory_space<vmem>>
        %dma_start3A_98 = tpu.memref_squeeze %dma_start3A_97 : memref<1x128xi32, #tpu.memory_space<vmem>> -> memref<128xi32, #tpu.memory_space<vmem>>
        %dma_start3A_99 = arith.constant 0 : i32
        %dma_start3A_100 = arith.constant 0 : i32
        %dma_start3A_101 = tpu.memref_slice %arg13[%dma_start3A_99, %dma_start3A_100] : memref<10112x64xf32, #tpu.memory_space<vmem_shared>> -> memref<10112x64xf32, #tpu.memory_space<vmem_shared>>
        tpu.enqueue_indirect_dma source(%arg10 : memref<128x64xf32, #tpu.memory_space<vmem>>) target(%dma_start3A_101 : memref<10112x64xf32, #tpu.memory_space<vmem_shared>>) offsets(%dma_start3A_98 : memref<128xi32, #tpu.memory_space<vmem>>) semaphore(%arg19 : memref<!tpu.dma_semaphore, #tpu.memory_space<semaphore_mem>>) {add = true}
        %add3A_102 = arith.constant 4 : i32
        %add3A_103 = arith.addi %add3A_89, %add3A_102 : i32
        %sub3A_104 = arith.constant 1 : i32
        %sub3A_105 = arith.subi %add3A_103, %sub3A_104 : i32
        %lt3A_106 = arith.constant 160 : i32
        %lt3A_107 = arith.cmpi slt, %sub3A_105, %lt3A_106 : i32
        %convert_element_type3A_108 = arith.extui %lt3A_107 : i1 to i32
        %cond3A_109 = arith.constant 0 : i32
        %cond3A_110 = arith.cmpi ne, %convert_element_type3A_108, %cond3A_109 : i32
        scf.if %cond3A_110 {
          %ge3A = arith.constant 1 : i32
          %ge3A_157 = arith.cmpi sge, %add3A_89, %ge3A : i32
          %convert_element_type3A_158 = arith.extui %ge3A_157 : i1 to i32
          %cond3A_159 = arith.constant 0 : i32
          %cond3A_160 = arith.cmpi ne, %convert_element_type3A_158, %cond3A_159 : i32
          scf.if %cond3A_160 {
            %dma_wait3A_171 = arith.constant 0 : i32
            %dma_wait3A_172 = arith.constant 0 : i32
            %dma_wait3A_173 = tpu.memref_slice %arg8[%dma_wait3A_171, %dma_wait3A_172] : memref<160x128xi32, #tpu.memory_space<vmem>> -> memref<1x128xi32, #tpu.memory_space<vmem>>
            %dma_wait3A_174 = tpu.memref_squeeze %dma_wait3A_173 : memref<1x128xi32, #tpu.memory_space<vmem>> -> memref<128xi32, #tpu.memory_space<vmem>>
            %dma_wait3A_175 = arith.constant 0 : i32
            %dma_wait3A_176 = arith.constant 0 : i32
            %dma_wait3A_177 = tpu.memref_slice %arg13[%dma_wait3A_175, %dma_wait3A_176] : memref<10112x64xf32, #tpu.memory_space<vmem_shared>> -> memref<10112x64xf32, #tpu.memory_space<vmem_shared>>
            tpu.wait_indirect_dma semaphore(%arg18 : memref<!tpu.dma_semaphore, #tpu.memory_space<semaphore_mem>>) src(%arg9 : memref<128x64xf32, #tpu.memory_space<vmem>>) dst(%dma_wait3A_177 : memref<10112x64xf32, #tpu.memory_space<vmem_shared>>)
          } else {
          }
          %add3A_161 = arith.constant 4 : i32
          %add3A_162 = arith.addi %add3A_89, %add3A_161 : i32
          %sub3A_163 = arith.constant 1 : i32
          %sub3A_164 = arith.subi %add3A_162, %sub3A_163 : i32
          %dma_start3A_165 = arith.constant 0 : i32
          %dma_start3A_166 = tpu.memref_slice %arg7[%sub3A_164, %dma_start3A_165] : memref<160x128xi32, #tpu.memory_space<vmem>> -> memref<1x128xi32, #tpu.memory_space<vmem>>
          %dma_start3A_167 = tpu.memref_squeeze %dma_start3A_166 : memref<1x128xi32, #tpu.memory_space<vmem>> -> memref<128xi32, #tpu.memory_space<vmem>>
          %dma_start3A_168 = arith.constant 0 : i32
          %dma_start3A_169 = arith.constant 0 : i32
          %dma_start3A_170 = tpu.memref_slice %arg2[%dma_start3A_168, %dma_start3A_169] : memref<20000x64xf32, #tpu.memory_space<hbm>> -> memref<20000x64xf32, #tpu.memory_space<hbm>>
          tpu.enqueue_indirect_dma source(%dma_start3A_170 : memref<20000x64xf32, #tpu.memory_space<hbm>>) target(%arg9 : memref<128x64xf32, #tpu.memory_space<vmem>>) offsets(%dma_start3A_167 : memref<128xi32, #tpu.memory_space<vmem>>) semaphore(%arg14 : memref<!tpu.dma_semaphore, #tpu.memory_space<semaphore_mem>>)
        } else {
        }
        %add3A_111 = arith.constant 2 : i32
        %add3A_112 = arith.addi %mul3A_69, %add3A_111 : i32
        %dma_wait3A_113 = arith.constant 0 : i32
        %dma_wait3A_114 = tpu.memref_slice %arg7[%add3A_112, %dma_wait3A_113] : memref<160x128xi32, #tpu.memory_space<vmem>> -> memref<1x128xi32, #tpu.memory_space<vmem>>
        %dma_wait3A_115 = tpu.memref_squeeze %dma_wait3A_114 : memref<1x128xi32, #tpu.memory_space<vmem>> -> memref<128xi32, #tpu.memory_space<vmem>>
        %dma_wait3A_116 = arith.constant 0 : i32
        %dma_wait3A_117 = arith.constant 0 : i32
        %dma_wait3A_118 = tpu.memref_slice %arg2[%dma_wait3A_116, %dma_wait3A_117] : memref<20000x64xf32, #tpu.memory_space<hbm>> -> memref<20000x64xf32, #tpu.memory_space<hbm>>
        tpu.wait_indirect_dma semaphore(%arg16 : memref<!tpu.dma_semaphore, #tpu.memory_space<semaphore_mem>>) src(%dma_wait3A_118 : memref<20000x64xf32, #tpu.memory_space<hbm>>) dst(%arg11 : memref<128x64xf32, #tpu.memory_space<vmem>>)
        %dma_start3A_119 = arith.constant 0 : i32
        %dma_start3A_120 = tpu.memref_slice %arg8[%add3A_112, %dma_start3A_119] : memref<160x128xi32, #tpu.memory_space<vmem>> -> memref<1x128xi32, #tpu.memory_space<vmem>>
        %dma_start3A_121 = tpu.memref_squeeze %dma_start3A_120 : memref<1x128xi32, #tpu.memory_space<vmem>> -> memref<128xi32, #tpu.memory_space<vmem>>
        %dma_start3A_122 = arith.constant 0 : i32
        %dma_start3A_123 = arith.constant 0 : i32
        %dma_start3A_124 = tpu.memref_slice %arg13[%dma_start3A_122, %dma_start3A_123] : memref<10112x64xf32, #tpu.memory_space<vmem_shared>> -> memref<10112x64xf32, #tpu.memory_space<vmem_shared>>
        tpu.enqueue_indirect_dma source(%arg11 : memref<128x64xf32, #tpu.memory_space<vmem>>) target(%dma_start3A_124 : memref<10112x64xf32, #tpu.memory_space<vmem_shared>>) offsets(%dma_start3A_121 : memref<128xi32, #tpu.memory_space<vmem>>) semaphore(%arg20 : memref<!tpu.dma_semaphore, #tpu.memory_space<semaphore_mem>>) {add = true}
        %add3A_125 = arith.constant 4 : i32
        %add3A_126 = arith.addi %add3A_112, %add3A_125 : i32
        %sub3A_127 = arith.constant 1 : i32
        %sub3A_128 = arith.subi %add3A_126, %sub3A_127 : i32
        %lt3A_129 = arith.constant 160 : i32
        %lt3A_130 = arith.cmpi slt, %sub3A_128, %lt3A_129 : i32
        %convert_element_type3A_131 = arith.extui %lt3A_130 : i1 to i32
        %cond3A_132 = arith.constant 0 : i32
        %cond3A_133 = arith.cmpi ne, %convert_element_type3A_131, %cond3A_132 : i32
        scf.if %cond3A_133 {
          %ge3A = arith.constant 1 : i32
          %ge3A_157 = arith.cmpi sge, %add3A_112, %ge3A : i32
          %convert_element_type3A_158 = arith.extui %ge3A_157 : i1 to i32
          %cond3A_159 = arith.constant 0 : i32
          %cond3A_160 = arith.cmpi ne, %convert_element_type3A_158, %cond3A_159 : i32
          scf.if %cond3A_160 {
            %dma_wait3A_171 = arith.constant 0 : i32
            %dma_wait3A_172 = arith.constant 0 : i32
            %dma_wait3A_173 = tpu.memref_slice %arg8[%dma_wait3A_171, %dma_wait3A_172] : memref<160x128xi32, #tpu.memory_space<vmem>> -> memref<1x128xi32, #tpu.memory_space<vmem>>
            %dma_wait3A_174 = tpu.memref_squeeze %dma_wait3A_173 : memref<1x128xi32, #tpu.memory_space<vmem>> -> memref<128xi32, #tpu.memory_space<vmem>>
            %dma_wait3A_175 = arith.constant 0 : i32
            %dma_wait3A_176 = arith.constant 0 : i32
            %dma_wait3A_177 = tpu.memref_slice %arg13[%dma_wait3A_175, %dma_wait3A_176] : memref<10112x64xf32, #tpu.memory_space<vmem_shared>> -> memref<10112x64xf32, #tpu.memory_space<vmem_shared>>
            tpu.wait_indirect_dma semaphore(%arg19 : memref<!tpu.dma_semaphore, #tpu.memory_space<semaphore_mem>>) src(%arg10 : memref<128x64xf32, #tpu.memory_space<vmem>>) dst(%dma_wait3A_177 : memref<10112x64xf32, #tpu.memory_space<vmem_shared>>)
          } else {
          }
          %add3A_161 = arith.constant 4 : i32
          %add3A_162 = arith.addi %add3A_112, %add3A_161 : i32
          %sub3A_163 = arith.constant 1 : i32
          %sub3A_164 = arith.subi %add3A_162, %sub3A_163 : i32
          %dma_start3A_165 = arith.constant 0 : i32
          %dma_start3A_166 = tpu.memref_slice %arg7[%sub3A_164, %dma_start3A_165] : memref<160x128xi32, #tpu.memory_space<vmem>> -> memref<1x128xi32, #tpu.memory_space<vmem>>
          %dma_start3A_167 = tpu.memref_squeeze %dma_start3A_166 : memref<1x128xi32, #tpu.memory_space<vmem>> -> memref<128xi32, #tpu.memory_space<vmem>>
          %dma_start3A_168 = arith.constant 0 : i32
          %dma_start3A_169 = arith.constant 0 : i32
          %dma_start3A_170 = tpu.memref_slice %arg2[%dma_start3A_168, %dma_start3A_169] : memref<20000x64xf32, #tpu.memory_space<hbm>> -> memref<20000x64xf32, #tpu.memory_space<hbm>>
          tpu.enqueue_indirect_dma source(%dma_start3A_170 : memref<20000x64xf32, #tpu.memory_space<hbm>>) target(%arg10 : memref<128x64xf32, #tpu.memory_space<vmem>>) offsets(%dma_start3A_167 : memref<128xi32, #tpu.memory_space<vmem>>) semaphore(%arg15 : memref<!tpu.dma_semaphore, #tpu.memory_space<semaphore_mem>>)
        } else {
        }
        %add3A_134 = arith.constant 3 : i32
        %add3A_135 = arith.addi %mul3A_69, %add3A_134 : i32
        %dma_wait3A_136 = arith.constant 0 : i32
        %dma_wait3A_137 = tpu.memref_slice %arg7[%add3A_135, %dma_wait3A_136] : memref<160x128xi32, #tpu.memory_space<vmem>> -> memref<1x128xi32, #tpu.memory_space<vmem>>
        %dma_wait3A_138 = tpu.memref_squeeze %dma_wait3A_137 : memref<1x128xi32, #tpu.memory_space<vmem>> -> memref<128xi32, #tpu.memory_space<vmem>>
        %dma_wait3A_139 = arith.constant 0 : i32
        %dma_wait3A_140 = arith.constant 0 : i32
        %dma_wait3A_141 = tpu.memref_slice %arg2[%dma_wait3A_139, %dma_wait3A_140] : memref<20000x64xf32, #tpu.memory_space<hbm>> -> memref<20000x64xf32, #tpu.memory_space<hbm>>
        tpu.wait_indirect_dma semaphore(%arg17 : memref<!tpu.dma_semaphore, #tpu.memory_space<semaphore_mem>>) src(%dma_wait3A_141 : memref<20000x64xf32, #tpu.memory_space<hbm>>) dst(%arg12 : memref<128x64xf32, #tpu.memory_space<vmem>>)
        %dma_start3A_142 = arith.constant 0 : i32
        %dma_start3A_143 = tpu.memref_slice %arg8[%add3A_135, %dma_start3A_142] : memref<160x128xi32, #tpu.memory_space<vmem>> -> memref<1x128xi32, #tpu.memory_space<vmem>>
        %dma_start3A_144 = tpu.memref_squeeze %dma_start3A_143 : memref<1x128xi32, #tpu.memory_space<vmem>> -> memref<128xi32, #tpu.memory_space<vmem>>
        %dma_start3A_145 = arith.constant 0 : i32
        %dma_start3A_146 = arith.constant 0 : i32
        %dma_start3A_147 = tpu.memref_slice %arg13[%dma_start3A_145, %dma_start3A_146] : memref<10112x64xf32, #tpu.memory_space<vmem_shared>> -> memref<10112x64xf32, #tpu.memory_space<vmem_shared>>
        tpu.enqueue_indirect_dma source(%arg12 : memref<128x64xf32, #tpu.memory_space<vmem>>) target(%dma_start3A_147 : memref<10112x64xf32, #tpu.memory_space<vmem_shared>>) offsets(%dma_start3A_144 : memref<128xi32, #tpu.memory_space<vmem>>) semaphore(%arg21 : memref<!tpu.dma_semaphore, #tpu.memory_space<semaphore_mem>>) {add = true}
        %add3A_148 = arith.constant 4 : i32
        %add3A_149 = arith.addi %add3A_135, %add3A_148 : i32
        %sub3A_150 = arith.constant 1 : i32
        %sub3A_151 = arith.subi %add3A_149, %sub3A_150 : i32
        %lt3A_152 = arith.constant 160 : i32
        %lt3A_153 = arith.cmpi slt, %sub3A_151, %lt3A_152 : i32
        %convert_element_type3A_154 = arith.extui %lt3A_153 : i1 to i32
        %cond3A_155 = arith.constant 0 : i32
        %cond3A_156 = arith.cmpi ne, %convert_element_type3A_154, %cond3A_155 : i32
        scf.if %cond3A_156 {
          %ge3A = arith.constant 1 : i32
          %ge3A_157 = arith.cmpi sge, %add3A_135, %ge3A : i32
          %convert_element_type3A_158 = arith.extui %ge3A_157 : i1 to i32
          %cond3A_159 = arith.constant 0 : i32
          %cond3A_160 = arith.cmpi ne, %convert_element_type3A_158, %cond3A_159 : i32
          scf.if %cond3A_160 {
            %dma_wait3A_171 = arith.constant 0 : i32
            %dma_wait3A_172 = arith.constant 0 : i32
            %dma_wait3A_173 = tpu.memref_slice %arg8[%dma_wait3A_171, %dma_wait3A_172] : memref<160x128xi32, #tpu.memory_space<vmem>> -> memref<1x128xi32, #tpu.memory_space<vmem>>
            %dma_wait3A_174 = tpu.memref_squeeze %dma_wait3A_173 : memref<1x128xi32, #tpu.memory_space<vmem>> -> memref<128xi32, #tpu.memory_space<vmem>>
            %dma_wait3A_175 = arith.constant 0 : i32
            %dma_wait3A_176 = arith.constant 0 : i32
            %dma_wait3A_177 = tpu.memref_slice %arg13[%dma_wait3A_175, %dma_wait3A_176] : memref<10112x64xf32, #tpu.memory_space<vmem_shared>> -> memref<10112x64xf32, #tpu.memory_space<vmem_shared>>
            tpu.wait_indirect_dma semaphore(%arg20 : memref<!tpu.dma_semaphore, #tpu.memory_space<semaphore_mem>>) src(%arg11 : memref<128x64xf32, #tpu.memory_space<vmem>>) dst(%dma_wait3A_177 : memref<10112x64xf32, #tpu.memory_space<vmem_shared>>)
          } else {
          }
          %add3A_161 = arith.constant 4 : i32
          %add3A_162 = arith.addi %add3A_135, %add3A_161 : i32
          %sub3A_163 = arith.constant 1 : i32
          %sub3A_164 = arith.subi %add3A_162, %sub3A_163 : i32
          %dma_start3A_165 = arith.constant 0 : i32
          %dma_start3A_166 = tpu.memref_slice %arg7[%sub3A_164, %dma_start3A_165] : memref<160x128xi32, #tpu.memory_space<vmem>> -> memref<1x128xi32, #tpu.memory_space<vmem>>
          %dma_start3A_167 = tpu.memref_squeeze %dma_start3A_166 : memref<1x128xi32, #tpu.memory_space<vmem>> -> memref<128xi32, #tpu.memory_space<vmem>>
          %dma_start3A_168 = arith.constant 0 : i32
          %dma_start3A_169 = arith.constant 0 : i32
          %dma_start3A_170 = tpu.memref_slice %arg2[%dma_start3A_168, %dma_start3A_169] : memref<20000x64xf32, #tpu.memory_space<hbm>> -> memref<20000x64xf32, #tpu.memory_space<hbm>>
          tpu.enqueue_indirect_dma source(%dma_start3A_170 : memref<20000x64xf32, #tpu.memory_space<hbm>>) target(%arg11 : memref<128x64xf32, #tpu.memory_space<vmem>>) offsets(%dma_start3A_167 : memref<128xi32, #tpu.memory_space<vmem>>) semaphore(%arg16 : memref<!tpu.dma_semaphore, #tpu.memory_space<semaphore_mem>>)
        } else {
        }
      }
      %scan3A_39 = arith.constant 40 : i32
      %dma_wait3A = arith.constant 0 : i32
      %dma_wait3A_40 = arith.constant 0 : i32
      %dma_wait3A_41 = tpu.memref_slice %arg8[%dma_wait3A, %dma_wait3A_40] : memref<160x128xi32, #tpu.memory_space<vmem>> -> memref<1x128xi32, #tpu.memory_space<vmem>>
      %dma_wait3A_42 = tpu.memref_squeeze %dma_wait3A_41 : memref<1x128xi32, #tpu.memory_space<vmem>> -> memref<128xi32, #tpu.memory_space<vmem>>
      %dma_wait3A_43 = arith.constant 0 : i32
      %dma_wait3A_44 = arith.constant 0 : i32
      %dma_wait3A_45 = tpu.memref_slice %arg13[%dma_wait3A_43, %dma_wait3A_44] : memref<10112x64xf32, #tpu.memory_space<vmem_shared>> -> memref<10112x64xf32, #tpu.memory_space<vmem_shared>>
      tpu.wait_indirect_dma semaphore(%arg18 : memref<!tpu.dma_semaphore, #tpu.memory_space<semaphore_mem>>) src(%arg9 : memref<128x64xf32, #tpu.memory_space<vmem>>) dst(%dma_wait3A_45 : memref<10112x64xf32, #tpu.memory_space<vmem_shared>>)
      %dma_wait3A_46 = arith.constant 0 : i32
      %dma_wait3A_47 = arith.constant 0 : i32
      %dma_wait3A_48 = tpu.memref_slice %arg8[%dma_wait3A_46, %dma_wait3A_47] : memref<160x128xi32, #tpu.memory_space<vmem>> -> memref<1x128xi32, #tpu.memory_space<vmem>>
      %dma_wait3A_49 = tpu.memref_squeeze %dma_wait3A_48 : memref<1x128xi32, #tpu.memory_space<vmem>> -> memref<128xi32, #tpu.memory_space<vmem>>
      %dma_wait3A_50 = arith.constant 0 : i32
      %dma_wait3A_51 = arith.constant 0 : i32
      %dma_wait3A_52 = tpu.memref_slice %arg13[%dma_wait3A_50, %dma_wait3A_51] : memref<10112x64xf32, #tpu.memory_space<vmem_shared>> -> memref<10112x64xf32, #tpu.memory_space<vmem_shared>>
      tpu.wait_indirect_dma semaphore(%arg19 : memref<!tpu.dma_semaphore, #tpu.memory_space<semaphore_mem>>) src(%arg10 : memref<128x64xf32, #tpu.memory_space<vmem>>) dst(%dma_wait3A_52 : memref<10112x64xf32, #tpu.memory_space<vmem_shared>>)
      %dma_wait3A_53 = arith.constant 0 : i32
      %dma_wait3A_54 = arith.constant 0 : i32
      %dma_wait3A_55 = tpu.memref_slice %arg8[%dma_wait3A_53, %dma_wait3A_54] : memref<160x128xi32, #tpu.memory_space<vmem>> -> memref<1x128xi32, #tpu.memory_space<vmem>>
      %dma_wait3A_56 = tpu.memref_squeeze %dma_wait3A_55 : memref<1x128xi32, #tpu.memory_space<vmem>> -> memref<128xi32, #tpu.memory_space<vmem>>
      %dma_wait3A_57 = arith.constant 0 : i32
      %dma_wait3A_58 = arith.constant 0 : i32
      %dma_wait3A_59 = tpu.memref_slice %arg13[%dma_wait3A_57, %dma_wait3A_58] : memref<10112x64xf32, #tpu.memory_space<vmem_shared>> -> memref<10112x64xf32, #tpu.memory_space<vmem_shared>>
      tpu.wait_indirect_dma semaphore(%arg20 : memref<!tpu.dma_semaphore, #tpu.memory_space<semaphore_mem>>) src(%arg11 : memref<128x64xf32, #tpu.memory_space<vmem>>) dst(%dma_wait3A_59 : memref<10112x64xf32, #tpu.memory_space<vmem_shared>>)
      %dma_wait3A_60 = arith.constant 0 : i32
      %dma_wait3A_61 = arith.constant 0 : i32
      %dma_wait3A_62 = tpu.memref_slice %arg8[%dma_wait3A_60, %dma_wait3A_61] : memref<160x128xi32, #tpu.memory_space<vmem>> -> memref<1x128xi32, #tpu.memory_space<vmem>>
      %dma_wait3A_63 = tpu.memref_squeeze %dma_wait3A_62 : memref<1x128xi32, #tpu.memory_space<vmem>> -> memref<128xi32, #tpu.memory_space<vmem>>
      %dma_wait3A_64 = arith.constant 0 : i32
      %dma_wait3A_65 = arith.constant 0 : i32
      %dma_wait3A_66 = tpu.memref_slice %arg13[%dma_wait3A_64, %dma_wait3A_65] : memref<10112x64xf32, #tpu.memory_space<vmem_shared>> -> memref<10112x64xf32, #tpu.memory_space<vmem_shared>>
      tpu.wait_indirect_dma semaphore(%arg21 : memref<!tpu.dma_semaphore, #tpu.memory_space<semaphore_mem>>) src(%arg12 : memref<128x64xf32, #tpu.memory_space<vmem>>) dst(%dma_wait3A_66 : memref<10112x64xf32, #tpu.memory_space<vmem_shared>>)
    }
    %scan3A_5 = arith.constant 2 : i32
    %barrier3A_6 = arith.constant 0 : index
    tpu.barrier barrier_id(%barrier3A_6)
    %mul3A_7 = arith.constant 64 : i32
    %mul3A_8 = arith.muli %arg0, %mul3A_7 : i32
    "tpu.region"() ({
      %run_scoped3A = tpu.sem_alloc : memref<!tpu.dma_semaphore, #tpu.memory_space<semaphore_mem>>
      %dma_start3A = tpu.memref_slice %arg6[%mul3A_0, %mul3A_8] : memref<10112x128xf32, #tpu.memory_space<hbm>> -> memref<632x64xf32, #tpu.memory_space<hbm>>
      %dma_start3A_9 = arith.constant 0 : i32
      %dma_start3A_10 = tpu.memref_slice %arg13[%mul3A_0, %dma_start3A_9] : memref<10112x64xf32, #tpu.memory_space<vmem_shared>> -> memref<632x64xf32, #tpu.memory_space<vmem_shared>>
      tpu.enqueue_dma source(%dma_start3A_10 : memref<632x64xf32, #tpu.memory_space<vmem_shared>>) target(%dma_start3A : memref<632x64xf32, #tpu.memory_space<hbm>>) target_semaphore(%run_scoped3A : memref<!tpu.dma_semaphore, #tpu.memory_space<semaphore_mem>>)
      %dma_wait3A = tpu.memref_slice %arg6[%mul3A_0, %mul3A_8] : memref<10112x128xf32, #tpu.memory_space<hbm>> -> memref<632x64xf32, #tpu.memory_space<hbm>>
      %dma_wait3A_11 = arith.constant 0 : i32
      %dma_wait3A_12 = tpu.memref_slice %arg13[%mul3A_0, %dma_wait3A_11] : memref<10112x64xf32, #tpu.memory_space<vmem_shared>> -> memref<632x64xf32, #tpu.memory_space<vmem_shared>>
      tpu.wait_dma2 semaphore(%run_scoped3A : memref<!tpu.dma_semaphore, #tpu.memory_space<semaphore_mem>>) src(%dma_wait3A_12 : memref<632x64xf32, #tpu.memory_space<vmem_shared>>) dst(%dma_wait3A : memref<632x64xf32, #tpu.memory_space<hbm>>)
      tpu.yield
    }) : () -> ()
    return
  }
}

module attributes {stable_mosaic.version = 14 : i64} {
  func.func @body(%arg0: i32, %arg1: memref<2000x128xf32, #tpu.memory_space<vmem>>, %arg2: memref<2000x116xf32, #tpu.memory_space<vmem>>, %arg3: memref<116x128xf32, #tpu.memory_space<vmem>>, %arg4: memref<2000x1xf32, #tpu.memory_space<vmem>>, %arg5: memref<2000x128xf32, #tpu.memory_space<vmem>>) attributes {dimension_semantics = [#tpu.dimension_semantics<arbitrary>], iteration_bounds = array<i64: 5>, scalar_prefetch = 0 : i64, scratch_operands = 0 : i64, tpu.core_type = #tpu.core_type<tc>, window_params = [{transform_indices = @transform_0, window_bounds = array<i64: 2000, 128>}, {transform_indices = @transform_1, window_bounds = array<i64: 2000, 116>}, {pipeline_mode = #tpu.pipeline_mode<synchronous>, transform_indices = @transform_2, window_bounds = array<i64: 116, 128>}, {transform_indices = @transform_3, window_bounds = array<i64: 2000, 1>}, {transform_indices = @transform_4, window_bounds = array<i64: 2000, 128>}]} {
    %get3A = arith.constant 0 : index
    %get3A_0 = arith.constant 0 : index
    %get3A_1 = vector.load %arg1[%get3A, %get3A_0] : memref<2000x128xf32, #tpu.memory_space<vmem>>, vector<2000x1xf32>
    %add3A = arith.constant 1.000000e+00 : f32
    %add3A_2 = vector.broadcast %add3A : f32 to vector<2000x1xf32>
    %add3A_3 = arith.addf %add3A_2, %get3A_1 : vector<2000x1xf32>
    %get3A_4 = arith.constant 0 : index
    %get3A_5 = arith.constant 16 : index
    %get3A_6 = vector.load %arg1[%get3A_4, %get3A_5] : memref<2000x128xf32, #tpu.memory_space<vmem>>, vector<2000x1xf32>
    %add3A_7 = arith.addf %add3A_3, %get3A_6 : vector<2000x1xf32>
    %rsqrt3A = math.rsqrt %add3A_7 : vector<2000x1xf32>
    %swap3A = arith.constant 0 : index
    %swap3A_8 = arith.constant 0 : index
    %swap3A_9 = vector.load %arg4[%swap3A, %swap3A_8] : memref<2000x1xf32, #tpu.memory_space<vmem>>, vector<2000x1xf32>
    tpu.vector_store %arg4[%swap3A, %swap3A_8], %rsqrt3A {strides = array<i32>} : memref<2000x1xf32, #tpu.memory_space<vmem>>, vector<2000x1xf32>,
    %get3A_10 = arith.constant 0 : index
    %get3A_11 = arith.constant 0 : index
    %get3A_12 = vector.load %arg2[%get3A_10, %get3A_11] : memref<2000x116xf32, #tpu.memory_space<vmem>>, vector<2000x116xf32>
    %get3A_13 = arith.constant 0 : index
    %get3A_14 = arith.constant 0 : index
    %get3A_15 = vector.load %arg3[%get3A_13, %get3A_14] : memref<116x128xf32, #tpu.memory_space<vmem>>, vector<116x128xf32>
    %dot_general3A = arith.constant dense<0.000000e+00> : vector<2000x128xf32>
    %dot_general3A_16 = tpu.matmul %get3A_12, %get3A_15, %dot_general3A {dimension_numbers = #tpu.dot_dimension_numbers<[1], [0], [0], [1], [0, 0, 1, 1], [], []>, transpose_lhs_hint = false} : vector<2000x116xf32>, vector<116x128xf32>, vector<2000x128xf32> -> vector<2000x128xf32>
    %mul3A = vector.broadcast %rsqrt3A : vector<2000x1xf32> to vector<2000x128xf32>
    %mul3A_17 = arith.mulf %mul3A, %dot_general3A_16 : vector<2000x128xf32>
    %swap3A_18 = arith.constant 0 : index
    %swap3A_19 = arith.constant 0 : index
    %swap3A_20 = vector.load %arg5[%swap3A_18, %swap3A_19] : memref<2000x128xf32, #tpu.memory_space<vmem>>, vector<2000x128xf32>
    tpu.vector_store %arg5[%swap3A_18, %swap3A_19], %mul3A_17 {strides = array<i32>} : memref<2000x128xf32, #tpu.memory_space<vmem>>, vector<2000x128xf32>,
    return
  }
  func.func @transform_0(%arg0: i32) -> (i32, i32) {
    %c0_i32 = arith.constant 0 : i32
    %c0_i32_0 = arith.constant 0 : i32
    return %arg0, %c0_i32 : i32, i32
  }
  func.func @transform_1(%arg0: i32) -> (i32, i32) {
    %c0_i32 = arith.constant 0 : i32
    %c0_i32_0 = arith.constant 0 : i32
    return %arg0, %c0_i32 : i32, i32
  }
  func.func @transform_2(%arg0: i32) -> (i32, i32) {
    %c0_i32 = arith.constant 0 : i32
    %c0_i32_0 = arith.constant 0 : i32
    %c0_i32_1 = arith.constant 0 : i32
    return %c0_i32, %c0_i32_0 : i32, i32
  }
  func.func @transform_3(%arg0: i32) -> (i32, i32) {
    %c0_i32 = arith.constant 0 : i32
    %c0_i32_0 = arith.constant 0 : i32
    return %arg0, %c0_i32 : i32, i32
  }
  func.func @transform_4(%arg0: i32) -> (i32, i32) {
    %c0_i32 = arith.constant 0 : i32
    %c0_i32_0 = arith.constant 0 : i32
    return %arg0, %c0_i32 : i32, i32
  }
}

module attributes {stable_mosaic.version = 14 : i64} {
  func.func @body(%arg0: i32, %arg1: memref<2000x128xf32, #tpu.memory_space<vmem>>, %arg2: memref<2000x128xf32, #tpu.memory_space<vmem>>, %arg3: memref<2000x1xf32, #tpu.memory_space<vmem>>, %arg4: memref<1x128xf32, #tpu.memory_space<vmem>>, %arg5: memref<128x128xf32, #tpu.memory_space<vmem>>, %arg6: memref<2000x128xf32, #tpu.memory_space<vmem>>) attributes {dimension_semantics = [#tpu.dimension_semantics<arbitrary>], iteration_bounds = array<i64: 5>, scalar_prefetch = 0 : i64, scratch_operands = 0 : i64, tpu.core_type = #tpu.core_type<tc>, window_params = [{transform_indices = @transform_0, window_bounds = array<i64: 2000, 128>}, {transform_indices = @transform_1, window_bounds = array<i64: 2000, 128>}, {transform_indices = @transform_2, window_bounds = array<i64: 2000, 1>}, {pipeline_mode = #tpu.pipeline_mode<synchronous>, transform_indices = @transform_3, window_bounds = array<i64: 1, 128>}, {pipeline_mode = #tpu.pipeline_mode<synchronous>, transform_indices = @transform_4, window_bounds = array<i64: 128, 128>}, {transform_indices = @transform_5, window_bounds = array<i64: 2000, 128>}]} {
    %get3A = arith.constant 0 : index
    %get3A_0 = arith.constant 0 : index
    %get3A_1 = vector.load %arg3[%get3A, %get3A_0] : memref<2000x1xf32, #tpu.memory_space<vmem>>, vector<2000x1xf32>
    %get3A_2 = arith.constant 0 : index
    %get3A_3 = arith.constant 0 : index
    %get3A_4 = vector.load %arg1[%get3A_2, %get3A_3] : memref<2000x128xf32, #tpu.memory_space<vmem>>, vector<2000x128xf32>
    %get3A_5 = arith.constant 0 : index
    %get3A_6 = arith.constant 0 : index
    %get3A_7 = vector.load %arg2[%get3A_5, %get3A_6] : memref<2000x128xf32, #tpu.memory_space<vmem>>, vector<2000x128xf32>
    %add3A = arith.addf %get3A_4, %get3A_7 : vector<2000x128xf32>
    %mul3A = vector.broadcast %get3A_1 : vector<2000x1xf32> to vector<2000x128xf32>
    %mul3A_8 = arith.mulf %mul3A, %add3A : vector<2000x128xf32>
    %get3A_9 = arith.constant 0 : index
    %get3A_10 = arith.constant 0 : index
    %get3A_11 = vector.load %arg4[%get3A_9, %get3A_10] : memref<1x128xf32, #tpu.memory_space<vmem>>, vector<1x128xf32>
    %add3A_12 = vector.broadcast %get3A_11 : vector<1x128xf32> to vector<2000x128xf32>
    %add3A_13 = arith.addf %mul3A_8, %add3A_12 : vector<2000x128xf32>
    %max3A = arith.constant 0.000000e+00 : f32
    %max3A_14 = vector.broadcast %max3A : f32 to vector<2000x128xf32>
    %max3A_15 = arith.maximumf %add3A_13, %max3A_14 : vector<2000x128xf32>
    %get3A_16 = arith.constant 0 : index
    %get3A_17 = arith.constant 0 : index
    %get3A_18 = vector.load %arg5[%get3A_16, %get3A_17] : memref<128x128xf32, #tpu.memory_space<vmem>>, vector<128x128xf32>
    %dot_general3A = arith.constant dense<0.000000e+00> : vector<2000x128xf32>
    %dot_general3A_19 = tpu.matmul %max3A_15, %get3A_18, %dot_general3A {dimension_numbers = #tpu.dot_dimension_numbers<[1], [0], [0], [1], [0, 0, 1, 1], [], []>, transpose_lhs_hint = false} : vector<2000x128xf32>, vector<128x128xf32>, vector<2000x128xf32> -> vector<2000x128xf32>
    %mul3A_20 = vector.broadcast %get3A_1 : vector<2000x1xf32> to vector<2000x128xf32>
    %mul3A_21 = arith.mulf %mul3A_20, %dot_general3A_19 : vector<2000x128xf32>
    %swap3A = arith.constant 0 : index
    %swap3A_22 = arith.constant 0 : index
    %swap3A_23 = vector.load %arg6[%swap3A, %swap3A_22] : memref<2000x128xf32, #tpu.memory_space<vmem>>, vector<2000x128xf32>
    tpu.vector_store %arg6[%swap3A, %swap3A_22], %mul3A_21 {strides = array<i32>} : memref<2000x128xf32, #tpu.memory_space<vmem>>, vector<2000x128xf32>,
    return
  }
  func.func @transform_0(%arg0: i32) -> (i32, i32) {
    %c0_i32 = arith.constant 0 : i32
    %c0_i32_0 = arith.constant 0 : i32
    return %arg0, %c0_i32 : i32, i32
  }
  func.func @transform_1(%arg0: i32) -> (i32, i32) {
    %c0_i32 = arith.constant 0 : i32
    %c0_i32_0 = arith.constant 0 : i32
    return %arg0, %c0_i32 : i32, i32
  }
  func.func @transform_2(%arg0: i32) -> (i32, i32) {
    %c0_i32 = arith.constant 0 : i32
    %c0_i32_0 = arith.constant 0 : i32
    return %arg0, %c0_i32 : i32, i32
  }
  func.func @transform_3(%arg0: i32) -> (i32, i32) {
    %c0_i32 = arith.constant 0 : i32
    %c0_i32_0 = arith.constant 0 : i32
    %c0_i32_1 = arith.constant 0 : i32
    return %c0_i32, %c0_i32_0 : i32, i32
  }
  func.func @transform_4(%arg0: i32) -> (i32, i32) {
    %c0_i32 = arith.constant 0 : i32
    %c0_i32_0 = arith.constant 0 : i32
    %c0_i32_1 = arith.constant 0 : i32
    return %c0_i32, %c0_i32_0 : i32, i32
  }
  func.func @transform_5(%arg0: i32) -> (i32, i32) {
    %c0_i32 = arith.constant 0 : i32
    %c0_i32_0 = arith.constant 0 : i32
    return %arg0, %c0_i32 : i32, i32
  }
}

module attributes {stable_mosaic.version = 14 : i64} {
  func.func @body(%arg0: i32, %arg1: memref<2000x128xf32, #tpu.memory_space<vmem>>, %arg2: memref<2000x128xf32, #tpu.memory_space<vmem>>, %arg3: memref<2000x1xf32, #tpu.memory_space<vmem>>, %arg4: memref<1x2xf32, #tpu.memory_space<vmem>>, %arg5: memref<2000x2xf32, #tpu.memory_space<vmem>>) attributes {dimension_semantics = [#tpu.dimension_semantics<arbitrary>], iteration_bounds = array<i64: 5>, scalar_prefetch = 0 : i64, scratch_operands = 0 : i64, tpu.core_type = #tpu.core_type<tc>, window_params = [{transform_indices = @transform_0, window_bounds = array<i64: 2000, 128>}, {transform_indices = @transform_1, window_bounds = array<i64: 2000, 128>}, {transform_indices = @transform_2, window_bounds = array<i64: 2000, 1>}, {pipeline_mode = #tpu.pipeline_mode<synchronous>, transform_indices = @transform_3, window_bounds = array<i64: 1, 2>}, {transform_indices = @transform_4, window_bounds = array<i64: 2000, 2>}]} {
    %get3A = arith.constant 0 : index
    %get3A_0 = arith.constant 0 : index
    %get3A_1 = vector.load %arg1[%get3A, %get3A_0] : memref<2000x128xf32, #tpu.memory_space<vmem>>, vector<2000x2xf32>
    %get3A_2 = arith.constant 0 : index
    %get3A_3 = arith.constant 0 : index
    %get3A_4 = vector.load %arg2[%get3A_2, %get3A_3] : memref<2000x128xf32, #tpu.memory_space<vmem>>, vector<2000x2xf32>
    %add3A = arith.addf %get3A_1, %get3A_4 : vector<2000x2xf32>
    %get3A_5 = arith.constant 0 : index
    %get3A_6 = arith.constant 16 : index
    %get3A_7 = vector.load %arg2[%get3A_5, %get3A_6] : memref<2000x128xf32, #tpu.memory_space<vmem>>, vector<2000x2xf32>
    %add3A_8 = arith.addf %add3A, %get3A_7 : vector<2000x2xf32>
    %get3A_9 = arith.constant 0 : index
    %get3A_10 = arith.constant 0 : index
    %get3A_11 = vector.load %arg3[%get3A_9, %get3A_10] : memref<2000x1xf32, #tpu.memory_space<vmem>>, vector<2000x1xf32>
    %mul3A = vector.broadcast %get3A_11 : vector<2000x1xf32> to vector<2000x2xf32>
    %mul3A_12 = arith.mulf %mul3A, %add3A_8 : vector<2000x2xf32>
    %get3A_13 = arith.constant 0 : index
    %get3A_14 = arith.constant 0 : index
    %get3A_15 = vector.load %arg4[%get3A_13, %get3A_14] : memref<1x2xf32, #tpu.memory_space<vmem>>, vector<1x2xf32>
    %add3A_16 = vector.broadcast %get3A_15 : vector<1x2xf32> to vector<2000x2xf32>
    %add3A_17 = arith.addf %mul3A_12, %add3A_16 : vector<2000x2xf32>
    %swap3A = arith.constant 0 : index
    %swap3A_18 = arith.constant 0 : index
    %swap3A_19 = vector.load %arg5[%swap3A, %swap3A_18] : memref<2000x2xf32, #tpu.memory_space<vmem>>, vector<2000x2xf32>
    tpu.vector_store %arg5[%swap3A, %swap3A_18], %add3A_17 {strides = array<i32>} : memref<2000x2xf32, #tpu.memory_space<vmem>>, vector<2000x2xf32>,
    return
  }
  func.func @transform_0(%arg0: i32) -> (i32, i32) {
    %c0_i32 = arith.constant 0 : i32
    %c0_i32_0 = arith.constant 0 : i32
    return %arg0, %c0_i32 : i32, i32
  }
  func.func @transform_1(%arg0: i32) -> (i32, i32) {
    %c0_i32 = arith.constant 0 : i32
    %c0_i32_0 = arith.constant 0 : i32
    return %arg0, %c0_i32 : i32, i32
  }
  func.func @transform_2(%arg0: i32) -> (i32, i32) {
    %c0_i32 = arith.constant 0 : i32
    %c0_i32_0 = arith.constant 0 : i32
    return %arg0, %c0_i32 : i32, i32
  }
  func.func @transform_3(%arg0: i32) -> (i32, i32) {
    %c0_i32 = arith.constant 0 : i32
    %c0_i32_0 = arith.constant 0 : i32
    %c0_i32_1 = arith.constant 0 : i32
    return %c0_i32, %c0_i32_0 : i32, i32
  }
  func.func @transform_4(%arg0: i32) -> (i32, i32) {
    %c0_i32 = arith.constant 0 : i32
    %c0_i32_0 = arith.constant 0 : i32
    return %arg0, %c0_i32 : i32, i32
  }
}

</mosaic_0001>

<sc_bundles>
// kernel: kernel.10.cloned.1.call-start
scs
__scs_entry_jumppad:
0x0: {  	(pc) =	sbr.rel $0x88, $3  }
0x1: {  	(tag) =	ssettag $0x0;
	lr =	simm.s32 $0x1  }
0x2: {  	[smem:$0x3F99] =	sst lr;
	_ =	strace $0xD0000000  }
0x3: {  	_ = 	snop  }
0x4: {  	_ = 	snop  }
0x5: {  	_ = 	snop  }
0x6: {  	_ = 	snop  }
0x7: {  	_ = 	snop  }
__scs_overlays_trampoline_lowered:
0x8: {  	[smem:$0x3FA8] =	sst s0  }
0x9: {  	[smem:$0x3FA9] =	sst s1  }
0xa: {  	[smem:$0x3FAA] =	sst s2  }
0xb: {  	[smem:$0x3FAB] =	sst s3  }
0xc: {  	[smem:$0x3FAC] =	sst s4  }
0xd: {  	[smem:$0x3FAD] =	sst s5  }
0xe: {  	[smem:$0x3FAE] =	sst s6  }
0xf: {  	[smem:$0x3FAF] =	sst s7  }
0x10: {  	[smem:$0x3FB0] =	sst s8  }
0x11: {  	[smem:$0x3FB1] =	sst s9;
	s0 =	simm.s32 @!p0 $0x0  }
0x12: {  	s1 =	sld [smem:$0x3F97];
	s0 =	simm.s32 @p0 $0x1  }
0x13: {  	[smem:$0x3FB2] =	sst s0;
	s0 =	simm.s32 @!p1 $0x0  }
0x14: {  	s2 =	sld [smem:$0x3F96];
	s0 =	simm.s32 @p1 $0x1  }
0x15: {  	[smem:$0x3FB3] =	sst s0;
	s0 =	simm.s32 @!p2 $0x0  }
0x16: {  	s3 =	sld [smem:$0x3FDB];
	s0 =	simm.s32 @p2 $0x1  }
0x17: {  	s4 =	simm.s32 $0x1BF5;
	[smem:$0x3FB5] =	sst s0  }
0x18: {  	s0 =	sld [smem:$0x3F98];
	_ =	swait.ge [sflag:s4], $0x0  }
0x19: {  	s7 =	sld [smem:$0x3F99]  }
0x1a: {  	s8 =	sadd.s32 $0xFFFFE003, lr  }
0x1b: {  	s9 =	sadd.s32 $0xFFFFFEF7, lr;
	s5 =	simm.s32 $0xFFFFFFFF;
	p2 =	slt.u32 s8, $0xFFFFF086  }
0x1c: {  	p1 =	slt.u32 s9, $0xF7A;
	s5 =	simm.s32 @!p2 $0x0  }
0x1d: {  	s5 =	simm.s32 @p1 $0x1;
	p0 =	seq.s32 s7, s2  }
0x1e: {  	s7 =	smul.u32 @!p0 $0xF7A, s2;
	p2 =	seq.s32 @!p0 s5, $0x0  }
0x1f: {  	s9 =	smul.u32 $0xF7A, s1;
	s8 =	simm.s32 @!p0 $0x1BF5;
	p2 =	por !p2, p0  }
0x20: {  	[sflag:s8] =	ssyncset.s32 @!p0 $0xFFFFF086;
	s6 =	sadd.s32 @!p0 s3, s7;
	s7 =	simm.s32 @!p0 $0x108  }
0x21: {  	s3 =	sadd.s32 s3, s9;
	s6 =	sadd.s32 @!p0 $0x88, s6;
	s7 =	simm.s32 @p2 $0x1082  }
0x22: {  	[simem:s7], [sflag:s8] =	dma.local @!p0 [hbm:s6], $0xF7A  }
0x23: {  	s9 =	sor.u32 $0xD0000000, s2;
	s6 =	simm.s32 $0x108;
	_ =	swait.ge @!p0 [sflag:s8], $0x0  }
0x24: {  	s3 =	sadd.s32 $0x88, s3;
	s6 =	simm.s32 @!p1 $0x1082;
	[sflag:s4] =	ssyncset.s32 $0xFFFFF086  }
0x25: {  	[simem:s6], [sflag:s4] =	dma.local [hbm:s3], $0xF7A  }
0x26: {  	[smem:$0x3F99] =	sst s1;
	(tag) =	ssettag s2;
	_ =	strace s9  }
0x27: {  	s1 =	sld [smem:$0x3FA9]  }
0x28: {  	s2 =	sld [smem:$0x3FAA]  }
0x29: {  	s4 =	sld [smem:$0x3FAC]  }
0x2a: {  	p0 =	seq.s32 s5, $0x0;
	s5 =	sld [smem:$0x3FAD]  }
0x2b: {  	s6 =	sld [smem:$0x3FAE]  }
0x2c: {  	s7 =	sld [smem:$0x3FAF]  }
0x2d: {  	s3 =	simm.s32 $0x108;
	s8 =	sld [smem:$0x3FB0]  }
0x2e: {  	s3 =	simm.s32 @!p0 $0x1082;
	s9 =	sld [smem:$0x3FB1]  }
0x2f: {  	lr =	sadd.s32 s0, s3;
	s0 =	sld [smem:$0x3FA8]  }
0x30: {  	s3 =	sld [smem:$0x3FAB]  }
0x31: {  	[smem:$0x3FB4] =	sst s10  }
0x32: {  	s10 =	sld [smem:$0x3FB2];
	_ =	sdelay $0x3  }
0x33: {  	p0 =	seq.s32 s10, $0x1;
	s10 =	sld [smem:$0x3FB4];
	_ =	sdelay $0x3  }
0x34: {  	[smem:$0x3FB4] =	sst s10  }
0x35: {  	s10 =	sld [smem:$0x3FB3];
	_ =	sdelay $0x3  }
0x36: {  	p1 =	seq.s32 s10, $0x1;
	s10 =	sld [smem:$0x3FB4];
	_ =	sdelay $0x3  }
0x37: {  	[smem:$0x3FB4] =	sst s10  }
0x38: {  	s10 =	sld [smem:$0x3FB5]  }
0x39: {  	_ = 	snop;
	(pc) =	sbr.ind lr, $3  }
0x3a: {  	_ = 	snop  }
0x3b: {  	_ = 	snop  }
0x3c: {  	p2 =	seq.s32 s10, $0x1;
	s10 =	sld [smem:$0x3FB4]  }
0x3d: {  	_ =	shalt  }
0x3e: {  	_ =	shalt  }
0x3f: {  	_ =	shalt  }
0x40: {  	_ =	shalt  }
0x41: {  	_ =	shalt  }
0x42: {  	_ =	shalt  }
0x43: {  	_ =	shalt  }
0x44: {  	_ =	shalt  }
0x45: {  	_ =	shalt  }
0x46: {  	_ =	shalt  }
0x47: {  	_ =	shalt  }
0x48: {  	_ =	shalt  }
0x49: {  	_ =	shalt  }
0x4a: {  	_ =	shalt  }
0x4b: {  	_ =	shalt  }
0x4c: {  	_ =	shalt  }
0x4d: {  	_ =	shalt  }
0x4e: {  	_ =	shalt  }
0x4f: {  	_ =	shalt  }
0x50: {  	_ =	shalt  }
0x51: {  	_ =	shalt  }
0x52: {  	_ =	shalt  }
0x53: {  	_ =	shalt  }
0x54: {  	_ =	shalt  }
0x55: {  	_ =	shalt  }
0x56: {  	_ =	shalt  }
0x57: {  	_ =	shalt  }
0x58: {  	_ =	shalt  }
0x59: {  	_ =	shalt  }
0x5a: {  	_ =	shalt  }
0x5b: {  	_ =	shalt  }
0x5c: {  	_ =	shalt  }
0x5d: {  	_ =	shalt  }
0x5e: {  	_ =	shalt  }
0x5f: {  	_ =	shalt  }
0x60: {  	_ =	shalt  }
0x61: {  	_ =	shalt  }
0x62: {  	_ =	shalt  }
0x63: {  	_ =	shalt  }
0x64: {  	_ =	shalt  }
0x65: {  	_ =	shalt  }
0x66: {  	_ =	shalt  }
0x67: {  	_ =	shalt  }
0x68: {  	_ =	shalt  }
0x69: {  	_ =	shalt  }
0x6a: {  	_ =	shalt  }
0x6b: {  	_ =	shalt  }
0x6c: {  	_ =	shalt  }
0x6d: {  	_ =	shalt  }
0x6e: {  	_ =	shalt  }
0x6f: {  	_ =	shalt  }
0x70: {  	_ =	shalt  }
0x71: {  	_ =	shalt  }
0x72: {  	_ =	shalt  }
0x73: {  	_ =	shalt  }
0x74: {  	_ =	shalt  }
0x75: {  	_ =	shalt  }
0x76: {  	_ =	shalt  }
0x77: {  	_ =	shalt  }
0x78: {  	_ =	shalt  }
0x79: {  	_ =	shalt  }
0x7a: {  	_ =	shalt  }
0x7b: {  	_ =	shalt  }
0x7c: {  	_ =	shalt  }
0x7d: {  	_ =	shalt  }
0x7e: {  	_ =	shalt  }
0x7f: {  	_ =	shalt  }
0x80: {  	_ =	shalt  }
0x81: {  	_ =	shalt  }
0x82: {  	_ =	shalt  }
0x83: {  	_ =	shalt  }
0x84: {  	_ =	shalt  }
0x85: {  	_ =	shalt  }
0x86: {  	_ =	shalt  }
0x87: {  	_ =	shalt  }
.Lfunc_end0:
.L_simem_size_0:
called_computation_lowered:
.L_overlay_start_0:
0x88: {  	s2 =	sld [smem:$0x3FD9]  }
0x89: {  	s3 =	sld [smem:$0x3FFE];
	_ =	sdelay $0x1  }
0x8a: {  	s1 =	srdreg.scid  }
0x8b: {  	s0 =	sand.u32 $0x1, s1  }
0x8c: {  	s17 =	sshll.u32 s0, $0xA;
	s2 =	sadd.s32 s3, s2  }
0x8d: {  	s2 =	sadd.s32 s2, s17  }
0x8e: {  	[smem:$0x3FC0] =	sst s2  }
0x8f: {  	_ = 	snop  }
0x90: {  	s2 =	sld [smem:$0x3FD0];
	(tm) =	ssettm $0x1  }
0x91: {  	s18 =	sld [smem:$0x3FFB];
	_ =	sdelay $0x3  }
0x92: {  	_ =	strace s18  }
0x93: {  	s3 =	sld [smem:$0x3FFC];
	_ =	sdelay $0x3  }
0x94: {  	_ =	strace s3  }
0x95: {  	s3 =	sld [smem:$0x3FFD];
	_ =	sdelay $0x3  }
0x96: {  	_ =	strace s3  }
0x97: {  	_ =	strace $0x8FFFFFFF  }
0x98: {  	s19 =	sld [smem:$0x3FDB];
	_ =	sdelay $0x1  }
0x99: {  	s4 =	simm.s32 $_scs_section_size  }
0x9a: {  	s5 =	simm.s32 $_size__tile_overlayer_lowered;
	s6 =	simm.s32 $_tile_overlayer_lowered  }
0x9b: {  	s22 =	simm.s32 $0x1BFF;
	s21 =	sshll.u32 s6, $0x1;
	s3 =	sadd.s32 s4, s19  }
0x9c: {  	s7 =	simm.s32 $0x0;
	s20 =	sshll.u32 s5, $0x1;
	s5 =	sadd.s32 s21, s3  }
0x9d: {  	[timem:s7], [sflag:s22] =	dma.local [hbm:s5], s20  }
0x9e: {  	_ =	swait.ge [sflag:s22], s20  }
0x9f: {  	s4 =	ssub.s32 $0x0, s20;
	[sflag:s22] =	ssyncset.done $0x0  }
0xa0: {  	[sflag:s22] =	ssyncadd.s32 s4;
	_ =	sdelay $0x1  }
0xa1: {  	s23 =	simm.s32 $0x1B8B  }
0xa2: {  	_ =	swait.ge [sflag:s23], $0x1  }
0xa3: {  	[sflag:s23] =	ssyncset.done $0x0  }
0xa4: {  	s25 =	simm.s32 $0x1B8E;
	s24 =	sld [smem:$0x3FFE];
	[sflag:s23] =	ssyncadd.s32 $0xFFFFFFFF  }
0xa5: {  	s26 =	simm.s32 $execute0_lowered;
	[smem:$0x3FD2] =	sst s25  }
0xa6: {  	s5 =	sshll.u32 s26, $0x1;
	_ =	strace $0x80000046;
	[dreg:$0x1] =	wrdreg $0xFFFFFFFF  }
0xa7: {  	s28 =	simm.s32 $_size_execute0_lowered;
	s3 =	sadd.s32 s3, s5;
	[dreg:$0x0] =	wrdreg $0x0  }
0xa8: {  	s5 =	sshll.u32 s28, $0x1;
	[dreg:$0x2] =	wrdreg s3  }
0xa9: {  	[dreg:$0x3] =	wrdreg s5  }
0xaa: {  	[dreg:$0x4] =	wrdreg $0xC0  }
0xab: {  	_ =	task [dreg:s7], $0x5FFFF  }
0xac: {  	[dreg:$0x1] =	wrdreg $0xFFFFFFFF  }
0xad: {  	[dreg:$0x0] =	wrdreg $0x60  }
0xae: {  	[dreg:$0x2] =	wrdreg s2  }
0xaf: {  	[dreg:$0x3] =	wrdreg s24  }
0xb0: {  	[dreg:$0x4] =	wrdreg $0x58000  }
0xb1: {  	[dreg:$0x5] =	wrdreg $0x9  }
0xb2: {  	_ =	task.clear_ibuf [dreg:s7], $0x6FFFF;
	_ =	strace $0x90000046  }
0xb3: {  	s29 =	simm.s32 $0x9;
	_ =	strace $0x80000048  }
0xb4: {  	_ =	swait.ge [sflag:s29], $0x1  }
0xb5: {  	[sflag:s29] =	ssyncadd.s32 $0xFFFFFFFF  }
0xb6: {  	_ =	strace $0x90000048  }
0xb7: {  	_ =	sfence  }
0xb8: {  	s30 =	sld [smem:$0x0];
	_ =	sdelay $0x2  }
0xb9: {  	s31 =	sshll.u32 s1, $0xD;
	s1 =	sshrl.u32 s1, $0x2  }
0xba: {  	s3 =	sand.u32 $0x4000, s31;
	s1 =	sadd.s32 s1, s30  }
0xbb: {  	s0 =	sor.u32 s3, s0;
	s1 =	sshll.u32 s1, $0x11  }
0xbc: {  	s0 =	sor.u32 s1, s0  }
0xbd: {  	s0 =	sadd.s32 $0x8F2B, s0  }
0xbe: {  	[sflag:s0] =	ssyncadd.remote.s32 $0x1  }
0xbf: {  	_ =	sfence.sel $0xFFFF  }
0xc0: {  	[dreg:$0x0] =	wrdreg $0xFFFFFFFF;
	(pc) =	sbr.abs _section_cstart, $3  }
0xc1: {  	[dreg:$0x1] =	wrdreg $0xFFFFFFFF  }
0xc2: {  	_ =	task.clear_ibuf [dreg:s7], $0x2FFFF;
	_ =	strace $0x9FFFFFFF  }
0xc3: {  	(tm) =	ssettm $0x7FFFFFFF  }
tec
execute0_lowered:
.L_overlay_start_1:
0x0: {  	(tag) =	ssettag $0x1  }
0x1: {  	s1 =	rddreg [dreg:$0x0];
	s2 =	srdreg.scid  }
0x2: {  	s0 =	stileid.u32;
	s5 =	rddreg [dreg:$0x1]  }
0x3: {  	s3 =	rddreg [dreg:$0x2];
	s4 =	simm.s32 $0x0;
	s12 =	simm.s32 $0x2  }
0x4: {  	s13 =	simm.s32 $0x8;
	s14 =	simm.s32 $0x5;
	s15 =	simm.s32 $0x5000  }
0x5: {  	s16 =	simm.s32 $0x80;
	s17 =	simm.s32 $0x100;
	s18 =	simm.s32 $0x180  }
0x6: {  	s19 =	simm.s32 $0x3;
	s20 =	simm.s32 $0x4;
	s21 =	simm.s32 $0x10  }
0x7: {  	s22 =	simm.s32 $0x0;
	s6 =	sand.u32 $0x1, s2;
	s8 =	smul.u32 $0x13C00, s0  }
0x8: {  	s28 =	sshll.u32 s0, $0x1;
	s2 =	rddreg [dreg:$0x3];
	s9 =	smul.u32 $0x13C0, s0  }
0x9: {  	[smem:$0x7FF] =	sst s4;
	s29 =	smul.u32 $0x9E00, s0;
	s31 =	sshll.u32 s0, $0x6  }
0xa: {  	s7 =	sor.u32 s6, s28;
	_ =	strace $0x80000047;
	s10 =	sshll.u32 s6, $0x4  }
0xb: {  	s6 =	ssub.s32 $0x2, s6;
	s7 =	smul.u32 $0xA00, s7;
	s8 =	sor.u32 s10, s8  }
0xc: {  	s9 =	sadd.s32 s9, s5;
	s30 =	sshrl.u32 s6, $0x1;
	s10 =	sshrl.u32 s29, $0x2  }
0xd: {  	s8 =	sshrl.u32 s8, $0x3;
	s11 =	ssub.s32 s6, s30;
	s10 =	sadd.s32 s10, s3  }
0xe: {  	s6 =	sor.u32 $0x1C05, s31;
	s7 =	sadd.s32 s7, s5;
	s8 =	sadd.s32 s8, s5  }
0xf: {  	s5 =	sadd.s32 $0x18800, s9;
	s9 =	smax.u32 s11, $0x1;
	s10 =	sshrl.u32 s10, $0x3  }
0x10: {  	s11 =	simm.s32 $0x1;
	s7 =	sadd.s32 $0x4800, s7;
	s8 =	sadd.s32 $0x2C400, s8  }
.LBB2_1:
0x11: {  	[spmem:s10@s12], [sflag:s6] =	dma.strided [hbm:s5@s13], $0x4F0, s11, $0x2   }
0x12: {  	_ =	swait.ge [sflag:s14], $0x4F0  }
0x13: {  	[sflag:s14] =	ssyncset.done $0x0  }
0x14: {  	[sflag:s14] =	ssyncadd.s32 $0xFFFFFB10  }
0x15: {  	[tilespmem:s4], [sflag:$0x5] =	stream.linear.gather [hbm4b:s7+s4], $0x5000, $0x38;
	[tilespmem:$0x7F80] =	vst v63  }
0x16: {  	_ =	swait.ge [sflag:s14], $0x5000  }
0x17: {  	[sflag:s14] =	ssyncset.done $0x0  }
0x18: {  	[sflag:s14] =	ssyncadd.s32 $0xFFFFB000  }
0x19: {  	[tilespmem:s15], [sflag:$0x5] =	stream.linear.gather [hbm4b:s1+s4], $0x800, $0x38;
	[tilespmem:$0x7F80] =	vst v63  }
0x1a: {  	_ =	swait.ge [sflag:s14], $0x800  }
0x1b: {  	[sflag:s14] =	ssyncset.done $0x0  }
0x1c: {  	[sflag:s14] =	ssyncadd.s32 $0xFFFFF800  }
0x1d: {  	[bflag:$0x0] =	sbarrier.arrive $0xFFFF  }
0x1e: {  	[spmem:s3] =	stream.indirect.scatter.add.f32 [tilespmem:s15], [sflag:$0x1], $0x10, s4, s16, $0xb8;
	[tilespmem:$0x7F80] =	vst v63  }
0x1f: {  	_ = 	snop  }
0x20: {  	[spmem:s3] =	stream.indirect.scatter.add.f32 [tilespmem:s15], [sflag:$0x2], $0x10, s16, s16, $0xb8;
	[tilespmem:$0x7F80] =	vst v63  }
0x21: {  	_ = 	snop  }
0x22: {  	[spmem:s3] =	stream.indirect.scatter.add.f32 [tilespmem:s15], [sflag:$0x3], $0x10, s17, s16, $0xb8;
	[tilespmem:$0x7F80] =	vst v63  }
0x23: {  	_ = 	snop  }
0x24: {  	[spmem:s3] =	stream.indirect.scatter.add.f32 [tilespmem:s15], [sflag:$0x4], $0x10, s18, s16, $0xb8;
	[tilespmem:$0x7F80] =	vst v63  }
0x25: {  	_ =	swait.ge [sflag:s11], $0x800  }
0x26: {  	[sflag:s11] =	ssyncset.done $0x0  }
0x27: {  	s23 =	simm.s32 $0x200;
	[sflag:s11] =	ssyncadd.s32 $0xFFFFF800  }
0x28: {  	[spmem:s3] =	stream.indirect.scatter.add.f32 [tilespmem:s15], [sflag:$0x1], $0x10, s23, s16, $0xb8;
	[tilespmem:$0x7F80] =	vst v63  }
0x29: {  	_ =	swait.ge [sflag:s12], $0x800  }
0x2a: {  	[sflag:s12] =	ssyncset.done $0x0  }
0x2b: {  	s30 =	simm.s32 $0x280;
	[sflag:s12] =	ssyncadd.s32 $0xFFFFF800  }
0x2c: {  	[spmem:s3] =	stream.indirect.scatter.add.f32 [tilespmem:s15], [sflag:$0x2], $0x10, s30, s16, $0xb8;
	[tilespmem:$0x7F80] =	vst v63  }
0x2d: {  	_ =	swait.ge [sflag:s19], $0x800  }
0x2e: {  	[sflag:s19] =	ssyncset.done $0x0  }
0x2f: {  	s31 =	simm.s32 $0x300;
	[sflag:s19] =	ssyncadd.s32 $0xFFFFF800  }
0x30: {  	[spmem:s3] =	stream.indirect.scatter.add.f32 [tilespmem:s15], [sflag:$0x3], $0x10, s31, s16, $0xb8;
	[tilespmem:$0x7F80] =	vst v63  }
0x31: {  	_ =	swait.ge [sflag:s20], $0x800  }
0x32: {  	[sflag:s20] =	ssyncset.done $0x0  }
0x33: {  	s24 =	simm.s32 $0x380;
	s23 =	simm.s32 $0xFFFED000;
	[sflag:s20] =	ssyncadd.s32 $0xFFFFF800  }
.LBB2_2:
0x34: {  	[spmem:s3] =	stream.indirect.scatter.add.f32 [tilespmem:s15], [sflag:$0x4], $0x10, s24, s16, $0xb8;
	[tilespmem:$0x7F80] =	vst v63  }
0x35: {  	s24 =	smov.u32 s23  }
0x36: {  	p0 =	sne.s32 s23, $0xFFFFF800;
	s23 =	sadd.s32 $0x800, s23;
	_ =	swait.ge [sflag:s11], $0x800  }
0x37: {  	s24 =	sshra.s32 s24, $0x2;
	[sflag:s11] =	ssyncset.done $0x0  }
0x38: {  	s25 =	sadd.s32 $0x5000, s24;
	[sflag:s11] =	ssyncadd.s32 $0xFFFFF800  }
0x39: {  	[spmem:s3] =	stream.indirect.scatter.add.f32 [tilespmem:s15], [sflag:$0x1], $0x10, s25, s16, $0xb8;
	[tilespmem:$0x7F80] =	vst v63  }
0x3a: {  	_ =	swait.ge [sflag:s12], $0x800  }
0x3b: {  	[sflag:s12] =	ssyncset.done $0x0  }
0x3c: {  	s25 =	sadd.s32 $0x5080, s24;
	[sflag:s12] =	ssyncadd.s32 $0xFFFFF800  }
0x3d: {  	[spmem:s3] =	stream.indirect.scatter.add.f32 [tilespmem:s15], [sflag:$0x2], $0x10, s25, s16, $0xb8;
	[tilespmem:$0x7F80] =	vst v63  }
0x3e: {  	_ =	swait.ge [sflag:s19], $0x800  }
0x3f: {  	[sflag:s19] =	ssyncset.done $0x0  }
.Ltmp0:
0x40: {  	s25 =	sadd.s32 $0x5100, s24;
	[sflag:s19] =	ssyncadd.s32 $0xFFFFF800;
	(pc) =	sbr.rel @p0 .LBB2_2-.Ltmp0, $4  }
0x41: {  	[spmem:s3] =	stream.indirect.scatter.add.f32 [tilespmem:s15], [sflag:$0x3], $0x10, s25, s16, $0xb8;
	[tilespmem:$0x7F80] =	vst v63  }
0x42: {  	_ =	swait.ge [sflag:s20], $0x800  }
0x43: {  	[sflag:s20] =	ssyncset.done $0x0  }
0x44: {  	s24 =	sadd.s32 $0x5180, s24;
	[sflag:s20] =	ssyncadd.s32 $0xFFFFF800  }
0x45: {  	[spmem:s3] =	stream.indirect.scatter.add.f32 [tilespmem:s15], [sflag:$0x4], $0x10, s24, s16, $0xb8;
	[tilespmem:$0x7F80] =	vst v63  }
0x46: {  	_ =	swait.ge [sflag:s11], $0x800  }
0x47: {  	[sflag:s11] =	ssyncset.done $0x0  }
0x48: {  	[sflag:s11] =	ssyncadd.s32 $0xFFFFF800  }
0x49: {  	_ =	swait.ge [sflag:s12], $0x800  }
0x4a: {  	[sflag:s12] =	ssyncset.done $0x0  }
0x4b: {  	[sflag:s12] =	ssyncadd.s32 $0xFFFFF800  }
0x4c: {  	_ =	swait.ge [sflag:s19], $0x800  }
0x4d: {  	[sflag:s19] =	ssyncset.done $0x0  }
0x4e: {  	[sflag:s19] =	ssyncadd.s32 $0xFFFFF800  }
0x4f: {  	_ =	swait.ge [sflag:s20], $0x800  }
0x50: {  	s22 =	sadd.s32 $0x1, s22;
	[sflag:s20] =	ssyncset.done $0x0  }
0x51: {  	p0 =	sne.s32 s22, s9;
	[sflag:s20] =	ssyncadd.s32 $0xFFFFF800  }
.Ltmp1:
0x52: {  	[bflag:$0x0] =	sbarrier.arrive $0xFFFF;
	(pc) =	sbr.rel @p0 .LBB2_1-.Ltmp1, $4  }
0x53: {  	[hbm:s8@s21], [sflag:s6] =	dma.strided [spmem:s10@s12], $0x4F0, s11, $0x2   }
0x54: {  	_ =	swait.ge [sflag:s14], $0x4F0  }
0x55: {  	[sflag:s14] =	ssyncset.done $0x0  }
0x56: {  	[sflag:s14] =	ssyncadd.s32 $0xFFFFFB10  }
0x57: {  	_ =	sfence.sel $0x180000  }
0x58: {  	[bflag:$0x0] =	sbarrier.arrive $0xFFFF  }
0x59: {  	p0 =	sne.s32 s0, $0x0;
	_ =	strace $0x90000047  }
0x5a: {  	s0 =	sadd.s32 @!p0 $0x100000, s2;
	[bflag:$0x2] =	sbarrier.arrive $0xFFFF  }
0x5b: {  	[sflag:s0] =	ssyncadd.tile.s32 @!p0 $0x1;
	_ =	shalt  }
.Lfunc_end2:
_tile_overlayer_lowered:
.L_overlay_start_2:
0x5c: {  	(tag) =	ssettag $0x2  }
0x5d: {  	s0 =	rddreg [dreg:$0x0];
	s2 =	stileid.u32  }
0x5e: {  	s1 =	rddreg [dreg:$0x1];
	p0 =	sne.s32 s2, $0x0  }
0x5f: {  	s3 =	rddreg [dreg:$0x2];
	[bflag:$0x3] =	sbarrier.arrive $0xFFFF;
	s2 =	simm.s32 @!p0 $0x1C05  }
0x60: {  	[timem:s3], [sflag:s2] =	dma.local @!p0 [hbm:s0], s1  }
0x61: {  	s0 =	simm.s32 @!p0 $0x5  }
0x62: {  	_ =	swait.ge @!p0 [sflag:s0], s1  }
0x63: {  	s1 =	ssub.s32 @!p0 $0x0, s1;
	[sflag:s0] =	ssyncset.done @!p0 $0x0  }
0x64: {  	[sflag:s0] =	ssyncadd.s32 @!p0 s1  }
0x65: {  	[bflag:$0x3] =	sbarrier.arrive $0xFFFF  }
0x66: {  	_ =	shalt  }

// kernel: kernel.13.cloned.1.call-start
scs
__scs_entry_jumppad:
0x0: {  	(pc) =	sbr.rel $0x88, $3  }
0x1: {  	(tag) =	ssettag $0x0;
	lr =	simm.s32 $0x1  }
0x2: {  	[smem:$0x3F99] =	sst lr;
	_ =	strace $0xD0000000  }
0x3: {  	_ = 	snop  }
0x4: {  	_ = 	snop  }
0x5: {  	_ = 	snop  }
0x6: {  	_ = 	snop  }
0x7: {  	_ = 	snop  }
__scs_overlays_trampoline_lowered:
0x8: {  	[smem:$0x3FA8] =	sst s0  }
0x9: {  	[smem:$0x3FA9] =	sst s1  }
0xa: {  	[smem:$0x3FAA] =	sst s2  }
0xb: {  	[smem:$0x3FAB] =	sst s3  }
0xc: {  	[smem:$0x3FAC] =	sst s4  }
0xd: {  	[smem:$0x3FAD] =	sst s5  }
0xe: {  	[smem:$0x3FAE] =	sst s6  }
0xf: {  	[smem:$0x3FAF] =	sst s7  }
0x10: {  	[smem:$0x3FB0] =	sst s8  }
0x11: {  	[smem:$0x3FB1] =	sst s9;
	s0 =	simm.s32 @!p0 $0x0  }
0x12: {  	s1 =	sld [smem:$0x3F97];
	s0 =	simm.s32 @p0 $0x1  }
0x13: {  	[smem:$0x3FB2] =	sst s0;
	s0 =	simm.s32 @!p1 $0x0  }
0x14: {  	s2 =	sld [smem:$0x3F96];
	s0 =	simm.s32 @p1 $0x1  }
0x15: {  	[smem:$0x3FB3] =	sst s0;
	s0 =	simm.s32 @!p2 $0x0  }
0x16: {  	s3 =	sld [smem:$0x3FDB];
	s0 =	simm.s32 @p2 $0x1  }
0x17: {  	s4 =	simm.s32 $0x1BF5;
	[smem:$0x3FB5] =	sst s0  }
0x18: {  	s0 =	sld [smem:$0x3F98];
	_ =	swait.ge [sflag:s4], $0x0  }
0x19: {  	s7 =	sld [smem:$0x3F99]  }
0x1a: {  	s8 =	sadd.s32 $0xFFFFE003, lr  }
0x1b: {  	s9 =	sadd.s32 $0xFFFFFEF7, lr;
	s5 =	simm.s32 $0xFFFFFFFF;
	p2 =	slt.u32 s8, $0xFFFFF086  }
0x1c: {  	p1 =	slt.u32 s9, $0xF7A;
	s5 =	simm.s32 @!p2 $0x0  }
0x1d: {  	s5 =	simm.s32 @p1 $0x1;
	p0 =	seq.s32 s7, s2  }
0x1e: {  	s7 =	smul.u32 @!p0 $0xF7A, s2;
	p2 =	seq.s32 @!p0 s5, $0x0  }
0x1f: {  	s9 =	smul.u32 $0xF7A, s1;
	s8 =	simm.s32 @!p0 $0x1BF5;
	p2 =	por !p2, p0  }
0x20: {  	[sflag:s8] =	ssyncset.s32 @!p0 $0xFFFFF086;
	s6 =	sadd.s32 @!p0 s3, s7;
	s7 =	simm.s32 @!p0 $0x108  }
0x21: {  	s3 =	sadd.s32 s3, s9;
	s6 =	sadd.s32 @!p0 $0x88, s6;
	s7 =	simm.s32 @p2 $0x1082  }
0x22: {  	[simem:s7], [sflag:s8] =	dma.local @!p0 [hbm:s6], $0xF7A  }
0x23: {  	s9 =	sor.u32 $0xD0000000, s2;
	s6 =	simm.s32 $0x108;
	_ =	swait.ge @!p0 [sflag:s8], $0x0  }
0x24: {  	s3 =	sadd.s32 $0x88, s3;
	s6 =	simm.s32 @!p1 $0x1082;
	[sflag:s4] =	ssyncset.s32 $0xFFFFF086  }
0x25: {  	[simem:s6], [sflag:s4] =	dma.local [hbm:s3], $0xF7A  }
0x26: {  	[smem:$0x3F99] =	sst s1;
	(tag) =	ssettag s2;
	_ =	strace s9  }
0x27: {  	s1 =	sld [smem:$0x3FA9]  }
0x28: {  	s2 =	sld [smem:$0x3FAA]  }
0x29: {  	s4 =	sld [smem:$0x3FAC]  }
0x2a: {  	p0 =	seq.s32 s5, $0x0;
	s5 =	sld [smem:$0x3FAD]  }
0x2b: {  	s6 =	sld [smem:$0x3FAE]  }
0x2c: {  	s7 =	sld [smem:$0x3FAF]  }
0x2d: {  	s3 =	simm.s32 $0x108;
	s8 =	sld [smem:$0x3FB0]  }
0x2e: {  	s3 =	simm.s32 @!p0 $0x1082;
	s9 =	sld [smem:$0x3FB1]  }
0x2f: {  	lr =	sadd.s32 s0, s3;
	s0 =	sld [smem:$0x3FA8]  }
0x30: {  	s3 =	sld [smem:$0x3FAB]  }
0x31: {  	[smem:$0x3FB4] =	sst s10  }
0x32: {  	s10 =	sld [smem:$0x3FB2];
	_ =	sdelay $0x3  }
0x33: {  	p0 =	seq.s32 s10, $0x1;
	s10 =	sld [smem:$0x3FB4];
	_ =	sdelay $0x3  }
0x34: {  	[smem:$0x3FB4] =	sst s10  }
0x35: {  	s10 =	sld [smem:$0x3FB3];
	_ =	sdelay $0x3  }
0x36: {  	p1 =	seq.s32 s10, $0x1;
	s10 =	sld [smem:$0x3FB4];
	_ =	sdelay $0x3  }
0x37: {  	[smem:$0x3FB4] =	sst s10  }
0x38: {  	s10 =	sld [smem:$0x3FB5]  }
0x39: {  	_ = 	snop;
	(pc) =	sbr.ind lr, $3  }
0x3a: {  	_ = 	snop  }
0x3b: {  	_ = 	snop  }
0x3c: {  	p2 =	seq.s32 s10, $0x1;
	s10 =	sld [smem:$0x3FB4]  }
0x3d: {  	_ =	shalt  }
0x3e: {  	_ =	shalt  }
0x3f: {  	_ =	shalt  }
0x40: {  	_ =	shalt  }
0x41: {  	_ =	shalt  }
0x42: {  	_ =	shalt  }
0x43: {  	_ =	shalt  }
0x44: {  	_ =	shalt  }
0x45: {  	_ =	shalt  }
0x46: {  	_ =	shalt  }
0x47: {  	_ =	shalt  }
0x48: {  	_ =	shalt  }
0x49: {  	_ =	shalt  }
0x4a: {  	_ =	shalt  }
0x4b: {  	_ =	shalt  }
0x4c: {  	_ =	shalt  }
0x4d: {  	_ =	shalt  }
0x4e: {  	_ =	shalt  }
0x4f: {  	_ =	shalt  }
0x50: {  	_ =	shalt  }
0x51: {  	_ =	shalt  }
0x52: {  	_ =	shalt  }
0x53: {  	_ =	shalt  }
0x54: {  	_ =	shalt  }
0x55: {  	_ =	shalt  }
0x56: {  	_ =	shalt  }
0x57: {  	_ =	shalt  }
0x58: {  	_ =	shalt  }
0x59: {  	_ =	shalt  }
0x5a: {  	_ =	shalt  }
0x5b: {  	_ =	shalt  }
0x5c: {  	_ =	shalt  }
0x5d: {  	_ =	shalt  }
0x5e: {  	_ =	shalt  }
0x5f: {  	_ =	shalt  }
0x60: {  	_ =	shalt  }
0x61: {  	_ =	shalt  }
0x62: {  	_ =	shalt  }
0x63: {  	_ =	shalt  }
0x64: {  	_ =	shalt  }
0x65: {  	_ =	shalt  }
0x66: {  	_ =	shalt  }
0x67: {  	_ =	shalt  }
0x68: {  	_ =	shalt  }
0x69: {  	_ =	shalt  }
0x6a: {  	_ =	shalt  }
0x6b: {  	_ =	shalt  }
0x6c: {  	_ =	shalt  }
0x6d: {  	_ =	shalt  }
0x6e: {  	_ =	shalt  }
0x6f: {  	_ =	shalt  }
0x70: {  	_ =	shalt  }
0x71: {  	_ =	shalt  }
0x72: {  	_ =	shalt  }
0x73: {  	_ =	shalt  }
0x74: {  	_ =	shalt  }
0x75: {  	_ =	shalt  }
0x76: {  	_ =	shalt  }
0x77: {  	_ =	shalt  }
0x78: {  	_ =	shalt  }
0x79: {  	_ =	shalt  }
0x7a: {  	_ =	shalt  }
0x7b: {  	_ =	shalt  }
0x7c: {  	_ =	shalt  }
0x7d: {  	_ =	shalt  }
0x7e: {  	_ =	shalt  }
0x7f: {  	_ =	shalt  }
0x80: {  	_ =	shalt  }
0x81: {  	_ =	shalt  }
0x82: {  	_ =	shalt  }
0x83: {  	_ =	shalt  }
0x84: {  	_ =	shalt  }
0x85: {  	_ =	shalt  }
0x86: {  	_ =	shalt  }
0x87: {  	_ =	shalt  }
.Lfunc_end0:
.L_simem_size_0:
called_computation.1_lowered:
.L_overlay_start_0:
0x88: {  	s2 =	sld [smem:$0x3FD9]  }
0x89: {  	s3 =	sld [smem:$0x3FFE];
	_ =	sdelay $0x1  }
0x8a: {  	s1 =	srdreg.scid  }
0x8b: {  	s0 =	sand.u32 $0x1, s1  }
0x8c: {  	s16 =	sshll.u32 s0, $0xA;
	s2 =	sadd.s32 s3, s2  }
0x8d: {  	s2 =	sadd.s32 s2, s16  }
0x8e: {  	[smem:$0x3FC0] =	sst s2  }
0x8f: {  	_ = 	snop  }
0x90: {  	(tm) =	ssettm $0x1  }
0x91: {  	s17 =	sld [smem:$0x3FFB];
	_ =	sdelay $0x3  }
0x92: {  	_ =	strace s17  }
0x93: {  	s2 =	sld [smem:$0x3FFC];
	_ =	sdelay $0x3  }
0x94: {  	_ =	strace s2  }
0x95: {  	s2 =	sld [smem:$0x3FFD];
	_ =	sdelay $0x3  }
0x96: {  	_ =	strace s2  }
0x97: {  	_ =	strace $0x8FFFFFFF  }
0x98: {  	s18 =	sld [smem:$0x3FDB];
	_ =	sdelay $0x1  }
0x99: {  	s19 =	simm.s32 $_scs_section_size  }
0x9a: {  	s4 =	simm.s32 $_size__tile_overlayer_lowered;
	s5 =	simm.s32 $_tile_overlayer_lowered  }
0x9b: {  	s22 =	simm.s32 $0x1BFF;
	s21 =	sshll.u32 s5, $0x1;
	s2 =	sadd.s32 s19, s18  }
0x9c: {  	s6 =	simm.s32 $0x0;
	s20 =	sshll.u32 s4, $0x1;
	s4 =	sadd.s32 s21, s2  }
0x9d: {  	[timem:s6], [sflag:s22] =	dma.local [hbm:s4], s20  }
0x9e: {  	_ =	swait.ge [sflag:s22], s20  }
0x9f: {  	s3 =	ssub.s32 $0x0, s20;
	[sflag:s22] =	ssyncset.done $0x0  }
0xa0: {  	[sflag:s22] =	ssyncadd.s32 s3;
	_ =	sdelay $0x1  }
0xa1: {  	s23 =	simm.s32 $0x1B8B  }
0xa2: {  	_ =	swait.ge [sflag:s23], $0x1  }
0xa3: {  	[sflag:s23] =	ssyncset.done $0x0  }
0xa4: {  	s25 =	simm.s32 $0x1B8E;
	s24 =	sld [smem:$0x3FFE];
	[sflag:s23] =	ssyncadd.s32 $0xFFFFFFFF  }
0xa5: {  	s26 =	simm.s32 $execute0_lowered;
	[smem:$0x3FD2] =	sst s25  }
0xa6: {  	s4 =	sshll.u32 s26, $0x1;
	_ =	strace $0x80000049;
	[dreg:$0x1] =	wrdreg $0xFFFFFFFF  }
0xa7: {  	s28 =	simm.s32 $_size_execute0_lowered;
	s2 =	sadd.s32 s2, s4;
	[dreg:$0x0] =	wrdreg $0x0  }
0xa8: {  	s4 =	sshll.u32 s28, $0x1;
	[dreg:$0x2] =	wrdreg s2  }
0xa9: {  	[dreg:$0x3] =	wrdreg s4  }
0xaa: {  	[dreg:$0x4] =	wrdreg $0xC0  }
0xab: {  	_ =	task [dreg:s6], $0x5FFFF  }
0xac: {  	[dreg:$0x1] =	wrdreg $0xFFFFFFFF  }
0xad: {  	[dreg:$0x0] =	wrdreg $0x60  }
0xae: {  	[dreg:$0x2] =	wrdreg s24  }
0xaf: {  	[dreg:$0x3] =	wrdreg $0x120000  }
0xb0: {  	[dreg:$0x4] =	wrdreg $0x9  }
0xb1: {  	_ =	task.clear_ibuf [dreg:s6], $0x5FFFF;
	_ =	strace $0x90000049  }
0xb2: {  	s29 =	simm.s32 $0x9;
	_ =	strace $0x8000004B  }
0xb3: {  	_ =	swait.ge [sflag:s29], $0x1  }
0xb4: {  	[sflag:s29] =	ssyncadd.s32 $0xFFFFFFFF  }
0xb5: {  	_ =	strace $0x9000004B  }
0xb6: {  	_ =	sfence  }
0xb7: {  	s30 =	sld [smem:$0x0];
	_ =	sdelay $0x2  }
0xb8: {  	s31 =	sshll.u32 s1, $0xD;
	s1 =	sshrl.u32 s1, $0x2  }
0xb9: {  	s3 =	sand.u32 $0x4000, s31;
	s1 =	sadd.s32 s1, s30  }
0xba: {  	s0 =	sor.u32 s3, s0;
	s1 =	sshll.u32 s1, $0x11  }
0xbb: {  	s0 =	sor.u32 s1, s0  }
0xbc: {  	s0 =	sadd.s32 $0x8F2B, s0  }
0xbd: {  	[sflag:s0] =	ssyncadd.remote.s32 $0x1  }
0xbe: {  	_ =	sfence.sel $0xFFFF  }
0xbf: {  	[dreg:$0x0] =	wrdreg $0xFFFFFFFF;
	(pc) =	sbr.abs _section_cstart, $3  }
0xc0: {  	[dreg:$0x1] =	wrdreg $0xFFFFFFFF  }
0xc1: {  	_ =	task.clear_ibuf [dreg:s6], $0x2FFFF;
	_ =	strace $0x9FFFFFFF  }
0xc2: {  	(tm) =	ssettm $0x7FFFFFFF  }
0xc3: {  	_ =	shalt  }
tec
execute0_lowered:
.L_overlay_start_1:
0x0: {  	(tag) =	ssettag $0x1  }
0x1: {  	s0 =	rddreg [dreg:$0x0]  }
0x2: {  	s2 =	rddreg [dreg:$0x1];
	s13 =	simm.s32 $0x0  }
0x3: {  	s11 =	stileid.u32;
	s3 =	srdreg.scid;
	s14 =	simm.s32 $0x9  }
0x4: {  	s15 =	simm.s32 $0x5000;
	s16 =	simm.s32 $0x80;
	s17 =	simm.s32 $0xA000  }
0x5: {  	s18 =	simm.s32 $0xC000;
	s20 =	simm.s32 $0xE000;
	s21 =	simm.s32 $0x1  }
0x6: {  	s23 =	simm.s32 $0x10000;
	s24 =	simm.s32 $0x2;
	s29 =	simm.s32 $0x3  }
0x7: {  	s30 =	simm.s32 $0x5100;
	s31 =	simm.s32 $0x6;
	s12 =	simm.s32 $0x300  }
0x8: {  	[smem:$0x7FF] =	sst s13;
	s1 =	smul.u32 $0x9E00, s11;
	s4 =	sadd.s32 $0x2C400, s0  }
0x9: {  	s3 =	sand.u32 $0x1, s3;
	s7 =	smul.u32 $0x13C00, s11;
	s5 =	sadd.s32 $0x53C00, s0  }
0xa: {  	s6 =	sadd.s32 $0x4800, s0;
	s26 =	sshll.u32 s11, $0x6;
	_ =	strace $0x8000004A  }
0xb: {  	s9 =	sshll.u32 s3, $0x6;
	s25 =	ssub.s32 $0x2, s3;
	s3 =	smul.u32 $0xA0000, s3  }
0xc: {  	s19 =	sor.u32 $0x1C09, s26;
	s26 =	simm.s32 $0x5;
	s8 =	sshrl.u32 s1, $0x3  }
0xd: {  	s7 =	sor.u32 s9, s7;
	s10 =	sshrl.u32 s25, $0x1;
	s1 =	sadd.s32 s1, s2  }
0xe: {  	[dreg:$0x5] =	wrdreg s19;
	s8 =	sadd.s32 s8, s0;
	s7 =	sshrl.u32 s7, $0x3  }
0xf: {  	s9 =	ssub.s32 s25, s10;
	s0 =	sadd.s32 s7, s0;
	s7 =	smul.u32 $0xA000, s11  }
.Ltmp0:
0x10: {  	s22 =	sshrl.u32 s1, $0x3;
	s1 =	simm.s32 $0x4;
	(pc) =	sbr.rel .LBB2_1-.Ltmp0, $4  }
0x11: {  	s8 =	sadd.s32 $0x18800, s8;
	s28 =	smax.u32 s9, $0x1;
	[dreg:$0x8] =	wrdreg s22  }
0x12: {  	s11 =	simm.s32 $0x7;
	s9 =	simm.s32 $0x8;
	[dreg:$0x4] =	wrdreg s8  }
0x13: {  	s0 =	sadd.s32 $0x7BC00, s0;
	[dreg:$0x7] =	wrdreg s28;
	s8 =	simm.s32 $0x5180  }
0x14: {  	s10 =	sadd.s32 s3, s7;
	[dreg:$0x6] =	wrdreg s0;
	s0 =	simm.s32 $0x280  }
.LBB2_6:
0x15: {  	[bflag:$0x0] =	sbarrier.arrive $0xFFFF  }
0x16: {  	s19 =	rddreg [dreg:$0x5]  }
0x17: {  	s3 =	rddreg [dreg:$0x6]  }
0x18: {  	s13 =	simm.s32 $0x10;
	s22 =	rddreg [dreg:$0x8]  }
0x19: {  	[hbm:s3@s13], [sflag:s19] =	dma.strided [spmem:s22@s9], $0x13C0, s21, $0x8   }
0x1a: {  	_ =	swait.ge [sflag:s14], $0x13C0  }
0x1b: {  	s25 =	rddreg [dreg:$0x3]  }
0x1c: {  	s28 =	rddreg [dreg:$0x7];
	s13 =	sadd.s32 $0x1, s25  }
0x1d: {  	p0 =	sne.s32 s13, s28  }
.Ltmp1:
0x1e: {  	_ = 	snop;
	(pc) =	sbr.rel @!p0 .LBB2_7-.Ltmp1, $3  }
0x1f: {  	_ =	sdelay $0x1  }
0x20: {  	[sflag:s14] =	ssyncset.done $0x0  }
0x21: {  	[sflag:s14] =	ssyncadd.s32 $0xFFFFEC40  }
.LBB2_1:
0x22: {  	[dreg:$0x3] =	wrdreg s13  }
0x23: {  	s3 =	rddreg [dreg:$0x4]  }
0x24: {  	[spmem:s22], [sflag:s19] =	dma.local [hbm:s3], $0x13C0  }
.Ltmp2:
0x25: {  	_ =	swait.ge [sflag:s14], $0x13C0;
	(pc) =	sbr.rel .LBB2_2-.Ltmp2, $4  }
0x26: {  	[sflag:s14] =	ssyncset.done $0x0  }
0x27: {  	[sflag:s14] =	ssyncadd.s32 $0xFFFFEC40  }
0x28: {  	[bflag:$0x0] =	sbarrier.arrive $0xFFFF  }
0x29: {  	p1 =	por $0x1, $0x1;
	s3 =	simm.s32 $0x0  }
.LBB2_5:
0x2a: {  	_ =	swait.ge [sflag:s26], $0x2000  }
0x2b: {  	[sflag:s26] =	ssyncset.done $0x0  }
0x2c: {  	[sflag:s26] =	ssyncadd.s32 $0xFFFFE000  }
0x2d: {  	_ =	swait.ge [sflag:s31], $0x2000  }
0x2e: {  	[sflag:s31] =	ssyncset.done $0x0  }
0x2f: {  	[sflag:s31] =	ssyncadd.s32 $0xFFFFE000  }
0x30: {  	_ =	swait.ge [sflag:s11], $0x2000  }
.Ltmp3:
0x31: {  	[sflag:s11] =	ssyncset.done $0x0;
	(pc) =	sbr.rel @!p0 .LBB2_6-.Ltmp3, $4  }
0x32: {  	[sflag:s11] =	ssyncadd.s32 $0xFFFFE000  }
0x33: {  	_ =	swait.ge [sflag:s9], $0x2000  }
0x34: {  	[sflag:s9] =	ssyncset.done $0x0  }
0x35: {  	s3 =	simm.s32 $0x5000;
	p1 =	por $0x0, $0x0;
	[sflag:s9] =	ssyncadd.s32 $0xFFFFE000  }
.LBB2_2:
0x36: {  	s13 =	sadd.s32 s10, s3  }
0x37: {  	s13 =	sshrl.u32 s13, $0x3  }
0x38: {  	s19 =	sadd.s32 s5, s13;
	s13 =	simm.s32 $0x0  }
0x39: {  	[tilespmem:s13], [sflag:$0x9] =	stream.linear.gather [hbm4b:s19+s13], $0x5000, $0x38;
	[tilespmem:$0x1BE00] =	vst v63  }
0x3a: {  	s28 =	sadd.s32 s7, s3;
	_ =	swait.ge [sflag:s14], $0x5000  }
0x3b: {  	s3 =	sshrl.u32 s28, $0x3;
	[sflag:s14] =	ssyncset.done $0x0  }
0x3c: {  	s3 =	sadd.s32 s6, s3;
	[sflag:s14] =	ssyncadd.s32 $0xFFFFB000  }
0x3d: {  	[tilespmem:s15], [sflag:$0x9] =	stream.linear.gather [hbm4b:s3+s13], $0x5000, $0x38;
	[tilespmem:$0x1BE00] =	vst v63  }
0x3e: {  	_ =	swait.ge [sflag:s14], $0x5000  }
0x3f: {  	[sflag:s14] =	ssyncset.done $0x0  }
0x40: {  	[sflag:s14] =	ssyncadd.s32 $0xFFFFB000  }
0x41: {  	[tilespmem:s17], [sflag:$0x1] =	stream.indirect.gather [hbm4b:s4+s16], $0x40, s13, s16, $0xb8;
	[tilespmem:$0x1BE00] =	vst v63  }
0x42: {  	_ = 	snop  }
0x43: {  	[tilespmem:s18], [sflag:$0x2] =	stream.indirect.gather [hbm4b:s4+s16], $0x40, s16, s16, $0xb8;
	[tilespmem:$0x1BE00] =	vst v63  }
0x44: {  	s19 =	simm.s32 $0x100  }
0x45: {  	[tilespmem:s20], [sflag:$0x3] =	stream.indirect.gather [hbm4b:s4+s16], $0x40, s19, s16, $0xb8;
	[tilespmem:$0x1BE00] =	vst v63  }
0x46: {  	_ =	swait.ge [sflag:s21], $0x2000  }
0x47: {  	[sflag:s21] =	ssyncset.done $0x0  }
0x48: {  	[sflag:s21] =	ssyncadd.s32 $0xFFFFE000  }
0x49: {  	[spmem:s2] =	stream.indirect.scatter.add.f32 [tilespmem:s17], [sflag:$0x5], $0x40, s15, s16, $0xb8;
	[tilespmem:$0x1BE00] =	vst v63  }
0x4a: {  	s22 =	simm.s32 $0x180  }
0x4b: {  	[tilespmem:s23], [sflag:$0x4] =	stream.indirect.gather [hbm4b:s4+s16], $0x40, s22, s16, $0xb8;
	[tilespmem:$0x1BE00] =	vst v63  }
0x4c: {  	_ =	swait.ge [sflag:s24], $0x2000  }
0x4d: {  	[sflag:s24] =	ssyncset.done $0x0  }
0x4e: {  	s25 =	simm.s32 $0x5080;
	[sflag:s24] =	ssyncadd.s32 $0xFFFFE000  }
0x4f: {  	[spmem:s2] =	stream.indirect.scatter.add.f32 [tilespmem:s18], [sflag:$0x6], $0x40, s25, s16, $0xb8;
	[tilespmem:$0x1BE00] =	vst v63  }
0x50: {  	_ =	swait.ge [sflag:s26], $0x2000  }
0x51: {  	[sflag:s26] =	ssyncset.done $0x0  }
0x52: {  	s28 =	simm.s32 $0x200;
	[sflag:s26] =	ssyncadd.s32 $0xFFFFE000  }
0x53: {  	[tilespmem:s17], [sflag:$0x1] =	stream.indirect.gather [hbm4b:s4+s16], $0x40, s28, s16, $0xb8;
	[tilespmem:$0x1BE00] =	vst v63  }
0x54: {  	_ =	swait.ge [sflag:s29], $0x2000  }
0x55: {  	[sflag:s29] =	ssyncset.done $0x0  }
0x56: {  	[sflag:s29] =	ssyncadd.s32 $0xFFFFE000  }
0x57: {  	[spmem:s2] =	stream.indirect.scatter.add.f32 [tilespmem:s20], [sflag:$0x7], $0x40, s30, s16, $0xb8;
	[tilespmem:$0x1BE00] =	vst v63  }
0x58: {  	_ =	swait.ge [sflag:s31], $0x2000  }
0x59: {  	[sflag:s31] =	ssyncset.done $0x0  }
0x5a: {  	[sflag:s31] =	ssyncadd.s32 $0xFFFFE000  }
0x5b: {  	[tilespmem:s18], [sflag:$0x2] =	stream.indirect.gather [hbm4b:s4+s16], $0x40, s0, s16, $0xb8;
	[tilespmem:$0x1BE00] =	vst v63  }
0x5c: {  	_ =	swait.ge [sflag:s1], $0x2000  }
0x5d: {  	[sflag:s1] =	ssyncset.done $0x0  }
0x5e: {  	[sflag:s1] =	ssyncadd.s32 $0xFFFFE000  }
0x5f: {  	[spmem:s2] =	stream.indirect.scatter.add.f32 [tilespmem:s23], [sflag:$0x8], $0x40, s8, s16, $0xb8;
	[tilespmem:$0x1BE00] =	vst v63  }
0x60: {  	_ =	swait.ge [sflag:s11], $0x2000  }
0x61: {  	[sflag:s11] =	ssyncset.done $0x0  }
0x62: {  	p0 =	por p1, p1;
	[sflag:s11] =	ssyncadd.s32 $0xFFFFE000  }
0x63: {  	[tilespmem:s20], [sflag:$0x3] =	stream.indirect.gather [hbm4b:s4+s16], $0x40, s12, s16, $0xb8;
	[tilespmem:$0x1BE00] =	vst v63  }
.LBB2_3:
0x64: {  	_ =	swait.ge [sflag:s21], $0x2000  }
0x65: {  	s3 =	sshra.s32 s13, $0x2;
	[sflag:s21] =	ssyncset.done $0x0  }
0x66: {  	s19 =	sadd.s32 $0x5200, s3;
	[sflag:s21] =	ssyncadd.s32 $0xFFFFE000  }
0x67: {  	[spmem:s2] =	stream.indirect.scatter.add.f32 [tilespmem:s17], [sflag:$0x5], $0x40, s19, s16, $0xb8;
	[tilespmem:$0x1BE00] =	vst v63  }
0x68: {  	_ =	swait.ge [sflag:s9], $0x2000  }
0x69: {  	[sflag:s9] =	ssyncset.done $0x0  }
0x6a: {  	s22 =	sadd.s32 $0x380, s3;
	[sflag:s9] =	ssyncadd.s32 $0xFFFFE000  }
0x6b: {  	[tilespmem:s23], [sflag:$0x4] =	stream.indirect.gather [hbm4b:s4+s16], $0x40, s22, s16, $0xb8;
	[tilespmem:$0x1BE00] =	vst v63  }
0x6c: {  	_ =	swait.ge [sflag:s24], $0x2000  }
0x6d: {  	p1 =	seq.s32 s13, $0x13000;
	[sflag:s24] =	ssyncset.done $0x0  }
0x6e: {  	s25 =	sadd.s32 $0x5280, s3;
	s19 =	simm.s32 @p1 $0x3;
	[sflag:s24] =	ssyncadd.s32 $0xFFFFE000  }
0x6f: {  	[spmem:s2] =	stream.indirect.scatter.add.f32 [tilespmem:s18], [sflag:$0x6], $0x40, s25, s16, $0xb8;
	[tilespmem:$0x1BE00] =	vst v63  }
0x70: {  	_ =	swait.ge @p1 [sflag:s19], $0x2000  }
0x71: {  	[sflag:s19] =	ssyncset.done @p1 $0x0  }
0x72: {  	[sflag:s19] =	ssyncadd.s32 @p1 $0xFFFFE000;
	s19 =	sshra.s32 @p1 s13, $0x2  }
0x73: {  	s22 =	simm.s32 @p1 $0x80;
	s25 =	simm.s32 @p1 $0xE000;
	s19 =	sadd.s32 @p1 $0x5300, s19  }
0x74: {  	[spmem:s2] =	stream.indirect.scatter.add.f32 @p1 [tilespmem:s25], [sflag:$0x7], $0x40, s19, s22, $0xb8;
	[tilespmem:$0x1BE00] =	vst v63  }
0x75: {  	s19 =	simm.s32 @!p1 $0x5  }
0x76: {  	_ =	swait.ge @!p1 [sflag:s19], $0x2000  }
0x77: {  	[sflag:s19] =	ssyncset.done @!p1 $0x0  }
0x78: {  	[sflag:s19] =	ssyncadd.s32 @!p1 $0xFFFFE000;
	s19 =	sshra.s32 @!p1 s13, $0x2  }
0x79: {  	s28 =	simm.s32 @!p1 $0xA000;
	s25 =	simm.s32 @!p1 $0x80;
	s22 =	sadd.s32 @!p1 $0x400, s19  }
0x7a: {  	[tilespmem:s28], [sflag:$0x1] =	stream.indirect.gather @!p1 [hbm4b:s4+s25], $0x40, s22, s25, $0xb8;
	[tilespmem:$0x1BE00] =	vst v63  }
0x7b: {  	s22 =	simm.s32 @!p1 $0x3  }
0x7c: {  	_ =	swait.ge @!p1 [sflag:s22], $0x2000  }
0x7d: {  	[sflag:s22] =	ssyncset.done @!p1 $0x0  }
0x7e: {  	s28 =	simm.s32 @!p1 $0xE000;
	[sflag:s22] =	ssyncadd.s32 @!p1 $0xFFFFE000;
	s22 =	sadd.s32 @!p1 $0x5300, s19  }
0x7f: {  	[spmem:s2] =	stream.indirect.scatter.add.f32 @!p1 [tilespmem:s28], [sflag:$0x7], $0x40, s22, s25, $0xb8;
	[tilespmem:$0x1BE00] =	vst v63  }
0x80: {  	s22 =	simm.s32 @!p1 $0x6  }
0x81: {  	_ =	swait.ge @!p1 [sflag:s22], $0x2000  }
0x82: {  	[sflag:s22] =	ssyncset.done @!p1 $0x0  }
0x83: {  	s19 =	sadd.s32 @!p1 $0x480, s19;
	[sflag:s22] =	ssyncadd.s32 @!p1 $0xFFFFE000;
	s22 =	simm.s32 @!p1 $0xC000  }
0x84: {  	[tilespmem:s22], [sflag:$0x2] =	stream.indirect.gather @!p1 [hbm4b:s4+s25], $0x40, s19, s25, $0xb8;
	[tilespmem:$0x1BE00] =	vst v63  }
.Ltmp4:
0x85: {  	_ = 	snop;
	(pc) =	sbr.rel @p1 .LBB2_5-.Ltmp4, $4  }
0x86: {  	_ =	swait.ge [sflag:s1], $0x2000  }
0x87: {  	[sflag:s1] =	ssyncset.done $0x0  }
0x88: {  	s28 =	sadd.s32 $0x5380, s3;
	[sflag:s1] =	ssyncadd.s32 $0xFFFFE000  }
0x89: {  	[spmem:s2] =	stream.indirect.scatter.add.f32 [tilespmem:s23], [sflag:$0x8], $0x40, s28, s16, $0xb8;
	[tilespmem:$0x1BE00] =	vst v63  }
.Ltmp5:
0x8a: {  	(pc) =	sbr.rel .LBB2_3-.Ltmp5, $4  }
0x8b: {  	_ =	swait.ge [sflag:s11], $0x2000  }
0x8c: {  	[sflag:s11] =	ssyncset.done $0x0  }
0x8d: {  	s3 =	sadd.s32 $0x500, s3;
	s13 =	sadd.s32 $0x800, s13;
	[sflag:s11] =	ssyncadd.s32 $0xFFFFE000  }
0x8e: {  	[tilespmem:s20], [sflag:$0x3] =	stream.indirect.gather [hbm4b:s4+s16], $0x40, s3, s16, $0xb8;
	[tilespmem:$0x1BE00] =	vst v63  }
.LBB2_7:
0x8f: {  	_ =	sfence.sel $0x180000  }
0x90: {  	[bflag:$0x0] =	sbarrier.arrive $0xFFFF  }
0x91: {  	_ =	strace $0x9000004A  }
0x92: {  	s0 =	stileid.u32;
	[bflag:$0x2] =	sbarrier.arrive $0xFFFF  }
0x93: {  	p0 =	sne.s32 s0, $0x0;
	s0 =	rddreg [dreg:$0x2]  }
0x94: {  	s0 =	sadd.s32 @!p0 $0x100000, s0  }
0x95: {  	[sflag:s0] =	ssyncadd.tile.s32 @!p0 $0x1;
	_ =	shalt  }
.Lfunc_end2:
_tile_overlayer_lowered:
.L_overlay_start_2:
0x96: {  	(tag) =	ssettag $0x2  }
0x97: {  	s0 =	rddreg [dreg:$0x0];
	s2 =	stileid.u32  }
0x98: {  	s1 =	rddreg [dreg:$0x1];
	p0 =	sne.s32 s2, $0x0  }
0x99: {  	s3 =	rddreg [dreg:$0x2];
	[bflag:$0x3] =	sbarrier.arrive $0xFFFF;
	s2 =	simm.s32 @!p0 $0x1C09  }
0x9a: {  	[timem:s3], [sflag:s2] =	dma.local @!p0 [hbm:s0], s1  }
0x9b: {  	s0 =	simm.s32 @!p0 $0x9  }
0x9c: {  	_ =	swait.ge @!p0 [sflag:s0], s1  }
0x9d: {  	s1 =	ssub.s32 @!p0 $0x0, s1;
	[sflag:s0] =	ssyncset.done @!p0 $0x0  }
0x9e: {  	[sflag:s0] =	ssyncadd.s32 @!p0 s1  }
0x9f: {  	[bflag:$0x3] =	sbarrier.arrive $0xFFFF  }
0xa0: {  	_ =	shalt  }

// kernel: kernel.16.cloned.1.call-start
scs
__scs_entry_jumppad:
0x0: {  	(pc) =	sbr.rel $0x88, $3  }
0x1: {  	(tag) =	ssettag $0x0;
	lr =	simm.s32 $0x1  }
0x2: {  	[smem:$0x3F99] =	sst lr;
	_ =	strace $0xD0000000  }
0x3: {  	_ = 	snop  }
0x4: {  	_ = 	snop  }
0x5: {  	_ = 	snop  }
0x6: {  	_ = 	snop  }
0x7: {  	_ = 	snop  }
__scs_overlays_trampoline_lowered:
0x8: {  	[smem:$0x3FA8] =	sst s0  }
0x9: {  	[smem:$0x3FA9] =	sst s1  }
0xa: {  	[smem:$0x3FAA] =	sst s2  }
0xb: {  	[smem:$0x3FAB] =	sst s3  }
0xc: {  	[smem:$0x3FAC] =	sst s4  }
0xd: {  	[smem:$0x3FAD] =	sst s5  }
0xe: {  	[smem:$0x3FAE] =	sst s6  }
0xf: {  	[smem:$0x3FAF] =	sst s7  }
0x10: {  	[smem:$0x3FB0] =	sst s8  }
0x11: {  	[smem:$0x3FB1] =	sst s9;
	s0 =	simm.s32 @!p0 $0x0  }
0x12: {  	s1 =	sld [smem:$0x3F97];
	s0 =	simm.s32 @p0 $0x1  }
0x13: {  	[smem:$0x3FB2] =	sst s0;
	s0 =	simm.s32 @!p1 $0x0  }
0x14: {  	s2 =	sld [smem:$0x3F96];
	s0 =	simm.s32 @p1 $0x1  }
0x15: {  	[smem:$0x3FB3] =	sst s0;
	s0 =	simm.s32 @!p2 $0x0  }
0x16: {  	s3 =	sld [smem:$0x3FDB];
	s0 =	simm.s32 @p2 $0x1  }
0x17: {  	s4 =	simm.s32 $0x1BF5;
	[smem:$0x3FB5] =	sst s0  }
0x18: {  	s0 =	sld [smem:$0x3F98];
	_ =	swait.ge [sflag:s4], $0x0  }
0x19: {  	s7 =	sld [smem:$0x3F99]  }
0x1a: {  	s8 =	sadd.s32 $0xFFFFE003, lr  }
0x1b: {  	s9 =	sadd.s32 $0xFFFFFEF7, lr;
	s5 =	simm.s32 $0xFFFFFFFF;
	p2 =	slt.u32 s8, $0xFFFFF086  }
0x1c: {  	p1 =	slt.u32 s9, $0xF7A;
	s5 =	simm.s32 @!p2 $0x0  }
0x1d: {  	s5 =	simm.s32 @p1 $0x1;
	p0 =	seq.s32 s7, s2  }
0x1e: {  	s7 =	smul.u32 @!p0 $0xF7A, s2;
	p2 =	seq.s32 @!p0 s5, $0x0  }
0x1f: {  	s9 =	smul.u32 $0xF7A, s1;
	s8 =	simm.s32 @!p0 $0x1BF5;
	p2 =	por !p2, p0  }
0x20: {  	[sflag:s8] =	ssyncset.s32 @!p0 $0xFFFFF086;
	s6 =	sadd.s32 @!p0 s3, s7;
	s7 =	simm.s32 @!p0 $0x108  }
0x21: {  	s3 =	sadd.s32 s3, s9;
	s6 =	sadd.s32 @!p0 $0x88, s6;
	s7 =	simm.s32 @p2 $0x1082  }
0x22: {  	[simem:s7], [sflag:s8] =	dma.local @!p0 [hbm:s6], $0xF7A  }
0x23: {  	s9 =	sor.u32 $0xD0000000, s2;
	s6 =	simm.s32 $0x108;
	_ =	swait.ge @!p0 [sflag:s8], $0x0  }
0x24: {  	s3 =	sadd.s32 $0x88, s3;
	s6 =	simm.s32 @!p1 $0x1082;
	[sflag:s4] =	ssyncset.s32 $0xFFFFF086  }
0x25: {  	[simem:s6], [sflag:s4] =	dma.local [hbm:s3], $0xF7A  }
0x26: {  	[smem:$0x3F99] =	sst s1;
	(tag) =	ssettag s2;
	_ =	strace s9  }
0x27: {  	s1 =	sld [smem:$0x3FA9]  }
0x28: {  	s2 =	sld [smem:$0x3FAA]  }
0x29: {  	s4 =	sld [smem:$0x3FAC]  }
0x2a: {  	p0 =	seq.s32 s5, $0x0;
	s5 =	sld [smem:$0x3FAD]  }
0x2b: {  	s6 =	sld [smem:$0x3FAE]  }
0x2c: {  	s7 =	sld [smem:$0x3FAF]  }
0x2d: {  	s3 =	simm.s32 $0x108;
	s8 =	sld [smem:$0x3FB0]  }
0x2e: {  	s3 =	simm.s32 @!p0 $0x1082;
	s9 =	sld [smem:$0x3FB1]  }
0x2f: {  	lr =	sadd.s32 s0, s3;
	s0 =	sld [smem:$0x3FA8]  }
0x30: {  	s3 =	sld [smem:$0x3FAB]  }
0x31: {  	[smem:$0x3FB4] =	sst s10  }
0x32: {  	s10 =	sld [smem:$0x3FB2];
	_ =	sdelay $0x3  }
0x33: {  	p0 =	seq.s32 s10, $0x1;
	s10 =	sld [smem:$0x3FB4];
	_ =	sdelay $0x3  }
0x34: {  	[smem:$0x3FB4] =	sst s10  }
0x35: {  	s10 =	sld [smem:$0x3FB3];
	_ =	sdelay $0x3  }
0x36: {  	p1 =	seq.s32 s10, $0x1;
	s10 =	sld [smem:$0x3FB4];
	_ =	sdelay $0x3  }
0x37: {  	[smem:$0x3FB4] =	sst s10  }
0x38: {  	s10 =	sld [smem:$0x3FB5]  }
0x39: {  	_ = 	snop;
	(pc) =	sbr.ind lr, $3  }
0x3a: {  	_ = 	snop  }
0x3b: {  	_ = 	snop  }
0x3c: {  	p2 =	seq.s32 s10, $0x1;
	s10 =	sld [smem:$0x3FB4]  }
0x3d: {  	_ =	shalt  }
0x3e: {  	_ =	shalt  }
0x3f: {  	_ =	shalt  }
0x40: {  	_ =	shalt  }
0x41: {  	_ =	shalt  }
0x42: {  	_ =	shalt  }
0x43: {  	_ =	shalt  }
0x44: {  	_ =	shalt  }
0x45: {  	_ =	shalt  }
0x46: {  	_ =	shalt  }
0x47: {  	_ =	shalt  }
0x48: {  	_ =	shalt  }
0x49: {  	_ =	shalt  }
0x4a: {  	_ =	shalt  }
0x4b: {  	_ =	shalt  }
0x4c: {  	_ =	shalt  }
0x4d: {  	_ =	shalt  }
0x4e: {  	_ =	shalt  }
0x4f: {  	_ =	shalt  }
0x50: {  	_ =	shalt  }
0x51: {  	_ =	shalt  }
0x52: {  	_ =	shalt  }
0x53: {  	_ =	shalt  }
0x54: {  	_ =	shalt  }
0x55: {  	_ =	shalt  }
0x56: {  	_ =	shalt  }
0x57: {  	_ =	shalt  }
0x58: {  	_ =	shalt  }
0x59: {  	_ =	shalt  }
0x5a: {  	_ =	shalt  }
0x5b: {  	_ =	shalt  }
0x5c: {  	_ =	shalt  }
0x5d: {  	_ =	shalt  }
0x5e: {  	_ =	shalt  }
0x5f: {  	_ =	shalt  }
0x60: {  	_ =	shalt  }
0x61: {  	_ =	shalt  }
0x62: {  	_ =	shalt  }
0x63: {  	_ =	shalt  }
0x64: {  	_ =	shalt  }
0x65: {  	_ =	shalt  }
0x66: {  	_ =	shalt  }
0x67: {  	_ =	shalt  }
0x68: {  	_ =	shalt  }
0x69: {  	_ =	shalt  }
0x6a: {  	_ =	shalt  }
0x6b: {  	_ =	shalt  }
0x6c: {  	_ =	shalt  }
0x6d: {  	_ =	shalt  }
0x6e: {  	_ =	shalt  }
0x6f: {  	_ =	shalt  }
0x70: {  	_ =	shalt  }
0x71: {  	_ =	shalt  }
0x72: {  	_ =	shalt  }
0x73: {  	_ =	shalt  }
0x74: {  	_ =	shalt  }
0x75: {  	_ =	shalt  }
0x76: {  	_ =	shalt  }
0x77: {  	_ =	shalt  }
0x78: {  	_ =	shalt  }
0x79: {  	_ =	shalt  }
0x7a: {  	_ =	shalt  }
0x7b: {  	_ =	shalt  }
0x7c: {  	_ =	shalt  }
0x7d: {  	_ =	shalt  }
0x7e: {  	_ =	shalt  }
0x7f: {  	_ =	shalt  }
0x80: {  	_ =	shalt  }
0x81: {  	_ =	shalt  }
0x82: {  	_ =	shalt  }
0x83: {  	_ =	shalt  }
0x84: {  	_ =	shalt  }
0x85: {  	_ =	shalt  }
0x86: {  	_ =	shalt  }
0x87: {  	_ =	shalt  }
.Lfunc_end0:
.L_simem_size_0:
called_computation.2_lowered:
.L_overlay_start_0:
0x88: {  	s2 =	sld [smem:$0x3FD9]  }
0x89: {  	s3 =	sld [smem:$0x3FFE];
	_ =	sdelay $0x1  }
0x8a: {  	s1 =	srdreg.scid  }
0x8b: {  	s0 =	sand.u32 $0x1, s1  }
0x8c: {  	s16 =	sshll.u32 s0, $0xA;
	s2 =	sadd.s32 s3, s2  }
0x8d: {  	s2 =	sadd.s32 s2, s16  }
0x8e: {  	[smem:$0x3FC0] =	sst s2  }
0x8f: {  	_ = 	snop  }
0x90: {  	(tm) =	ssettm $0x1  }
0x91: {  	s17 =	sld [smem:$0x3FFB];
	_ =	sdelay $0x3  }
0x92: {  	_ =	strace s17  }
0x93: {  	s2 =	sld [smem:$0x3FFC];
	_ =	sdelay $0x3  }
0x94: {  	_ =	strace s2  }
0x95: {  	s2 =	sld [smem:$0x3FFD];
	_ =	sdelay $0x3  }
0x96: {  	_ =	strace s2  }
0x97: {  	_ =	strace $0x8FFFFFFF  }
0x98: {  	s18 =	sld [smem:$0x3FDB];
	_ =	sdelay $0x1  }
0x99: {  	s19 =	simm.s32 $_scs_section_size  }
0x9a: {  	s4 =	simm.s32 $_size__tile_overlayer_lowered;
	s5 =	simm.s32 $_tile_overlayer_lowered  }
0x9b: {  	s22 =	simm.s32 $0x1BFF;
	s21 =	sshll.u32 s5, $0x1;
	s2 =	sadd.s32 s19, s18  }
0x9c: {  	s6 =	simm.s32 $0x0;
	s20 =	sshll.u32 s4, $0x1;
	s4 =	sadd.s32 s21, s2  }
0x9d: {  	[timem:s6], [sflag:s22] =	dma.local [hbm:s4], s20  }
0x9e: {  	_ =	swait.ge [sflag:s22], s20  }
0x9f: {  	s3 =	ssub.s32 $0x0, s20;
	[sflag:s22] =	ssyncset.done $0x0  }
0xa0: {  	[sflag:s22] =	ssyncadd.s32 s3;
	_ =	sdelay $0x1  }
0xa1: {  	s23 =	simm.s32 $0x1B8B  }
0xa2: {  	_ =	swait.ge [sflag:s23], $0x1  }
0xa3: {  	[sflag:s23] =	ssyncset.done $0x0  }
0xa4: {  	s25 =	simm.s32 $0x1B8E;
	s24 =	sld [smem:$0x3FFE];
	[sflag:s23] =	ssyncadd.s32 $0xFFFFFFFF  }
0xa5: {  	s26 =	simm.s32 $execute0_lowered;
	[smem:$0x3FD2] =	sst s25  }
0xa6: {  	s4 =	sshll.u32 s26, $0x1;
	_ =	strace $0x8000004C;
	[dreg:$0x1] =	wrdreg $0xFFFFFFFF  }
0xa7: {  	s28 =	simm.s32 $_size_execute0_lowered;
	s2 =	sadd.s32 s2, s4;
	[dreg:$0x0] =	wrdreg $0x0  }
0xa8: {  	s4 =	sshll.u32 s28, $0x1;
	[dreg:$0x2] =	wrdreg s2  }
0xa9: {  	[dreg:$0x3] =	wrdreg s4  }
0xaa: {  	[dreg:$0x4] =	wrdreg $0xC0  }
0xab: {  	_ =	task [dreg:s6], $0x5FFFF  }
0xac: {  	[dreg:$0x1] =	wrdreg $0xFFFFFFFF  }
0xad: {  	[dreg:$0x0] =	wrdreg $0x60  }
0xae: {  	[dreg:$0x2] =	wrdreg s24  }
0xaf: {  	[dreg:$0x3] =	wrdreg $0x120000  }
0xb0: {  	[dreg:$0x4] =	wrdreg $0x9  }
0xb1: {  	_ =	task.clear_ibuf [dreg:s6], $0x5FFFF;
	_ =	strace $0x9000004C  }
0xb2: {  	s29 =	simm.s32 $0x9;
	_ =	strace $0x8000004E  }
0xb3: {  	_ =	swait.ge [sflag:s29], $0x1  }
0xb4: {  	[sflag:s29] =	ssyncadd.s32 $0xFFFFFFFF  }
0xb5: {  	_ =	strace $0x9000004E  }
0xb6: {  	_ =	sfence  }
0xb7: {  	s30 =	sld [smem:$0x0];
	_ =	sdelay $0x2  }
0xb8: {  	s31 =	sshll.u32 s1, $0xD;
	s1 =	sshrl.u32 s1, $0x2  }
0xb9: {  	s3 =	sand.u32 $0x4000, s31;
	s1 =	sadd.s32 s1, s30  }
0xba: {  	s0 =	sor.u32 s3, s0;
	s1 =	sshll.u32 s1, $0x11  }
0xbb: {  	s0 =	sor.u32 s1, s0  }
0xbc: {  	s0 =	sadd.s32 $0x8F2B, s0  }
0xbd: {  	[sflag:s0] =	ssyncadd.remote.s32 $0x1  }
0xbe: {  	_ =	sfence.sel $0xFFFF  }
0xbf: {  	[dreg:$0x0] =	wrdreg $0xFFFFFFFF;
	(pc) =	sbr.abs _section_cstart, $3  }
0xc0: {  	[dreg:$0x1] =	wrdreg $0xFFFFFFFF  }
0xc1: {  	_ =	task.clear_ibuf [dreg:s6], $0x2FFFF;
	_ =	strace $0x9FFFFFFF  }
0xc2: {  	(tm) =	ssettm $0x7FFFFFFF  }
0xc3: {  	_ =	shalt  }
tec
execute0_lowered:
.L_overlay_start_1:
0x0: {  	(tag) =	ssettag $0x1  }
0x1: {  	s0 =	rddreg [dreg:$0x0]  }
0x2: {  	s2 =	rddreg [dreg:$0x1];
	s13 =	simm.s32 $0x0  }
0x3: {  	s11 =	stileid.u32;
	s3 =	srdreg.scid;
	s14 =	simm.s32 $0x9  }
0x4: {  	s15 =	simm.s32 $0x5000;
	s16 =	simm.s32 $0x80;
	s17 =	simm.s32 $0xA000  }
0x5: {  	s18 =	simm.s32 $0xC000;
	s20 =	simm.s32 $0xE000;
	s21 =	simm.s32 $0x1  }
0x6: {  	s23 =	simm.s32 $0x10000;
	s24 =	simm.s32 $0x2;
	s29 =	simm.s32 $0x3  }
0x7: {  	s30 =	simm.s32 $0x5100;
	s31 =	simm.s32 $0x6;
	s12 =	simm.s32 $0x300  }
0x8: {  	[smem:$0x7FF] =	sst s13;
	s1 =	smul.u32 $0x9E00, s11;
	s4 =	sadd.s32 $0x2C400, s0  }
0x9: {  	s3 =	sand.u32 $0x1, s3;
	s7 =	smul.u32 $0x13C00, s11;
	s5 =	sadd.s32 $0x53C00, s0  }
0xa: {  	s6 =	sadd.s32 $0x4800, s0;
	s26 =	sshll.u32 s11, $0x6;
	_ =	strace $0x8000004D  }
0xb: {  	s9 =	sshll.u32 s3, $0x6;
	s25 =	ssub.s32 $0x2, s3;
	s3 =	smul.u32 $0xA0000, s3  }
0xc: {  	s19 =	sor.u32 $0x1C09, s26;
	s26 =	simm.s32 $0x5;
	s8 =	sshrl.u32 s1, $0x3  }
0xd: {  	s7 =	sor.u32 s9, s7;
	s10 =	sshrl.u32 s25, $0x1;
	s1 =	sadd.s32 s1, s2  }
0xe: {  	[dreg:$0x5] =	wrdreg s19;
	s8 =	sadd.s32 s8, s0;
	s7 =	sshrl.u32 s7, $0x3  }
0xf: {  	s9 =	ssub.s32 s25, s10;
	s0 =	sadd.s32 s7, s0;
	s7 =	smul.u32 $0xA000, s11  }
.Ltmp0:
0x10: {  	s22 =	sshrl.u32 s1, $0x3;
	s1 =	simm.s32 $0x4;
	(pc) =	sbr.rel .LBB2_1-.Ltmp0, $4  }
0x11: {  	s8 =	sadd.s32 $0x18800, s8;
	s28 =	smax.u32 s9, $0x1;
	[dreg:$0x8] =	wrdreg s22  }
0x12: {  	s11 =	simm.s32 $0x7;
	s9 =	simm.s32 $0x8;
	[dreg:$0x4] =	wrdreg s8  }
0x13: {  	s0 =	sadd.s32 $0x7BC00, s0;
	[dreg:$0x7] =	wrdreg s28;
	s8 =	simm.s32 $0x5180  }
0x14: {  	s10 =	sadd.s32 s3, s7;
	[dreg:$0x6] =	wrdreg s0;
	s0 =	simm.s32 $0x280  }
.LBB2_6:
0x15: {  	[bflag:$0x0] =	sbarrier.arrive $0xFFFF  }
0x16: {  	s19 =	rddreg [dreg:$0x5]  }
0x17: {  	s3 =	rddreg [dreg:$0x6]  }
0x18: {  	s13 =	simm.s32 $0x10;
	s22 =	rddreg [dreg:$0x8]  }
0x19: {  	[hbm:s3@s13], [sflag:s19] =	dma.strided [spmem:s22@s9], $0x13C0, s21, $0x8   }
0x1a: {  	_ =	swait.ge [sflag:s14], $0x13C0  }
0x1b: {  	s25 =	rddreg [dreg:$0x3]  }
0x1c: {  	s28 =	rddreg [dreg:$0x7];
	s13 =	sadd.s32 $0x1, s25  }
0x1d: {  	p0 =	sne.s32 s13, s28  }
.Ltmp1:
0x1e: {  	_ = 	snop;
	(pc) =	sbr.rel @!p0 .LBB2_7-.Ltmp1, $3  }
0x1f: {  	_ =	sdelay $0x1  }
0x20: {  	[sflag:s14] =	ssyncset.done $0x0  }
0x21: {  	[sflag:s14] =	ssyncadd.s32 $0xFFFFEC40  }
.LBB2_1:
0x22: {  	[dreg:$0x3] =	wrdreg s13  }
0x23: {  	s3 =	rddreg [dreg:$0x4]  }
0x24: {  	[spmem:s22], [sflag:s19] =	dma.local [hbm:s3], $0x13C0  }
.Ltmp2:
0x25: {  	_ =	swait.ge [sflag:s14], $0x13C0;
	(pc) =	sbr.rel .LBB2_2-.Ltmp2, $4  }
0x26: {  	[sflag:s14] =	ssyncset.done $0x0  }
0x27: {  	[sflag:s14] =	ssyncadd.s32 $0xFFFFEC40  }
0x28: {  	[bflag:$0x0] =	sbarrier.arrive $0xFFFF  }
0x29: {  	p1 =	por $0x1, $0x1;
	s3 =	simm.s32 $0x0  }
.LBB2_5:
0x2a: {  	_ =	swait.ge [sflag:s26], $0x2000  }
0x2b: {  	[sflag:s26] =	ssyncset.done $0x0  }
0x2c: {  	[sflag:s26] =	ssyncadd.s32 $0xFFFFE000  }
0x2d: {  	_ =	swait.ge [sflag:s31], $0x2000  }
0x2e: {  	[sflag:s31] =	ssyncset.done $0x0  }
0x2f: {  	[sflag:s31] =	ssyncadd.s32 $0xFFFFE000  }
0x30: {  	_ =	swait.ge [sflag:s11], $0x2000  }
.Ltmp3:
0x31: {  	[sflag:s11] =	ssyncset.done $0x0;
	(pc) =	sbr.rel @!p0 .LBB2_6-.Ltmp3, $4  }
0x32: {  	[sflag:s11] =	ssyncadd.s32 $0xFFFFE000  }
0x33: {  	_ =	swait.ge [sflag:s9], $0x2000  }
0x34: {  	[sflag:s9] =	ssyncset.done $0x0  }
0x35: {  	s3 =	simm.s32 $0x5000;
	p1 =	por $0x0, $0x0;
	[sflag:s9] =	ssyncadd.s32 $0xFFFFE000  }
.LBB2_2:
0x36: {  	s13 =	sadd.s32 s10, s3  }
0x37: {  	s13 =	sshrl.u32 s13, $0x3  }
0x38: {  	s19 =	sadd.s32 s5, s13;
	s13 =	simm.s32 $0x0  }
0x39: {  	[tilespmem:s13], [sflag:$0x9] =	stream.linear.gather [hbm4b:s19+s13], $0x5000, $0x38;
	[tilespmem:$0x1BE00] =	vst v63  }
0x3a: {  	s28 =	sadd.s32 s7, s3;
	_ =	swait.ge [sflag:s14], $0x5000  }
0x3b: {  	s3 =	sshrl.u32 s28, $0x3;
	[sflag:s14] =	ssyncset.done $0x0  }
0x3c: {  	s3 =	sadd.s32 s6, s3;
	[sflag:s14] =	ssyncadd.s32 $0xFFFFB000  }
0x3d: {  	[tilespmem:s15], [sflag:$0x9] =	stream.linear.gather [hbm4b:s3+s13], $0x5000, $0x38;
	[tilespmem:$0x1BE00] =	vst v63  }
0x3e: {  	_ =	swait.ge [sflag:s14], $0x5000  }
0x3f: {  	[sflag:s14] =	ssyncset.done $0x0  }
0x40: {  	[sflag:s14] =	ssyncadd.s32 $0xFFFFB000  }
0x41: {  	[tilespmem:s17], [sflag:$0x1] =	stream.indirect.gather [hbm4b:s4+s16], $0x40, s13, s16, $0xb8;
	[tilespmem:$0x1BE00] =	vst v63  }
0x42: {  	_ = 	snop  }
0x43: {  	[tilespmem:s18], [sflag:$0x2] =	stream.indirect.gather [hbm4b:s4+s16], $0x40, s16, s16, $0xb8;
	[tilespmem:$0x1BE00] =	vst v63  }
0x44: {  	s19 =	simm.s32 $0x100  }
0x45: {  	[tilespmem:s20], [sflag:$0x3] =	stream.indirect.gather [hbm4b:s4+s16], $0x40, s19, s16, $0xb8;
	[tilespmem:$0x1BE00] =	vst v63  }
0x46: {  	_ =	swait.ge [sflag:s21], $0x2000  }
0x47: {  	[sflag:s21] =	ssyncset.done $0x0  }
0x48: {  	[sflag:s21] =	ssyncadd.s32 $0xFFFFE000  }
0x49: {  	[spmem:s2] =	stream.indirect.scatter.add.f32 [tilespmem:s17], [sflag:$0x5], $0x40, s15, s16, $0xb8;
	[tilespmem:$0x1BE00] =	vst v63  }
0x4a: {  	s22 =	simm.s32 $0x180  }
0x4b: {  	[tilespmem:s23], [sflag:$0x4] =	stream.indirect.gather [hbm4b:s4+s16], $0x40, s22, s16, $0xb8;
	[tilespmem:$0x1BE00] =	vst v63  }
0x4c: {  	_ =	swait.ge [sflag:s24], $0x2000  }
0x4d: {  	[sflag:s24] =	ssyncset.done $0x0  }
0x4e: {  	s25 =	simm.s32 $0x5080;
	[sflag:s24] =	ssyncadd.s32 $0xFFFFE000  }
0x4f: {  	[spmem:s2] =	stream.indirect.scatter.add.f32 [tilespmem:s18], [sflag:$0x6], $0x40, s25, s16, $0xb8;
	[tilespmem:$0x1BE00] =	vst v63  }
0x50: {  	_ =	swait.ge [sflag:s26], $0x2000  }
0x51: {  	[sflag:s26] =	ssyncset.done $0x0  }
0x52: {  	s28 =	simm.s32 $0x200;
	[sflag:s26] =	ssyncadd.s32 $0xFFFFE000  }
0x53: {  	[tilespmem:s17], [sflag:$0x1] =	stream.indirect.gather [hbm4b:s4+s16], $0x40, s28, s16, $0xb8;
	[tilespmem:$0x1BE00] =	vst v63  }
0x54: {  	_ =	swait.ge [sflag:s29], $0x2000  }
0x55: {  	[sflag:s29] =	ssyncset.done $0x0  }
0x56: {  	[sflag:s29] =	ssyncadd.s32 $0xFFFFE000  }
0x57: {  	[spmem:s2] =	stream.indirect.scatter.add.f32 [tilespmem:s20], [sflag:$0x7], $0x40, s30, s16, $0xb8;
	[tilespmem:$0x1BE00] =	vst v63  }
0x58: {  	_ =	swait.ge [sflag:s31], $0x2000  }
0x59: {  	[sflag:s31] =	ssyncset.done $0x0  }
0x5a: {  	[sflag:s31] =	ssyncadd.s32 $0xFFFFE000  }
0x5b: {  	[tilespmem:s18], [sflag:$0x2] =	stream.indirect.gather [hbm4b:s4+s16], $0x40, s0, s16, $0xb8;
	[tilespmem:$0x1BE00] =	vst v63  }
0x5c: {  	_ =	swait.ge [sflag:s1], $0x2000  }
0x5d: {  	[sflag:s1] =	ssyncset.done $0x0  }
0x5e: {  	[sflag:s1] =	ssyncadd.s32 $0xFFFFE000  }
0x5f: {  	[spmem:s2] =	stream.indirect.scatter.add.f32 [tilespmem:s23], [sflag:$0x8], $0x40, s8, s16, $0xb8;
	[tilespmem:$0x1BE00] =	vst v63  }
0x60: {  	_ =	swait.ge [sflag:s11], $0x2000  }
0x61: {  	[sflag:s11] =	ssyncset.done $0x0  }
0x62: {  	p0 =	por p1, p1;
	[sflag:s11] =	ssyncadd.s32 $0xFFFFE000  }
0x63: {  	[tilespmem:s20], [sflag:$0x3] =	stream.indirect.gather [hbm4b:s4+s16], $0x40, s12, s16, $0xb8;
	[tilespmem:$0x1BE00] =	vst v63  }
.LBB2_3:
0x64: {  	_ =	swait.ge [sflag:s21], $0x2000  }
0x65: {  	s3 =	sshra.s32 s13, $0x2;
	[sflag:s21] =	ssyncset.done $0x0  }
0x66: {  	s19 =	sadd.s32 $0x5200, s3;
	[sflag:s21] =	ssyncadd.s32 $0xFFFFE000  }
0x67: {  	[spmem:s2] =	stream.indirect.scatter.add.f32 [tilespmem:s17], [sflag:$0x5], $0x40, s19, s16, $0xb8;
	[tilespmem:$0x1BE00] =	vst v63  }
0x68: {  	_ =	swait.ge [sflag:s9], $0x2000  }
0x69: {  	[sflag:s9] =	ssyncset.done $0x0  }
0x6a: {  	s22 =	sadd.s32 $0x380, s3;
	[sflag:s9] =	ssyncadd.s32 $0xFFFFE000  }
0x6b: {  	[tilespmem:s23], [sflag:$0x4] =	stream.indirect.gather [hbm4b:s4+s16], $0x40, s22, s16, $0xb8;
	[tilespmem:$0x1BE00] =	vst v63  }
0x6c: {  	_ =	swait.ge [sflag:s24], $0x2000  }
0x6d: {  	p1 =	seq.s32 s13, $0x13000;
	[sflag:s24] =	ssyncset.done $0x0  }
0x6e: {  	s25 =	sadd.s32 $0x5280, s3;
	s19 =	simm.s32 @p1 $0x3;
	[sflag:s24] =	ssyncadd.s32 $0xFFFFE000  }
0x6f: {  	[spmem:s2] =	stream.indirect.scatter.add.f32 [tilespmem:s18], [sflag:$0x6], $0x40, s25, s16, $0xb8;
	[tilespmem:$0x1BE00] =	vst v63  }
0x70: {  	_ =	swait.ge @p1 [sflag:s19], $0x2000  }
0x71: {  	[sflag:s19] =	ssyncset.done @p1 $0x0  }
0x72: {  	[sflag:s19] =	ssyncadd.s32 @p1 $0xFFFFE000;
	s19 =	sshra.s32 @p1 s13, $0x2  }
0x73: {  	s22 =	simm.s32 @p1 $0x80;
	s25 =	simm.s32 @p1 $0xE000;
	s19 =	sadd.s32 @p1 $0x5300, s19  }
0x74: {  	[spmem:s2] =	stream.indirect.scatter.add.f32 @p1 [tilespmem:s25], [sflag:$0x7], $0x40, s19, s22, $0xb8;
	[tilespmem:$0x1BE00] =	vst v63  }
0x75: {  	s19 =	simm.s32 @!p1 $0x5  }
0x76: {  	_ =	swait.ge @!p1 [sflag:s19], $0x2000  }
0x77: {  	[sflag:s19] =	ssyncset.done @!p1 $0x0  }
0x78: {  	[sflag:s19] =	ssyncadd.s32 @!p1 $0xFFFFE000;
	s19 =	sshra.s32 @!p1 s13, $0x2  }
0x79: {  	s28 =	simm.s32 @!p1 $0xA000;
	s25 =	simm.s32 @!p1 $0x80;
	s22 =	sadd.s32 @!p1 $0x400, s19  }
0x7a: {  	[tilespmem:s28], [sflag:$0x1] =	stream.indirect.gather @!p1 [hbm4b:s4+s25], $0x40, s22, s25, $0xb8;
	[tilespmem:$0x1BE00] =	vst v63  }
0x7b: {  	s22 =	simm.s32 @!p1 $0x3  }
0x7c: {  	_ =	swait.ge @!p1 [sflag:s22], $0x2000  }
0x7d: {  	[sflag:s22] =	ssyncset.done @!p1 $0x0  }
0x7e: {  	s28 =	simm.s32 @!p1 $0xE000;
	[sflag:s22] =	ssyncadd.s32 @!p1 $0xFFFFE000;
	s22 =	sadd.s32 @!p1 $0x5300, s19  }
0x7f: {  	[spmem:s2] =	stream.indirect.scatter.add.f32 @!p1 [tilespmem:s28], [sflag:$0x7], $0x40, s22, s25, $0xb8;
	[tilespmem:$0x1BE00] =	vst v63  }
0x80: {  	s22 =	simm.s32 @!p1 $0x6  }
0x81: {  	_ =	swait.ge @!p1 [sflag:s22], $0x2000  }
0x82: {  	[sflag:s22] =	ssyncset.done @!p1 $0x0  }
0x83: {  	s19 =	sadd.s32 @!p1 $0x480, s19;
	[sflag:s22] =	ssyncadd.s32 @!p1 $0xFFFFE000;
	s22 =	simm.s32 @!p1 $0xC000  }
0x84: {  	[tilespmem:s22], [sflag:$0x2] =	stream.indirect.gather @!p1 [hbm4b:s4+s25], $0x40, s19, s25, $0xb8;
	[tilespmem:$0x1BE00] =	vst v63  }
.Ltmp4:
0x85: {  	_ = 	snop;
	(pc) =	sbr.rel @p1 .LBB2_5-.Ltmp4, $4  }
0x86: {  	_ =	swait.ge [sflag:s1], $0x2000  }
0x87: {  	[sflag:s1] =	ssyncset.done $0x0  }
0x88: {  	s28 =	sadd.s32 $0x5380, s3;
	[sflag:s1] =	ssyncadd.s32 $0xFFFFE000  }
0x89: {  	[spmem:s2] =	stream.indirect.scatter.add.f32 [tilespmem:s23], [sflag:$0x8], $0x40, s28, s16, $0xb8;
	[tilespmem:$0x1BE00] =	vst v63  }
.Ltmp5:
0x8a: {  	(pc) =	sbr.rel .LBB2_3-.Ltmp5, $4  }
0x8b: {  	_ =	swait.ge [sflag:s11], $0x2000  }
0x8c: {  	[sflag:s11] =	ssyncset.done $0x0  }
0x8d: {  	s3 =	sadd.s32 $0x500, s3;
	s13 =	sadd.s32 $0x800, s13;
	[sflag:s11] =	ssyncadd.s32 $0xFFFFE000  }
0x8e: {  	[tilespmem:s20], [sflag:$0x3] =	stream.indirect.gather [hbm4b:s4+s16], $0x40, s3, s16, $0xb8;
	[tilespmem:$0x1BE00] =	vst v63  }
.LBB2_7:
0x8f: {  	_ =	sfence.sel $0x180000  }
0x90: {  	[bflag:$0x0] =	sbarrier.arrive $0xFFFF  }
0x91: {  	_ =	strace $0x9000004D  }
0x92: {  	s0 =	stileid.u32;
	[bflag:$0x2] =	sbarrier.arrive $0xFFFF  }
0x93: {  	p0 =	sne.s32 s0, $0x0;
	s0 =	rddreg [dreg:$0x2]  }
0x94: {  	s0 =	sadd.s32 @!p0 $0x100000, s0  }
0x95: {  	[sflag:s0] =	ssyncadd.tile.s32 @!p0 $0x1;
	_ =	shalt  }
.Lfunc_end2:
_tile_overlayer_lowered:
.L_overlay_start_2:
0x96: {  	(tag) =	ssettag $0x2  }
0x97: {  	s0 =	rddreg [dreg:$0x0];
	s2 =	stileid.u32  }
0x98: {  	s1 =	rddreg [dreg:$0x1];
	p0 =	sne.s32 s2, $0x0  }
0x99: {  	s3 =	rddreg [dreg:$0x2];
	[bflag:$0x3] =	sbarrier.arrive $0xFFFF;
	s2 =	simm.s32 @!p0 $0x1C09  }
0x9a: {  	[timem:s3], [sflag:s2] =	dma.local @!p0 [hbm:s0], s1  }
0x9b: {  	s0 =	simm.s32 @!p0 $0x9  }
0x9c: {  	_ =	swait.ge @!p0 [sflag:s0], s1  }
0x9d: {  	s1 =	ssub.s32 @!p0 $0x0, s1;
	[sflag:s0] =	ssyncset.done @!p0 $0x0  }
0x9e: {  	[sflag:s0] =	ssyncadd.s32 @!p0 s1  }
0x9f: {  	[bflag:$0x3] =	sbarrier.arrive $0xFFFF  }
0xa0: {  	_ =	shalt  }

// kernel: kernel.19.cloned.1.call-start
scs
__scs_entry_jumppad:
0x0: {  	(pc) =	sbr.rel $0x88, $3  }
0x1: {  	(tag) =	ssettag $0x0;
	lr =	simm.s32 $0x1  }
0x2: {  	[smem:$0x3F99] =	sst lr;
	_ =	strace $0xD0000000  }
0x3: {  	_ = 	snop  }
0x4: {  	_ = 	snop  }
0x5: {  	_ = 	snop  }
0x6: {  	_ = 	snop  }
0x7: {  	_ = 	snop  }
__scs_overlays_trampoline_lowered:
0x8: {  	[smem:$0x3FA8] =	sst s0  }
0x9: {  	[smem:$0x3FA9] =	sst s1  }
0xa: {  	[smem:$0x3FAA] =	sst s2  }
0xb: {  	[smem:$0x3FAB] =	sst s3  }
0xc: {  	[smem:$0x3FAC] =	sst s4  }
0xd: {  	[smem:$0x3FAD] =	sst s5  }
0xe: {  	[smem:$0x3FAE] =	sst s6  }
0xf: {  	[smem:$0x3FAF] =	sst s7  }
0x10: {  	[smem:$0x3FB0] =	sst s8  }
0x11: {  	[smem:$0x3FB1] =	sst s9;
	s0 =	simm.s32 @!p0 $0x0  }
0x12: {  	s1 =	sld [smem:$0x3F97];
	s0 =	simm.s32 @p0 $0x1  }
0x13: {  	[smem:$0x3FB2] =	sst s0;
	s0 =	simm.s32 @!p1 $0x0  }
0x14: {  	s2 =	sld [smem:$0x3F96];
	s0 =	simm.s32 @p1 $0x1  }
0x15: {  	[smem:$0x3FB3] =	sst s0;
	s0 =	simm.s32 @!p2 $0x0  }
0x16: {  	s3 =	sld [smem:$0x3FDB];
	s0 =	simm.s32 @p2 $0x1  }
0x17: {  	s4 =	simm.s32 $0x1BF5;
	[smem:$0x3FB5] =	sst s0  }
0x18: {  	s0 =	sld [smem:$0x3F98];
	_ =	swait.ge [sflag:s4], $0x0  }
0x19: {  	s7 =	sld [smem:$0x3F99]  }
0x1a: {  	s8 =	sadd.s32 $0xFFFFE003, lr  }
0x1b: {  	s9 =	sadd.s32 $0xFFFFFEF7, lr;
	s5 =	simm.s32 $0xFFFFFFFF;
	p2 =	slt.u32 s8, $0xFFFFF086  }
0x1c: {  	p1 =	slt.u32 s9, $0xF7A;
	s5 =	simm.s32 @!p2 $0x0  }
0x1d: {  	s5 =	simm.s32 @p1 $0x1;
	p0 =	seq.s32 s7, s2  }
0x1e: {  	s7 =	smul.u32 @!p0 $0xF7A, s2;
	p2 =	seq.s32 @!p0 s5, $0x0  }
0x1f: {  	s9 =	smul.u32 $0xF7A, s1;
	s8 =	simm.s32 @!p0 $0x1BF5;
	p2 =	por !p2, p0  }
0x20: {  	[sflag:s8] =	ssyncset.s32 @!p0 $0xFFFFF086;
	s6 =	sadd.s32 @!p0 s3, s7;
	s7 =	simm.s32 @!p0 $0x108  }
0x21: {  	s3 =	sadd.s32 s3, s9;
	s6 =	sadd.s32 @!p0 $0x88, s6;
	s7 =	simm.s32 @p2 $0x1082  }
0x22: {  	[simem:s7], [sflag:s8] =	dma.local @!p0 [hbm:s6], $0xF7A  }
0x23: {  	s9 =	sor.u32 $0xD0000000, s2;
	s6 =	simm.s32 $0x108;
	_ =	swait.ge @!p0 [sflag:s8], $0x0  }
0x24: {  	s3 =	sadd.s32 $0x88, s3;
	s6 =	simm.s32 @!p1 $0x1082;
	[sflag:s4] =	ssyncset.s32 $0xFFFFF086  }
0x25: {  	[simem:s6], [sflag:s4] =	dma.local [hbm:s3], $0xF7A  }
0x26: {  	[smem:$0x3F99] =	sst s1;
	(tag) =	ssettag s2;
	_ =	strace s9  }
0x27: {  	s1 =	sld [smem:$0x3FA9]  }
0x28: {  	s2 =	sld [smem:$0x3FAA]  }
0x29: {  	s4 =	sld [smem:$0x3FAC]  }
0x2a: {  	p0 =	seq.s32 s5, $0x0;
	s5 =	sld [smem:$0x3FAD]  }
0x2b: {  	s6 =	sld [smem:$0x3FAE]  }
0x2c: {  	s7 =	sld [smem:$0x3FAF]  }
0x2d: {  	s3 =	simm.s32 $0x108;
	s8 =	sld [smem:$0x3FB0]  }
0x2e: {  	s3 =	simm.s32 @!p0 $0x1082;
	s9 =	sld [smem:$0x3FB1]  }
0x2f: {  	lr =	sadd.s32 s0, s3;
	s0 =	sld [smem:$0x3FA8]  }
0x30: {  	s3 =	sld [smem:$0x3FAB]  }
0x31: {  	[smem:$0x3FB4] =	sst s10  }
0x32: {  	s10 =	sld [smem:$0x3FB2];
	_ =	sdelay $0x3  }
0x33: {  	p0 =	seq.s32 s10, $0x1;
	s10 =	sld [smem:$0x3FB4];
	_ =	sdelay $0x3  }
0x34: {  	[smem:$0x3FB4] =	sst s10  }
0x35: {  	s10 =	sld [smem:$0x3FB3];
	_ =	sdelay $0x3  }
0x36: {  	p1 =	seq.s32 s10, $0x1;
	s10 =	sld [smem:$0x3FB4];
	_ =	sdelay $0x3  }
0x37: {  	[smem:$0x3FB4] =	sst s10  }
0x38: {  	s10 =	sld [smem:$0x3FB5]  }
0x39: {  	_ = 	snop;
	(pc) =	sbr.ind lr, $3  }
0x3a: {  	_ = 	snop  }
0x3b: {  	_ = 	snop  }
0x3c: {  	p2 =	seq.s32 s10, $0x1;
	s10 =	sld [smem:$0x3FB4]  }
0x3d: {  	_ =	shalt  }
0x3e: {  	_ =	shalt  }
0x3f: {  	_ =	shalt  }
0x40: {  	_ =	shalt  }
0x41: {  	_ =	shalt  }
0x42: {  	_ =	shalt  }
0x43: {  	_ =	shalt  }
0x44: {  	_ =	shalt  }
0x45: {  	_ =	shalt  }
0x46: {  	_ =	shalt  }
0x47: {  	_ =	shalt  }
0x48: {  	_ =	shalt  }
0x49: {  	_ =	shalt  }
0x4a: {  	_ =	shalt  }
0x4b: {  	_ =	shalt  }
0x4c: {  	_ =	shalt  }
0x4d: {  	_ =	shalt  }
0x4e: {  	_ =	shalt  }
0x4f: {  	_ =	shalt  }
0x50: {  	_ =	shalt  }
0x51: {  	_ =	shalt  }
0x52: {  	_ =	shalt  }
0x53: {  	_ =	shalt  }
0x54: {  	_ =	shalt  }
0x55: {  	_ =	shalt  }
0x56: {  	_ =	shalt  }
0x57: {  	_ =	shalt  }
0x58: {  	_ =	shalt  }
0x59: {  	_ =	shalt  }
0x5a: {  	_ =	shalt  }
0x5b: {  	_ =	shalt  }
0x5c: {  	_ =	shalt  }
0x5d: {  	_ =	shalt  }
0x5e: {  	_ =	shalt  }
0x5f: {  	_ =	shalt  }
0x60: {  	_ =	shalt  }
0x61: {  	_ =	shalt  }
0x62: {  	_ =	shalt  }
0x63: {  	_ =	shalt  }
0x64: {  	_ =	shalt  }
0x65: {  	_ =	shalt  }
0x66: {  	_ =	shalt  }
0x67: {  	_ =	shalt  }
0x68: {  	_ =	shalt  }
0x69: {  	_ =	shalt  }
0x6a: {  	_ =	shalt  }
0x6b: {  	_ =	shalt  }
0x6c: {  	_ =	shalt  }
0x6d: {  	_ =	shalt  }
0x6e: {  	_ =	shalt  }
0x6f: {  	_ =	shalt  }
0x70: {  	_ =	shalt  }
0x71: {  	_ =	shalt  }
0x72: {  	_ =	shalt  }
0x73: {  	_ =	shalt  }
0x74: {  	_ =	shalt  }
0x75: {  	_ =	shalt  }
0x76: {  	_ =	shalt  }
0x77: {  	_ =	shalt  }
0x78: {  	_ =	shalt  }
0x79: {  	_ =	shalt  }
0x7a: {  	_ =	shalt  }
0x7b: {  	_ =	shalt  }
0x7c: {  	_ =	shalt  }
0x7d: {  	_ =	shalt  }
0x7e: {  	_ =	shalt  }
0x7f: {  	_ =	shalt  }
0x80: {  	_ =	shalt  }
0x81: {  	_ =	shalt  }
0x82: {  	_ =	shalt  }
0x83: {  	_ =	shalt  }
0x84: {  	_ =	shalt  }
0x85: {  	_ =	shalt  }
0x86: {  	_ =	shalt  }
0x87: {  	_ =	shalt  }
.Lfunc_end0:
.L_simem_size_0:
called_computation.3_lowered:
.L_overlay_start_0:
0x88: {  	s2 =	sld [smem:$0x3FD9]  }
0x89: {  	s3 =	sld [smem:$0x3FFE];
	_ =	sdelay $0x1  }
0x8a: {  	s1 =	srdreg.scid  }
0x8b: {  	s0 =	sand.u32 $0x1, s1  }
0x8c: {  	s16 =	sshll.u32 s0, $0xA;
	s2 =	sadd.s32 s3, s2  }
0x8d: {  	s2 =	sadd.s32 s2, s16  }
0x8e: {  	[smem:$0x3FC0] =	sst s2  }
0x8f: {  	_ = 	snop  }
0x90: {  	(tm) =	ssettm $0x1  }
0x91: {  	s17 =	sld [smem:$0x3FFB];
	_ =	sdelay $0x3  }
0x92: {  	_ =	strace s17  }
0x93: {  	s2 =	sld [smem:$0x3FFC];
	_ =	sdelay $0x3  }
0x94: {  	_ =	strace s2  }
0x95: {  	s2 =	sld [smem:$0x3FFD];
	_ =	sdelay $0x3  }
0x96: {  	_ =	strace s2  }
0x97: {  	_ =	strace $0x8FFFFFFF  }
0x98: {  	s18 =	sld [smem:$0x3FDB];
	_ =	sdelay $0x1  }
0x99: {  	s19 =	simm.s32 $_scs_section_size  }
0x9a: {  	s4 =	simm.s32 $_size__tile_overlayer_lowered;
	s5 =	simm.s32 $_tile_overlayer_lowered  }
0x9b: {  	s22 =	simm.s32 $0x1BFF;
	s21 =	sshll.u32 s5, $0x1;
	s2 =	sadd.s32 s19, s18  }
0x9c: {  	s6 =	simm.s32 $0x0;
	s20 =	sshll.u32 s4, $0x1;
	s4 =	sadd.s32 s21, s2  }
0x9d: {  	[timem:s6], [sflag:s22] =	dma.local [hbm:s4], s20  }
0x9e: {  	_ =	swait.ge [sflag:s22], s20  }
0x9f: {  	s3 =	ssub.s32 $0x0, s20;
	[sflag:s22] =	ssyncset.done $0x0  }
0xa0: {  	[sflag:s22] =	ssyncadd.s32 s3;
	_ =	sdelay $0x1  }
0xa1: {  	s23 =	simm.s32 $0x1B8B  }
0xa2: {  	_ =	swait.ge [sflag:s23], $0x1  }
0xa3: {  	[sflag:s23] =	ssyncset.done $0x0  }
0xa4: {  	s25 =	simm.s32 $0x1B8E;
	s24 =	sld [smem:$0x3FFE];
	[sflag:s23] =	ssyncadd.s32 $0xFFFFFFFF  }
0xa5: {  	s26 =	simm.s32 $execute0_lowered;
	[smem:$0x3FD2] =	sst s25  }
0xa6: {  	s4 =	sshll.u32 s26, $0x1;
	_ =	strace $0x8000004F;
	[dreg:$0x1] =	wrdreg $0xFFFFFFFF  }
0xa7: {  	s28 =	simm.s32 $_size_execute0_lowered;
	s2 =	sadd.s32 s2, s4;
	[dreg:$0x0] =	wrdreg $0x0  }
0xa8: {  	s4 =	sshll.u32 s28, $0x1;
	[dreg:$0x2] =	wrdreg s2  }
0xa9: {  	[dreg:$0x3] =	wrdreg s4  }
0xaa: {  	[dreg:$0x4] =	wrdreg $0xC0  }
0xab: {  	_ =	task [dreg:s6], $0x5FFFF  }
0xac: {  	[dreg:$0x1] =	wrdreg $0xFFFFFFFF  }
0xad: {  	[dreg:$0x0] =	wrdreg $0x60  }
0xae: {  	[dreg:$0x2] =	wrdreg s24  }
0xaf: {  	[dreg:$0x3] =	wrdreg $0xE0000  }
0xb0: {  	[dreg:$0x4] =	wrdreg $0x9  }
0xb1: {  	_ =	task.clear_ibuf [dreg:s6], $0x5FFFF;
	_ =	strace $0x9000004F  }
0xb2: {  	s29 =	simm.s32 $0x9;
	_ =	strace $0x80000051  }
0xb3: {  	_ =	swait.ge [sflag:s29], $0x1  }
0xb4: {  	[sflag:s29] =	ssyncadd.s32 $0xFFFFFFFF  }
0xb5: {  	_ =	strace $0x90000051  }
0xb6: {  	_ =	sfence  }
0xb7: {  	s30 =	sld [smem:$0x0];
	_ =	sdelay $0x2  }
0xb8: {  	s31 =	sshll.u32 s1, $0xD;
	s1 =	sshrl.u32 s1, $0x2  }
0xb9: {  	s3 =	sand.u32 $0x4000, s31;
	s1 =	sadd.s32 s1, s30  }
0xba: {  	s0 =	sor.u32 s3, s0;
	s1 =	sshll.u32 s1, $0x11  }
0xbb: {  	s0 =	sor.u32 s1, s0  }
0xbc: {  	s0 =	sadd.s32 $0x8F2B, s0  }
0xbd: {  	[sflag:s0] =	ssyncadd.remote.s32 $0x1  }
0xbe: {  	_ =	sfence.sel $0xFFFF  }
0xbf: {  	[dreg:$0x0] =	wrdreg $0xFFFFFFFF;
	(pc) =	sbr.abs _section_cstart, $3  }
0xc0: {  	[dreg:$0x1] =	wrdreg $0xFFFFFFFF  }
0xc1: {  	_ =	task.clear_ibuf [dreg:s6], $0x2FFFF;
	_ =	strace $0x9FFFFFFF  }
0xc2: {  	(tm) =	ssettm $0x7FFFFFFF  }
0xc3: {  	_ =	shalt  }
tec
execute0_lowered:
.L_overlay_start_1:
0x0: {  	(tag) =	ssettag $0x1  }
0x1: {  	s0 =	rddreg [dreg:$0x0];
	s1 =	srdreg.scid  }
0x2: {  	s9 =	stileid.u32;
	s2 =	rddreg [dreg:$0x1]  }
0x3: {  	s4 =	simm.s32 $0x0;
	s12 =	simm.s32 $0x1;
	s13 =	simm.s32 $0x2  }
0x4: {  	s14 =	simm.s32 $0x8;
	s15 =	simm.s32 $0x11;
	s17 =	simm.s32 $0x80  }
0x5: {  	s18 =	simm.s32 $0xA000;
	s19 =	simm.s32 $0xA800;
	s28 =	simm.s32 $0xC800  }
0x6: {  	s30 =	simm.s32 $0xD000;
	s31 =	simm.s32 $0xD800;
	s29 =	simm.s32 $0x10  }
0x7: {  	s1 =	sand.u32 $0x1, s1;
	s3 =	sshll.u32 s9, $0x1;
	s5 =	smul.u32 $0x13C00, s9  }
0x8: {  	[smem:$0x7FF] =	sst s4;
	s4 =	sadd.s32 $0x2C400, s0;
	s6 =	smul.u32 $0x13C0, s9  }
0x9: {  	s22 =	smul.u32 $0x9E00, s9;
	s24 =	sshll.u32 s9, $0x6;
	s3 =	sor.u32 s1, s3  }
0xa: {  	_ =	strace $0x80000050;
	s7 =	sshll.u32 s1, $0x4;
	s1 =	ssub.s32 $0x2, s1  }
0xb: {  	s3 =	smul.u32 $0xA00, s3;
	s5 =	sor.u32 s7, s5;
	s6 =	sadd.s32 s6, s0  }
0xc: {  	s8 =	sshrl.u32 s1, $0x1;
	s23 =	sshrl.u32 s22, $0x2;
	s5 =	sshrl.u32 s5, $0x3  }
0xd: {  	s1 =	ssub.s32 s1, s8;
	s6 =	sadd.s32 $0x18800, s6;
	s3 =	sadd.s32 s3, s0  }
0xe: {  	s0 =	sadd.s32 s5, s0;
	s5 =	sadd.s32 s23, s2;
	[dreg:$0x3] =	wrdreg s6  }
0xf: {  	s6 =	sor.u32 $0x1C11, s24;
	s26 =	smax.u32 s1, $0x1;
	s23 =	simm.s32 $0xB800  }
.Ltmp0:
0x10: {  	s1 =	simm.s32 $0x4;
	s24 =	simm.s32 $0xD;
	(pc) =	sbr.rel .LBB2_1-.Ltmp0, $4  }
0x11: {  	s25 =	sadd.s32 $0xA3400, s3;
	s3 =	sadd.s32 $0x4800, s3;
	[dreg:$0x7] =	wrdreg s26  }
0x12: {  	s0 =	sadd.s32 $0x53600, s0;
	s11 =	sshrl.u32 s5, $0x3;
	[dreg:$0x4] =	wrdreg s25  }
0x13: {  	s26 =	simm.s32 $0xF;
	s5 =	simm.s32 $0x0;
	[dreg:$0x5] =	wrdreg s3  }
0x14: {  	[dreg:$0x6] =	wrdreg s0;
	s0 =	simm.s32 $0x6;
	s25 =	simm.s32 $0xE  }
.LBB2_4:
0x15: {  	s3 =	simm.s32 $0x9  }
0x16: {  	_ =	swait.ge [sflag:s3], $0x800  }
0x17: {  	[sflag:s3] =	ssyncset.done $0x0  }
0x18: {  	s10 =	simm.s32 $0xA;
	[sflag:s3] =	ssyncadd.s32 $0xFFFFF800  }
0x19: {  	_ =	swait.ge [sflag:s10], $0x800  }
0x1a: {  	[sflag:s10] =	ssyncset.done $0x0  }
0x1b: {  	s16 =	simm.s32 $0xB;
	[sflag:s10] =	ssyncadd.s32 $0xFFFFF800  }
0x1c: {  	_ =	swait.ge [sflag:s16], $0x800  }
0x1d: {  	[sflag:s16] =	ssyncset.done $0x0  }
0x1e: {  	s20 =	simm.s32 $0xC;
	[sflag:s16] =	ssyncadd.s32 $0xFFFFF800  }
0x1f: {  	_ =	swait.ge [sflag:s20], $0x800  }
0x20: {  	[sflag:s20] =	ssyncset.done $0x0  }
0x21: {  	[sflag:s20] =	ssyncadd.s32 $0xFFFFF800  }
0x22: {  	_ =	swait.ge [sflag:s24], $0x800  }
0x23: {  	[sflag:s24] =	ssyncset.done $0x0  }
0x24: {  	[sflag:s24] =	ssyncadd.s32 $0xFFFFF800  }
0x25: {  	_ =	swait.ge [sflag:s25], $0x800  }
0x26: {  	[sflag:s25] =	ssyncset.done $0x0  }
0x27: {  	[sflag:s25] =	ssyncadd.s32 $0xFFFFF800  }
0x28: {  	_ =	swait.ge [sflag:s26], $0x800  }
0x29: {  	[sflag:s26] =	ssyncset.done $0x0  }
0x2a: {  	[sflag:s26] =	ssyncadd.s32 $0xFFFFF800  }
0x2b: {  	_ =	swait.ge [sflag:s29], $0x800  }
0x2c: {  	[sflag:s29] =	ssyncset.done $0x0  }
0x2d: {  	[sflag:s29] =	ssyncadd.s32 $0xFFFFF800  }
0x2e: {  	[bflag:$0x0] =	sbarrier.arrive $0xFFFF  }
0x2f: {  	s21 =	rddreg [dreg:$0x6]  }
0x30: {  	[hbm:s21@s29], [sflag:s6] =	dma.strided [spmem:s11@s13], $0x4F0, s12, $0x2   }
0x31: {  	_ =	swait.ge [sflag:s15], $0x4F0  }
0x32: {  	s5 =	sadd.s32 $0x1, s5;
	s22 =	rddreg [dreg:$0x7]  }
0x33: {  	p0 =	sne.s32 s5, s22  }
.Ltmp1:
0x34: {  	_ = 	snop;
	(pc) =	sbr.rel @!p0 .LBB2_5-.Ltmp1, $3  }
0x35: {  	_ =	sdelay $0x1  }
0x36: {  	[sflag:s15] =	ssyncset.done $0x0  }
0x37: {  	[sflag:s15] =	ssyncadd.s32 $0xFFFFFB10  }
.LBB2_1:
0x38: {  	s3 =	rddreg [dreg:$0x3]  }
0x39: {  	[spmem:s11@s13], [sflag:s6] =	dma.strided [hbm:s3@s14], $0x4F0, s12, $0x2   }
0x3a: {  	_ =	swait.ge [sflag:s15], $0x4F0  }
0x3b: {  	[sflag:s15] =	ssyncset.done $0x0  }
0x3c: {  	s21 =	simm.s32 $0x0;
	s7 =	rddreg [dreg:$0x4];
	[sflag:s15] =	ssyncadd.s32 $0xFFFFFB10  }
0x3d: {  	[tilespmem:s21], [sflag:$0x11] =	stream.linear.gather [hbm4b:s7+s21], $0x5000, $0x38;
	[tilespmem:$0x10780] =	vst v63  }
0x3e: {  	_ =	swait.ge [sflag:s15], $0x5000  }
0x3f: {  	[sflag:s15] =	ssyncset.done $0x0  }
0x40: {  	s8 =	simm.s32 $0x5000;
	s22 =	rddreg [dreg:$0x5];
	[sflag:s15] =	ssyncadd.s32 $0xFFFFB000  }
0x41: {  	[tilespmem:s8], [sflag:$0x11] =	stream.linear.gather [hbm4b:s22+s21], $0x5000, $0x38;
	[tilespmem:$0x10780] =	vst v63  }
0x42: {  	_ =	swait.ge [sflag:s15], $0x5000  }
0x43: {  	[sflag:s15] =	ssyncset.done $0x0  }
0x44: {  	[sflag:s15] =	ssyncadd.s32 $0xFFFFB000  }
0x45: {  	[bflag:$0x0] =	sbarrier.arrive $0xFFFF  }
0x46: {  	[tilespmem:s18], [sflag:$0x1] =	stream.indirect.gather [hbm4b:s4+s17], $0x10, s21, s17, $0xb8;
	[tilespmem:$0x10780] =	vst v63  }
0x47: {  	_ = 	snop  }
0x48: {  	[tilespmem:s19], [sflag:$0x2] =	stream.indirect.gather [hbm4b:s4+s17], $0x10, s17, s17, $0xb8;
	[tilespmem:$0x10780] =	vst v63  }
0x49: {  	s9 =	simm.s32 $0xB000;
	s8 =	simm.s32 $0x100  }
0x4a: {  	[tilespmem:s9], [sflag:$0x3] =	stream.indirect.gather [hbm4b:s4+s17], $0x10, s8, s17, $0xb8;
	[tilespmem:$0x10780] =	vst v63  }
0x4b: {  	s10 =	simm.s32 $0x180  }
0x4c: {  	[tilespmem:s23], [sflag:$0x4] =	stream.indirect.gather [hbm4b:s4+s17], $0x10, s10, s17, $0xb8;
	[tilespmem:$0x10780] =	vst v63  }
0x4d: {  	s16 =	simm.s32 $0x200;
	s20 =	simm.s32 $0xC000  }
0x4e: {  	[tilespmem:s20], [sflag:$0x5] =	stream.indirect.gather [hbm4b:s4+s17], $0x10, s16, s17, $0xb8;
	[tilespmem:$0x10780] =	vst v63  }
0x4f: {  	s21 =	simm.s32 $0x280  }
0x50: {  	[tilespmem:s28], [sflag:$0x6] =	stream.indirect.gather [hbm4b:s4+s17], $0x10, s21, s17, $0xb8;
	[tilespmem:$0x10780] =	vst v63  }
0x51: {  	s7 =	simm.s32 $0x0;
	s22 =	simm.s32 $0x300  }
0x52: {  	[tilespmem:s30], [sflag:$0x7] =	stream.indirect.gather [hbm4b:s4+s17], $0x10, s22, s17, $0xb8;
	[tilespmem:$0x10780] =	vst v63  }
.LBB2_2:
0x53: {  	_ =	swait.ge [sflag:s12], $0x800  }
0x54: {  	s8 =	sshra.s32 s7, $0x2;
	[sflag:s12] =	ssyncset.done $0x0  }
0x55: {  	p0 =	seq.s32 s7, $0x0;
	s3 =	sadd.s32 $0x5000, s8;
	[sflag:s12] =	ssyncadd.s32 $0xFFFFF800  }
0x56: {  	[spmem:s2] =	stream.indirect.scatter.add.f32 [tilespmem:s18], [sflag:$0x9], $0x10, s3, s17, $0xb8;
	[tilespmem:$0x10780] =	vst v63  }
0x57: {  	s3 =	simm.s32 @!p0 $0x10  }
0x58: {  	_ =	swait.ge @!p0 [sflag:s3], $0x800  }
0x59: {  	[sflag:s3] =	ssyncset.done @!p0 $0x0  }
0x5a: {  	s20 =	sadd.s32 $0x380, s8;
	[sflag:s3] =	ssyncadd.s32 @!p0 $0xFFFFF800  }
0x5b: {  	[tilespmem:s31], [sflag:$0x8] =	stream.indirect.gather [hbm4b:s4+s17], $0x10, s20, s17, $0xb8;
	[tilespmem:$0x10780] =	vst v63  }
0x5c: {  	_ =	swait.ge [sflag:s13], $0x800  }
0x5d: {  	p0 =	seq.s32 s7, $0x13000;
	[sflag:s13] =	ssyncset.done $0x0  }
0x5e: {  	s21 =	sadd.s32 $0x5080, s8;
	s3 =	simm.s32 @p0 $0x3;
	[sflag:s13] =	ssyncadd.s32 $0xFFFFF800  }
0x5f: {  	[spmem:s2] =	stream.indirect.scatter.add.f32 [tilespmem:s19], [sflag:$0xA], $0x10, s21, s17, $0xb8;
	[tilespmem:$0x10780] =	vst v63  }
0x60: {  	_ =	swait.ge @p0 [sflag:s3], $0x800  }
0x61: {  	[sflag:s3] =	ssyncset.done @p0 $0x0  }
0x62: {  	[sflag:s3] =	ssyncadd.s32 @p0 $0xFFFFF800;
	s3 =	sshra.s32 @p0 s7, $0x2  }
0x63: {  	s16 =	simm.s32 @p0 $0x80;
	s10 =	simm.s32 @p0 $0xB000;
	s9 =	sadd.s32 @p0 $0x5100, s3  }
0x64: {  	[spmem:s2] =	stream.indirect.scatter.add.f32 @p0 [tilespmem:s10], [sflag:$0xB], $0x10, s9, s16, $0xb8;
	[tilespmem:$0x10780] =	vst v63  }
0x65: {  	s9 =	simm.s32 @!p0 $0x9  }
0x66: {  	_ =	swait.ge @!p0 [sflag:s9], $0x800  }
0x67: {  	[sflag:s9] =	ssyncset.done @!p0 $0x0  }
0x68: {  	[sflag:s9] =	ssyncadd.s32 @!p0 $0xFFFFF800;
	s9 =	sshra.s32 @!p0 s7, $0x2  }
0x69: {  	s21 =	simm.s32 @!p0 $0xA000;
	s10 =	simm.s32 @!p0 $0x80;
	s20 =	sadd.s32 @!p0 $0x400, s9  }
0x6a: {  	[tilespmem:s21], [sflag:$0x1] =	stream.indirect.gather @!p0 [hbm4b:s4+s10], $0x10, s20, s10, $0xb8;
	[tilespmem:$0x10780] =	vst v63  }
0x6b: {  	s20 =	simm.s32 @!p0 $0x3  }
0x6c: {  	_ =	swait.ge @!p0 [sflag:s20], $0x800  }
0x6d: {  	[sflag:s20] =	ssyncset.done @!p0 $0x0  }
0x6e: {  	s21 =	simm.s32 @!p0 $0xB000;
	[sflag:s20] =	ssyncadd.s32 @!p0 $0xFFFFF800;
	s20 =	sadd.s32 @!p0 $0x5100, s9  }
0x6f: {  	[spmem:s2] =	stream.indirect.scatter.add.f32 @!p0 [tilespmem:s21], [sflag:$0xB], $0x10, s20, s10, $0xb8;
	[tilespmem:$0x10780] =	vst v63  }
0x70: {  	s20 =	simm.s32 @!p0 $0xA  }
0x71: {  	_ =	swait.ge @!p0 [sflag:s20], $0x800  }
0x72: {  	[sflag:s20] =	ssyncset.done @!p0 $0x0  }
0x73: {  	s22 =	simm.s32 @!p0 $0xA800;
	[sflag:s20] =	ssyncadd.s32 @!p0 $0xFFFFF800;
	s20 =	sadd.s32 @!p0 $0x480, s9  }
0x74: {  	[tilespmem:s22], [sflag:$0x2] =	stream.indirect.gather @!p0 [hbm4b:s4+s10], $0x10, s20, s10, $0xb8;
	[tilespmem:$0x10780] =	vst v63  }
0x75: {  	_ =	swait.ge [sflag:s1], $0x800  }
0x76: {  	[sflag:s1] =	ssyncset.done $0x0  }
0x77: {  	s22 =	sadd.s32 $0x5180, s8;
	s20 =	simm.s32 @p0 $0x5;
	[sflag:s1] =	ssyncadd.s32 $0xFFFFF800  }
0x78: {  	[spmem:s2] =	stream.indirect.scatter.add.f32 [tilespmem:s23], [sflag:$0xC], $0x10, s22, s17, $0xb8;
	[tilespmem:$0x10780] =	vst v63  }
0x79: {  	_ =	swait.ge @p0 [sflag:s20], $0x800  }
0x7a: {  	[sflag:s20] =	ssyncset.done @p0 $0x0  }
0x7b: {  	s22 =	simm.s32 @p0 $0xC000;
	[sflag:s20] =	ssyncadd.s32 @p0 $0xFFFFF800;
	s20 =	sadd.s32 @p0 $0x5200, s3  }
0x7c: {  	[spmem:s2] =	stream.indirect.scatter.add.f32 @p0 [tilespmem:s22], [sflag:$0xD], $0x10, s20, s16, $0xb8;
	[tilespmem:$0x10780] =	vst v63  }
0x7d: {  	s20 =	simm.s32 @!p0 $0xB  }
0x7e: {  	_ =	swait.ge @!p0 [sflag:s20], $0x800  }
0x7f: {  	[sflag:s20] =	ssyncset.done @!p0 $0x0  }
0x80: {  	[sflag:s20] =	ssyncadd.s32 @!p0 $0xFFFFF800;
	s20 =	sadd.s32 @!p0 $0x500, s9  }
0x81: {  	[tilespmem:s21], [sflag:$0x3] =	stream.indirect.gather @!p0 [hbm4b:s4+s10], $0x10, s20, s10, $0xb8;
	[tilespmem:$0x10780] =	vst v63  }
0x82: {  	s20 =	simm.s32 @!p0 $0x5  }
0x83: {  	_ =	swait.ge @!p0 [sflag:s20], $0x800  }
0x84: {  	[sflag:s20] =	ssyncset.done @!p0 $0x0  }
0x85: {  	s21 =	simm.s32 @!p0 $0xC000;
	[sflag:s20] =	ssyncadd.s32 @!p0 $0xFFFFF800;
	s20 =	sadd.s32 @!p0 $0x5200, s9  }
0x86: {  	[spmem:s2] =	stream.indirect.scatter.add.f32 @!p0 [tilespmem:s21], [sflag:$0xD], $0x10, s20, s10, $0xb8;
	[tilespmem:$0x10780] =	vst v63  }
0x87: {  	s20 =	simm.s32 @!p0 $0xC  }
0x88: {  	_ =	swait.ge @!p0 [sflag:s20], $0x800  }
0x89: {  	[sflag:s20] =	ssyncset.done @!p0 $0x0  }
0x8a: {  	s22 =	simm.s32 @!p0 $0xB800;
	[sflag:s20] =	ssyncadd.s32 @!p0 $0xFFFFF800;
	s20 =	sadd.s32 @!p0 $0x580, s9  }
0x8b: {  	[tilespmem:s22], [sflag:$0x4] =	stream.indirect.gather @!p0 [hbm4b:s4+s10], $0x10, s20, s10, $0xb8;
	[tilespmem:$0x10780] =	vst v63  }
0x8c: {  	_ =	swait.ge [sflag:s0], $0x800  }
0x8d: {  	[sflag:s0] =	ssyncset.done $0x0  }
0x8e: {  	s22 =	sadd.s32 $0x5280, s8;
	s20 =	simm.s32 @p0 $0x7;
	[sflag:s0] =	ssyncadd.s32 $0xFFFFF800  }
0x8f: {  	[spmem:s2] =	stream.indirect.scatter.add.f32 [tilespmem:s28], [sflag:$0xE], $0x10, s22, s17, $0xb8;
	[tilespmem:$0x10780] =	vst v63  }
0x90: {  	_ =	swait.ge @p0 [sflag:s20], $0x800  }
0x91: {  	[sflag:s20] =	ssyncset.done @p0 $0x0  }
0x92: {  	s3 =	sadd.s32 @p0 $0x5300, s3;
	[sflag:s20] =	ssyncadd.s32 @p0 $0xFFFFF800;
	s20 =	simm.s32 @p0 $0xD000  }
0x93: {  	[spmem:s2] =	stream.indirect.scatter.add.f32 @p0 [tilespmem:s20], [sflag:$0xF], $0x10, s3, s16, $0xb8;
	[tilespmem:$0x10780] =	vst v63  }
0x94: {  	s3 =	simm.s32 @!p0 $0xD  }
0x95: {  	_ =	swait.ge @!p0 [sflag:s3], $0x800  }
0x96: {  	[sflag:s3] =	ssyncset.done @!p0 $0x0  }
0x97: {  	[sflag:s3] =	ssyncadd.s32 @!p0 $0xFFFFF800;
	s3 =	sadd.s32 @!p0 $0x600, s9  }
0x98: {  	[tilespmem:s21], [sflag:$0x5] =	stream.indirect.gather @!p0 [hbm4b:s4+s10], $0x10, s3, s10, $0xb8;
	[tilespmem:$0x10780] =	vst v63  }
0x99: {  	s3 =	simm.s32 @!p0 $0x7  }
0x9a: {  	_ =	swait.ge @!p0 [sflag:s3], $0x800  }
0x9b: {  	[sflag:s3] =	ssyncset.done @!p0 $0x0  }
0x9c: {  	s16 =	simm.s32 @!p0 $0xD000;
	[sflag:s3] =	ssyncadd.s32 @!p0 $0xFFFFF800;
	s3 =	sadd.s32 @!p0 $0x5300, s9  }
0x9d: {  	[spmem:s2] =	stream.indirect.scatter.add.f32 @!p0 [tilespmem:s16], [sflag:$0xF], $0x10, s3, s10, $0xb8;
	[tilespmem:$0x10780] =	vst v63  }
0x9e: {  	s3 =	simm.s32 @!p0 $0xE  }
0x9f: {  	_ =	swait.ge @!p0 [sflag:s3], $0x800  }
0xa0: {  	[sflag:s3] =	ssyncset.done @!p0 $0x0  }
0xa1: {  	[sflag:s3] =	ssyncadd.s32 @!p0 $0xFFFFF800;
	s3 =	sadd.s32 @!p0 $0x680, s9;
	s9 =	simm.s32 @!p0 $0xC800  }
0xa2: {  	[tilespmem:s9], [sflag:$0x6] =	stream.indirect.gather @!p0 [hbm4b:s4+s10], $0x10, s3, s10, $0xb8;
	[tilespmem:$0x10780] =	vst v63  }
.Ltmp2:
0xa3: {  	_ = 	snop;
	(pc) =	sbr.rel @p0 .LBB2_4-.Ltmp2, $4  }
0xa4: {  	_ =	swait.ge [sflag:s14], $0x800  }
0xa5: {  	[sflag:s14] =	ssyncset.done $0x0  }
0xa6: {  	s22 =	sadd.s32 $0x5380, s8;
	[sflag:s14] =	ssyncadd.s32 $0xFFFFF800  }
0xa7: {  	[spmem:s2] =	stream.indirect.scatter.add.f32 [tilespmem:s31], [sflag:$0x10], $0x10, s22, s17, $0xb8;
	[tilespmem:$0x10780] =	vst v63  }
.Ltmp3:
0xa8: {  	(pc) =	sbr.rel .LBB2_2-.Ltmp3, $4  }
0xa9: {  	_ =	swait.ge [sflag:s26], $0x800  }
0xaa: {  	[sflag:s26] =	ssyncset.done $0x0  }
0xab: {  	s3 =	sadd.s32 $0x700, s8;
	s7 =	sadd.s32 $0x1000, s7;
	[sflag:s26] =	ssyncadd.s32 $0xFFFFF800  }
0xac: {  	[tilespmem:s30], [sflag:$0x7] =	stream.indirect.gather [hbm4b:s4+s17], $0x10, s3, s17, $0xb8;
	[tilespmem:$0x10780] =	vst v63  }
.LBB2_5:
0xad: {  	_ =	sfence.sel $0x180000  }
0xae: {  	[bflag:$0x0] =	sbarrier.arrive $0xFFFF  }
0xaf: {  	_ =	strace $0x90000050  }
0xb0: {  	s0 =	stileid.u32;
	[bflag:$0x2] =	sbarrier.arrive $0xFFFF  }
0xb1: {  	p0 =	sne.s32 s0, $0x0;
	s0 =	rddreg [dreg:$0x2]  }
0xb2: {  	s0 =	sadd.s32 @!p0 $0x100000, s0  }
0xb3: {  	[sflag:s0] =	ssyncadd.tile.s32 @!p0 $0x1;
	_ =	shalt  }
.Lfunc_end2:
_tile_overlayer_lowered:
.L_overlay_start_2:
0xb4: {  	(tag) =	ssettag $0x2  }
0xb5: {  	s0 =	rddreg [dreg:$0x0];
	s2 =	stileid.u32  }
0xb6: {  	s1 =	rddreg [dreg:$0x1];
	p0 =	sne.s32 s2, $0x0  }
0xb7: {  	s3 =	rddreg [dreg:$0x2];
	[bflag:$0x3] =	sbarrier.arrive $0xFFFF;
	s2 =	simm.s32 @!p0 $0x1C11  }
0xb8: {  	[timem:s3], [sflag:s2] =	dma.local @!p0 [hbm:s0], s1  }
0xb9: {  	s0 =	simm.s32 @!p0 $0x11  }
0xba: {  	_ =	swait.ge @!p0 [sflag:s0], s1  }
0xbb: {  	s1 =	ssub.s32 @!p0 $0x0, s1;
	[sflag:s0] =	ssyncset.done @!p0 $0x0  }
0xbc: {  	[sflag:s0] =	ssyncadd.s32 @!p0 s1  }
0xbd: {  	[bflag:$0x3] =	sbarrier.arrive $0xFFFF  }
0xbe: {  	_ =	shalt  }

</sc_bundles>
